<compile_context>
chip_gen: v7x
topology: tpu7x:2x2x1
jax: 0.10.2.dev20260603
libtpu: 0.0.44.dev20260713+nightly
codegen_flags: <defaults>
</compile_context>

<pallas_src>
import functools

import jax
import jax.numpy as jnp
from jax import lax
from jax.experimental import pallas as pl
from jax.experimental.pallas import tpu as pltpu
from jax.experimental.pallas import tpu_sc as plsc

NC = 2
NS = 16
NL = 16
NW = NC * NS

CHUNK = 128


NBUF = 2

CORE_CHUNKS = (76, 56)


def _spmm_sc_kernel(cout, xt_hbm, cols_hbm, rows_hbm, vals_hbm,
                    out_hbm, cols_v, rows_v, vals_v, g_bufs, accum,
                    sem_g, sem_s):
    c = lax.axis_index("c")
    s = lax.axis_index("s")
    wid = c * NS + s
    n_chunks = jnp.where(c == 0, CORE_CHUNKS[0], CORE_CHUNKS[1])
    g_a = g_bufs[0]
    b = g_a.shape[1]

    zero16 = jnp.zeros((NL,), jnp.float32)

    def _zrow(i, _):
        for q in range(b // NL):
            g_a[i, pl.ds(q * NL, NL)] = zero16
        return 0
    lax.fori_loop(0, CHUNK, _zrow, 0)

    rows_per_tile = cout // NS
    for k in range(rows_per_tile // CHUNK):
        pltpu.sync_copy(g_a, accum.at[pl.ds(s * rows_per_tile + k * CHUNK, CHUNK)])
    plsc.subcore_barrier()

    pltpu.sync_copy(cols_hbm.at[wid], cols_v)
    pltpu.sync_copy(rows_hbm.at[wid], rows_v)
    pltpu.sync_copy(vals_hbm.at[wid], vals_v)

    def _gather(ch, g, sem):
        pltpu.async_copy(xt_hbm.at[cols_v.at[ch]], g, sem)

    def _gather_wait(ch, g, sem):
        pltpu.make_async_copy(xt_hbm.at[cols_v.at[ch]], g, sem).wait()

    def _scatter(ch, g, sem):
        pltpu.async_copy(g, accum.at[rows_v.at[ch]], sem, add=True)

    def _scatter_wait(ch, g, sem):
        pltpu.make_async_copy(g, accum.at[rows_v.at[ch]], sem).wait()

    def _scale(ch, g):
        base16 = jnp.full((NL,), ch * CHUNK, jnp.int32)

        unroll = 8

        def _body(jo, _):
            j0 = jo * unroll
            for u in range(unroll):
                v16 = plsc.load_gather(vals_v, [base16 + (j0 + u)])
                for q in range(b // NL):
                    g[j0 + u, pl.ds(q * NL, NL)] = (
                        g[j0 + u, pl.ds(q * NL, NL)] * v16)
            return 0
        lax.fori_loop(0, CHUNK // unroll, _body, 0)

    for u in range(NBUF):
        _gather(u, g_bufs[u], sem_g[u])
    last = n_chunks - 1

    def _chunk_body(i, _):
        base = NBUF * i
        for u in range(NBUF):
            ch = base + u
            _gather_wait(ch, g_bufs[u], sem_g[u])
            _scale(ch, g_bufs[u])
            _scatter(ch, g_bufs[u], sem_s[u])
        for u in range(NBUF):
            ch = base + u
            _scatter_wait(ch, g_bufs[u], sem_s[u])
            _gather(jnp.minimum(ch + NBUF, last), g_bufs[u], sem_g[u])
        return 0

    lax.fori_loop(0, n_chunks // NBUF, _chunk_body, 0)
    for u in range(NBUF):
        _gather_wait(last, g_bufs[u], sem_g[u])
    plsc.subcore_barrier()

    pltpu.sync_copy(accum.at[pl.ds(s * rows_per_tile, rows_per_tile)],
                    out_hbm.at[c].at[pl.ds(s * rows_per_tile, rows_per_tile)])


def _merge_body(p_ref, o_ref):
    o_ref[...] = (p_ref[0] + p_ref[1]).T


@jax.jit
def kernel(x, values, indices_float):
    b, cin = x.shape
    nnz = values.shape[0]
    cout = cin

    idx = jnp.round(indices_float).astype(jnp.int32)
    rows, cols = idx[0], idx[1]
    xt = x.T

    c0, c1 = CORE_CHUNKS
    n_chunks = max(c0, c1)
    split = NS * c0 * CHUNK
    total = NS * (c0 + c1) * CHUNK
    assert total >= nnz

    def _shard(a):
        a = jnp.pad(a, (0, total - nnz))
        p0 = jnp.pad(a[:split].reshape(NS, c0, CHUNK),
                     ((0, 0), (0, n_chunks - c0), (0, 0)))
        p1 = jnp.pad(a[split:].reshape(NS, c1, CHUNK),
                     ((0, 0), (0, n_chunks - c1), (0, 0)))
        return jnp.concatenate([p0, p1], axis=0)

    rows_p = _shard(rows)
    cols_p = _shard(cols)
    vals_p = _shard(values).reshape(NW, n_chunks * CHUNK)

    spmm = functools.partial(
        pl.kernel,
        out_type=jax.ShapeDtypeStruct((NC, cout, b), jnp.float32),
        mesh=plsc.VectorSubcoreMesh(core_axis_name="c", subcore_axis_name="s"),
        scratch_types=[
            pltpu.VMEM((n_chunks, CHUNK), jnp.int32),
            pltpu.VMEM((n_chunks, CHUNK), jnp.int32),
            pltpu.VMEM((n_chunks * CHUNK,), jnp.float32),
            [pltpu.VMEM((CHUNK, b), jnp.float32)] * NBUF,
            pltpu.VMEM_SHARED((cout, b), jnp.float32),
            [pltpu.SemaphoreType.DMA] * NBUF,
            [pltpu.SemaphoreType.DMA] * NBUF,
        ],
        compiler_params=pltpu.CompilerParams(needs_layout_passes=False,
                                             use_tc_tiling_on_sc=False),
    )(functools.partial(_spmm_sc_kernel, cout))

    partials = spmm(xt, cols_p, rows_p, vals_p)

    n_blk = 8
    return pl.pallas_call(
        _merge_body,
        out_shape=jax.ShapeDtypeStruct((b, cout), jnp.float32),
        grid=(n_blk,),
        in_specs=[pl.BlockSpec((NC, cout // n_blk, b), lambda i: (0, i, 0))],
        out_specs=pl.BlockSpec((b, cout // n_blk), lambda i: (0, i)),
    )(partials)

# --- scband reference (transcript-rebuilt; emitter-appended) ---
"""Pipeline reference for scband-sparse-matrix-layer-52518860095721 (READ-ONLY COPY).

The authoritative reference and input builder live on the scoring server;
editing this copy changes nothing except your own understanding.
"""

import jax, jax.numpy as jnp
import numpy as np

CIN = 16384
COUT = 16384
NNZ = 268435
B = 64


def setup_inputs(seed: int = 0) -> dict:
    key = jax.random.key(seed)
    k1, k2, k3 = jax.random.split(key, 3)
    # indices buffer stored as float (per module), values are the learned parameter
    indices_float = jax.random.randint(k1, (2, NNZ), 0, CIN).astype(jnp.float32)
    values = jax.random.normal(k2, (NNZ,), dtype=jnp.float32) * 0.02
    x = jax.random.normal(k3, (B, CIN), dtype=jnp.float32)
    return {"x": x, "values": values, "indices_float": indices_float}


def reference(x, values, indices_float):
    # SparseMatrixLayer.forward for 2D input:
    # sparse matrix is (cout, cin) COO; out = (A @ x.T).T  -> [B, cout]
    idx = jnp.round(indices_float).astype(jnp.int32)
    rows = idx[0]  # output-row indices, in [0, COUT)
    cols = idx[1]  # input-col indices, in [0, CIN)
    # gather input columns, scale by nnz values: [B, NNZ]
    gathered = x[:, cols] * values[None, :]
    # scatter-add into output rows (coalesce semantics: duplicates sum)
    out = jnp.zeros((x.shape[0], COUT), dtype=x.dtype).at[:, rows].add(gathered)
    return out

if __name__ == "__main__":
    import jax
    _d = setup_inputs()
    print(jax.jit(kernel)(*tuple(_d.values())))

</pallas_src>

<mosaic_0001>
#map = affine_map<(d0, d1) -> (0, 0)>
#map1 = affine_map<(d0, d1) -> (0, 0, 0)>
module attributes {stable_mosaic.version = 14 : i64} {
  func.func @_spmm_sc_kernel(%arg0: i32, %arg1: i32, %arg2: memref<16384x64xf32, #tpu.memory_space<hbm>>, %arg3: memref<32x76x128xi32, #tpu.memory_space<hbm>>, %arg4: memref<32x76x128xi32, #tpu.memory_space<hbm>>, %arg5: memref<32x9728xf32, #tpu.memory_space<hbm>>, %arg6: memref<2x16384x64xf32, #tpu.memory_space<hbm>>, %arg7: memref<76x128xi32, #tpu.memory_space<vmem>>, %arg8: memref<76x128xi32, #tpu.memory_space<vmem>>, %arg9: memref<9728xf32, #tpu.memory_space<vmem>>, %arg10: memref<128x64xf32, #tpu.memory_space<vmem>>, %arg11: memref<128x64xf32, #tpu.memory_space<vmem>>, %arg12: memref<16384x64xf32, #tpu.memory_space<vmem_shared>>, %arg13: memref<!tpu.dma_semaphore, #tpu.memory_space<semaphore_mem>>, %arg14: memref<!tpu.dma_semaphore, #tpu.memory_space<semaphore_mem>>, %arg15: memref<!tpu.dma_semaphore, #tpu.memory_space<semaphore_mem>>, %arg16: memref<!tpu.dma_semaphore, #tpu.memory_space<semaphore_mem>>) attributes {dimension_semantics = [#tpu.dimension_semantics<core_parallel>, #tpu.dimension_semantics<subcore_parallel>], iteration_bounds = array<i64: 2, 16>, scalar_prefetch = 0 : i64, scratch_operands = 10 : i64, tpu.core_type = #tpu.core_type<sc_vector_subcore>, window_params = [{transform_indices = #map}, {transform_indices = #map1}, {transform_indices = #map1}, {transform_indices = #map}, {transform_indices = #map1}]} {
    %mul3A = arith.constant 16 : i32
    %mul3A_0 = arith.muli %arg0, %mul3A : i32
    %add3A = arith.addi %mul3A_0, %arg1 : i32
    %eq3A = arith.constant 0 : i32
    %eq3A_1 = arith.cmpi eq, %arg0, %eq3A : i32
    %jit3A = arith.constant 76 : i32
    %jit3A_2 = arith.constant 56 : i32
    %select_n3A = arith.select %eq3A_1, %jit3A, %jit3A_2 : i32
    %broadcast_in_dim3A = arith.constant 0.000000e+00 : f32
    %broadcast_in_dim3A_3 = vector.broadcast %broadcast_in_dim3A : f32 to vector<16xf32>
    %scan3A = arith.constant 0 : i32
    %scan3A_4 = arith.constant 0 : i32
    %scan3A_5 = arith.constant 128 : i32
    %scan3A_6 = arith.addi %scan3A_4, %scan3A_5 : i32
    %scan3A_7 = arith.constant 1 : i32
    %scan3A_8 = scf.for %scan3A_102 = %scan3A_4 to %scan3A_6 step %scan3A_7 iter_args(%scan3A_103 = %scan3A) -> (i32)  : i32 {
      %swap3A = arith.index_cast %scan3A_102 : i32 to index
      %swap3A_104 = arith.constant 0 : index
      %swap3A_105 = tpu.vector_load %arg10[%swap3A, %swap3A_104] {strides = array<i32>} : memref<128x64xf32, #tpu.memory_space<vmem>>, vector<16xf32>,
      tpu.vector_store %arg10[%swap3A, %swap3A_104], %broadcast_in_dim3A_3 {strides = array<i32>} : memref<128x64xf32, #tpu.memory_space<vmem>>, vector<16xf32>,
      %swap3A_106 = arith.index_cast %scan3A_102 : i32 to index
      %swap3A_107 = arith.constant 16 : index
      %swap3A_108 = tpu.vector_load %arg10[%swap3A_106, %swap3A_107] {strides = array<i32>} : memref<128x64xf32, #tpu.memory_space<vmem>>, vector<16xf32>,
      tpu.vector_store %arg10[%swap3A_106, %swap3A_107], %broadcast_in_dim3A_3 {strides = array<i32>} : memref<128x64xf32, #tpu.memory_space<vmem>>, vector<16xf32>,
      %swap3A_109 = arith.index_cast %scan3A_102 : i32 to index
      %swap3A_110 = arith.constant 32 : index
      %swap3A_111 = tpu.vector_load %arg10[%swap3A_109, %swap3A_110] {strides = array<i32>} : memref<128x64xf32, #tpu.memory_space<vmem>>, vector<16xf32>,
      tpu.vector_store %arg10[%swap3A_109, %swap3A_110], %broadcast_in_dim3A_3 {strides = array<i32>} : memref<128x64xf32, #tpu.memory_space<vmem>>, vector<16xf32>,
      %swap3A_112 = arith.index_cast %scan3A_102 : i32 to index
      %swap3A_113 = arith.constant 48 : index
      %swap3A_114 = tpu.vector_load %arg10[%swap3A_112, %swap3A_113] {strides = array<i32>} : memref<128x64xf32, #tpu.memory_space<vmem>>, vector<16xf32>,
      tpu.vector_store %arg10[%swap3A_112, %swap3A_113], %broadcast_in_dim3A_3 {strides = array<i32>} : memref<128x64xf32, #tpu.memory_space<vmem>>, vector<16xf32>,
      %scan3A_115 = arith.constant 0 : i32
      scf.yield %scan3A_115 : i32
    }
    %scan3A_9 = arith.constant 128 : i32
    %mul3A_10 = arith.constant 1024 : i32
    %mul3A_11 = arith.muli %arg1, %mul3A_10 : i32
    %add3A_12 = arith.constant 0 : i32
    %add3A_13 = arith.addi %mul3A_11, %add3A_12 : i32
    "tpu.region"() ({
      %run_scoped3A = tpu.sem_alloc : memref<!tpu.dma_semaphore, #tpu.memory_space<semaphore_mem>>
      %dma_start3A_102 = arith.constant 0 : i32
      %dma_start3A_103 = tpu.memref_slice %arg12[%add3A_13, %dma_start3A_102] : memref<16384x64xf32, #tpu.memory_space<vmem_shared>> -> memref<128x64xf32, #tpu.memory_space<vmem_shared>>
      %dma_start3A_104 = arith.constant 0 : i32
      %dma_start3A_105 = tpu.memref_slice %arg12[%add3A_13, %dma_start3A_104] : memref<16384x64xf32, #tpu.memory_space<vmem_shared>> -> memref<128x64xf32, #tpu.memory_space<vmem_shared>>
      tpu.enqueue_dma source(%arg10 : memref<128x64xf32, #tpu.memory_space<vmem>>) target(%dma_start3A_105 : memref<128x64xf32, #tpu.memory_space<vmem_shared>>) target_semaphore(%run_scoped3A : memref<!tpu.dma_semaphore, #tpu.memory_space<semaphore_mem>>)
      %dma_wait3A_106 = arith.constant 0 : i32
      %dma_wait3A_107 = tpu.memref_slice %arg12[%add3A_13, %dma_wait3A_106] : memref<16384x64xf32, #tpu.memory_space<vmem_shared>> -> memref<128x64xf32, #tpu.memory_space<vmem_shared>>
      %dma_wait3A_108 = arith.constant 0 : i32
      %dma_wait3A_109 = tpu.memref_slice %arg12[%add3A_13, %dma_wait3A_108] : memref<16384x64xf32, #tpu.memory_space<vmem_shared>> -> memref<128x64xf32, #tpu.memory_space<vmem_shared>>
      tpu.wait_dma2 semaphore(%run_scoped3A : memref<!tpu.dma_semaphore, #tpu.memory_space<semaphore_mem>>) src(%arg10 : memref<128x64xf32, #tpu.memory_space<vmem>>) dst(%dma_wait3A_109 : memref<128x64xf32, #tpu.memory_space<vmem_shared>>)
      tpu.yield
    }) : () -> ()
    %mul3A_14 = arith.constant 1024 : i32
    %mul3A_15 = arith.muli %arg1, %mul3A_14 : i32
    %add3A_16 = arith.constant 128 : i32
    %add3A_17 = arith.addi %mul3A_15, %add3A_16 : i32
    "tpu.region"() ({
      %run_scoped3A = tpu.sem_alloc : memref<!tpu.dma_semaphore, #tpu.memory_space<semaphore_mem>>
      %dma_start3A_102 = arith.constant 0 : i32
      %dma_start3A_103 = tpu.memref_slice %arg12[%add3A_17, %dma_start3A_102] : memref<16384x64xf32, #tpu.memory_space<vmem_shared>> -> memref<128x64xf32, #tpu.memory_space<vmem_shared>>
      %dma_start3A_104 = arith.constant 0 : i32
      %dma_start3A_105 = tpu.memref_slice %arg12[%add3A_17, %dma_start3A_104] : memref<16384x64xf32, #tpu.memory_space<vmem_shared>> -> memref<128x64xf32, #tpu.memory_space<vmem_shared>>
      tpu.enqueue_dma source(%arg10 : memref<128x64xf32, #tpu.memory_space<vmem>>) target(%dma_start3A_105 : memref<128x64xf32, #tpu.memory_space<vmem_shared>>) target_semaphore(%run_scoped3A : memref<!tpu.dma_semaphore, #tpu.memory_space<semaphore_mem>>)
      %dma_wait3A_106 = arith.constant 0 : i32
      %dma_wait3A_107 = tpu.memref_slice %arg12[%add3A_17, %dma_wait3A_106] : memref<16384x64xf32, #tpu.memory_space<vmem_shared>> -> memref<128x64xf32, #tpu.memory_space<vmem_shared>>
      %dma_wait3A_108 = arith.constant 0 : i32
      %dma_wait3A_109 = tpu.memref_slice %arg12[%add3A_17, %dma_wait3A_108] : memref<16384x64xf32, #tpu.memory_space<vmem_shared>> -> memref<128x64xf32, #tpu.memory_space<vmem_shared>>
      tpu.wait_dma2 semaphore(%run_scoped3A : memref<!tpu.dma_semaphore, #tpu.memory_space<semaphore_mem>>) src(%arg10 : memref<128x64xf32, #tpu.memory_space<vmem>>) dst(%dma_wait3A_109 : memref<128x64xf32, #tpu.memory_space<vmem_shared>>)
      tpu.yield
    }) : () -> ()
    %mul3A_18 = arith.constant 1024 : i32
    %mul3A_19 = arith.muli %arg1, %mul3A_18 : i32
    %add3A_20 = arith.constant 256 : i32
    %add3A_21 = arith.addi %mul3A_19, %add3A_20 : i32
    "tpu.region"() ({
      %run_scoped3A = tpu.sem_alloc : memref<!tpu.dma_semaphore, #tpu.memory_space<semaphore_mem>>
      %dma_start3A_102 = arith.constant 0 : i32
      %dma_start3A_103 = tpu.memref_slice %arg12[%add3A_21, %dma_start3A_102] : memref<16384x64xf32, #tpu.memory_space<vmem_shared>> -> memref<128x64xf32, #tpu.memory_space<vmem_shared>>
      %dma_start3A_104 = arith.constant 0 : i32
      %dma_start3A_105 = tpu.memref_slice %arg12[%add3A_21, %dma_start3A_104] : memref<16384x64xf32, #tpu.memory_space<vmem_shared>> -> memref<128x64xf32, #tpu.memory_space<vmem_shared>>
      tpu.enqueue_dma source(%arg10 : memref<128x64xf32, #tpu.memory_space<vmem>>) target(%dma_start3A_105 : memref<128x64xf32, #tpu.memory_space<vmem_shared>>) target_semaphore(%run_scoped3A : memref<!tpu.dma_semaphore, #tpu.memory_space<semaphore_mem>>)
      %dma_wait3A_106 = arith.constant 0 : i32
      %dma_wait3A_107 = tpu.memref_slice %arg12[%add3A_21, %dma_wait3A_106] : memref<16384x64xf32, #tpu.memory_space<vmem_shared>> -> memref<128x64xf32, #tpu.memory_space<vmem_shared>>
      %dma_wait3A_108 = arith.constant 0 : i32
      %dma_wait3A_109 = tpu.memref_slice %arg12[%add3A_21, %dma_wait3A_108] : memref<16384x64xf32, #tpu.memory_space<vmem_shared>> -> memref<128x64xf32, #tpu.memory_space<vmem_shared>>
      tpu.wait_dma2 semaphore(%run_scoped3A : memref<!tpu.dma_semaphore, #tpu.memory_space<semaphore_mem>>) src(%arg10 : memref<128x64xf32, #tpu.memory_space<vmem>>) dst(%dma_wait3A_109 : memref<128x64xf32, #tpu.memory_space<vmem_shared>>)
      tpu.yield
    }) : () -> ()
    %mul3A_22 = arith.constant 1024 : i32
    %mul3A_23 = arith.muli %arg1, %mul3A_22 : i32
    %add3A_24 = arith.constant 384 : i32
    %add3A_25 = arith.addi %mul3A_23, %add3A_24 : i32
    "tpu.region"() ({
      %run_scoped3A = tpu.sem_alloc : memref<!tpu.dma_semaphore, #tpu.memory_space<semaphore_mem>>
      %dma_start3A_102 = arith.constant 0 : i32
      %dma_start3A_103 = tpu.memref_slice %arg12[%add3A_25, %dma_start3A_102] : memref<16384x64xf32, #tpu.memory_space<vmem_shared>> -> memref<128x64xf32, #tpu.memory_space<vmem_shared>>
      %dma_start3A_104 = arith.constant 0 : i32
      %dma_start3A_105 = tpu.memref_slice %arg12[%add3A_25, %dma_start3A_104] : memref<16384x64xf32, #tpu.memory_space<vmem_shared>> -> memref<128x64xf32, #tpu.memory_space<vmem_shared>>
      tpu.enqueue_dma source(%arg10 : memref<128x64xf32, #tpu.memory_space<vmem>>) target(%dma_start3A_105 : memref<128x64xf32, #tpu.memory_space<vmem_shared>>) target_semaphore(%run_scoped3A : memref<!tpu.dma_semaphore, #tpu.memory_space<semaphore_mem>>)
      %dma_wait3A_106 = arith.constant 0 : i32
      %dma_wait3A_107 = tpu.memref_slice %arg12[%add3A_25, %dma_wait3A_106] : memref<16384x64xf32, #tpu.memory_space<vmem_shared>> -> memref<128x64xf32, #tpu.memory_space<vmem_shared>>
      %dma_wait3A_108 = arith.constant 0 : i32
      %dma_wait3A_109 = tpu.memref_slice %arg12[%add3A_25, %dma_wait3A_108] : memref<16384x64xf32, #tpu.memory_space<vmem_shared>> -> memref<128x64xf32, #tpu.memory_space<vmem_shared>>
      tpu.wait_dma2 semaphore(%run_scoped3A : memref<!tpu.dma_semaphore, #tpu.memory_space<semaphore_mem>>) src(%arg10 : memref<128x64xf32, #tpu.memory_space<vmem>>) dst(%dma_wait3A_109 : memref<128x64xf32, #tpu.memory_space<vmem_shared>>)
      tpu.yield
    }) : () -> ()
    %mul3A_26 = arith.constant 1024 : i32
    %mul3A_27 = arith.muli %arg1, %mul3A_26 : i32
    %add3A_28 = arith.constant 512 : i32
    %add3A_29 = arith.addi %mul3A_27, %add3A_28 : i32
    "tpu.region"() ({
      %run_scoped3A = tpu.sem_alloc : memref<!tpu.dma_semaphore, #tpu.memory_space<semaphore_mem>>
      %dma_start3A_102 = arith.constant 0 : i32
      %dma_start3A_103 = tpu.memref_slice %arg12[%add3A_29, %dma_start3A_102] : memref<16384x64xf32, #tpu.memory_space<vmem_shared>> -> memref<128x64xf32, #tpu.memory_space<vmem_shared>>
      %dma_start3A_104 = arith.constant 0 : i32
      %dma_start3A_105 = tpu.memref_slice %arg12[%add3A_29, %dma_start3A_104] : memref<16384x64xf32, #tpu.memory_space<vmem_shared>> -> memref<128x64xf32, #tpu.memory_space<vmem_shared>>
      tpu.enqueue_dma source(%arg10 : memref<128x64xf32, #tpu.memory_space<vmem>>) target(%dma_start3A_105 : memref<128x64xf32, #tpu.memory_space<vmem_shared>>) target_semaphore(%run_scoped3A : memref<!tpu.dma_semaphore, #tpu.memory_space<semaphore_mem>>)
      %dma_wait3A_106 = arith.constant 0 : i32
      %dma_wait3A_107 = tpu.memref_slice %arg12[%add3A_29, %dma_wait3A_106] : memref<16384x64xf32, #tpu.memory_space<vmem_shared>> -> memref<128x64xf32, #tpu.memory_space<vmem_shared>>
      %dma_wait3A_108 = arith.constant 0 : i32
      %dma_wait3A_109 = tpu.memref_slice %arg12[%add3A_29, %dma_wait3A_108] : memref<16384x64xf32, #tpu.memory_space<vmem_shared>> -> memref<128x64xf32, #tpu.memory_space<vmem_shared>>
      tpu.wait_dma2 semaphore(%run_scoped3A : memref<!tpu.dma_semaphore, #tpu.memory_space<semaphore_mem>>) src(%arg10 : memref<128x64xf32, #tpu.memory_space<vmem>>) dst(%dma_wait3A_109 : memref<128x64xf32, #tpu.memory_space<vmem_shared>>)
      tpu.yield
    }) : () -> ()
    %mul3A_30 = arith.constant 1024 : i32
    %mul3A_31 = arith.muli %arg1, %mul3A_30 : i32
    %add3A_32 = arith.constant 640 : i32
    %add3A_33 = arith.addi %mul3A_31, %add3A_32 : i32
    "tpu.region"() ({
      %run_scoped3A = tpu.sem_alloc : memref<!tpu.dma_semaphore, #tpu.memory_space<semaphore_mem>>
      %dma_start3A_102 = arith.constant 0 : i32
      %dma_start3A_103 = tpu.memref_slice %arg12[%add3A_33, %dma_start3A_102] : memref<16384x64xf32, #tpu.memory_space<vmem_shared>> -> memref<128x64xf32, #tpu.memory_space<vmem_shared>>
      %dma_start3A_104 = arith.constant 0 : i32
      %dma_start3A_105 = tpu.memref_slice %arg12[%add3A_33, %dma_start3A_104] : memref<16384x64xf32, #tpu.memory_space<vmem_shared>> -> memref<128x64xf32, #tpu.memory_space<vmem_shared>>
      tpu.enqueue_dma source(%arg10 : memref<128x64xf32, #tpu.memory_space<vmem>>) target(%dma_start3A_105 : memref<128x64xf32, #tpu.memory_space<vmem_shared>>) target_semaphore(%run_scoped3A : memref<!tpu.dma_semaphore, #tpu.memory_space<semaphore_mem>>)
      %dma_wait3A_106 = arith.constant 0 : i32
      %dma_wait3A_107 = tpu.memref_slice %arg12[%add3A_33, %dma_wait3A_106] : memref<16384x64xf32, #tpu.memory_space<vmem_shared>> -> memref<128x64xf32, #tpu.memory_space<vmem_shared>>
      %dma_wait3A_108 = arith.constant 0 : i32
      %dma_wait3A_109 = tpu.memref_slice %arg12[%add3A_33, %dma_wait3A_108] : memref<16384x64xf32, #tpu.memory_space<vmem_shared>> -> memref<128x64xf32, #tpu.memory_space<vmem_shared>>
      tpu.wait_dma2 semaphore(%run_scoped3A : memref<!tpu.dma_semaphore, #tpu.memory_space<semaphore_mem>>) src(%arg10 : memref<128x64xf32, #tpu.memory_space<vmem>>) dst(%dma_wait3A_109 : memref<128x64xf32, #tpu.memory_space<vmem_shared>>)
      tpu.yield
    }) : () -> ()
    %mul3A_34 = arith.constant 1024 : i32
    %mul3A_35 = arith.muli %arg1, %mul3A_34 : i32
    %add3A_36 = arith.constant 768 : i32
    %add3A_37 = arith.addi %mul3A_35, %add3A_36 : i32
    "tpu.region"() ({
      %run_scoped3A = tpu.sem_alloc : memref<!tpu.dma_semaphore, #tpu.memory_space<semaphore_mem>>
      %dma_start3A_102 = arith.constant 0 : i32
      %dma_start3A_103 = tpu.memref_slice %arg12[%add3A_37, %dma_start3A_102] : memref<16384x64xf32, #tpu.memory_space<vmem_shared>> -> memref<128x64xf32, #tpu.memory_space<vmem_shared>>
      %dma_start3A_104 = arith.constant 0 : i32
      %dma_start3A_105 = tpu.memref_slice %arg12[%add3A_37, %dma_start3A_104] : memref<16384x64xf32, #tpu.memory_space<vmem_shared>> -> memref<128x64xf32, #tpu.memory_space<vmem_shared>>
      tpu.enqueue_dma source(%arg10 : memref<128x64xf32, #tpu.memory_space<vmem>>) target(%dma_start3A_105 : memref<128x64xf32, #tpu.memory_space<vmem_shared>>) target_semaphore(%run_scoped3A : memref<!tpu.dma_semaphore, #tpu.memory_space<semaphore_mem>>)
      %dma_wait3A_106 = arith.constant 0 : i32
      %dma_wait3A_107 = tpu.memref_slice %arg12[%add3A_37, %dma_wait3A_106] : memref<16384x64xf32, #tpu.memory_space<vmem_shared>> -> memref<128x64xf32, #tpu.memory_space<vmem_shared>>
      %dma_wait3A_108 = arith.constant 0 : i32
      %dma_wait3A_109 = tpu.memref_slice %arg12[%add3A_37, %dma_wait3A_108] : memref<16384x64xf32, #tpu.memory_space<vmem_shared>> -> memref<128x64xf32, #tpu.memory_space<vmem_shared>>
      tpu.wait_dma2 semaphore(%run_scoped3A : memref<!tpu.dma_semaphore, #tpu.memory_space<semaphore_mem>>) src(%arg10 : memref<128x64xf32, #tpu.memory_space<vmem>>) dst(%dma_wait3A_109 : memref<128x64xf32, #tpu.memory_space<vmem_shared>>)
      tpu.yield
    }) : () -> ()
    %mul3A_38 = arith.constant 1024 : i32
    %mul3A_39 = arith.muli %arg1, %mul3A_38 : i32
    %add3A_40 = arith.constant 896 : i32
    %add3A_41 = arith.addi %mul3A_39, %add3A_40 : i32
    "tpu.region"() ({
      %run_scoped3A = tpu.sem_alloc : memref<!tpu.dma_semaphore, #tpu.memory_space<semaphore_mem>>
      %dma_start3A_102 = arith.constant 0 : i32
      %dma_start3A_103 = tpu.memref_slice %arg12[%add3A_41, %dma_start3A_102] : memref<16384x64xf32, #tpu.memory_space<vmem_shared>> -> memref<128x64xf32, #tpu.memory_space<vmem_shared>>
      %dma_start3A_104 = arith.constant 0 : i32
      %dma_start3A_105 = tpu.memref_slice %arg12[%add3A_41, %dma_start3A_104] : memref<16384x64xf32, #tpu.memory_space<vmem_shared>> -> memref<128x64xf32, #tpu.memory_space<vmem_shared>>
      tpu.enqueue_dma source(%arg10 : memref<128x64xf32, #tpu.memory_space<vmem>>) target(%dma_start3A_105 : memref<128x64xf32, #tpu.memory_space<vmem_shared>>) target_semaphore(%run_scoped3A : memref<!tpu.dma_semaphore, #tpu.memory_space<semaphore_mem>>)
      %dma_wait3A_106 = arith.constant 0 : i32
      %dma_wait3A_107 = tpu.memref_slice %arg12[%add3A_41, %dma_wait3A_106] : memref<16384x64xf32, #tpu.memory_space<vmem_shared>> -> memref<128x64xf32, #tpu.memory_space<vmem_shared>>
      %dma_wait3A_108 = arith.constant 0 : i32
      %dma_wait3A_109 = tpu.memref_slice %arg12[%add3A_41, %dma_wait3A_108] : memref<16384x64xf32, #tpu.memory_space<vmem_shared>> -> memref<128x64xf32, #tpu.memory_space<vmem_shared>>
      tpu.wait_dma2 semaphore(%run_scoped3A : memref<!tpu.dma_semaphore, #tpu.memory_space<semaphore_mem>>) src(%arg10 : memref<128x64xf32, #tpu.memory_space<vmem>>) dst(%dma_wait3A_109 : memref<128x64xf32, #tpu.memory_space<vmem_shared>>)
      tpu.yield
    }) : () -> ()
    %barrier3A = arith.constant 0 : index
    tpu.barrier barrier_id(%barrier3A)
    "tpu.region"() ({
      %run_scoped3A = tpu.sem_alloc : memref<!tpu.dma_semaphore, #tpu.memory_space<semaphore_mem>>
      %dma_start3A_102 = arith.constant 0 : i32
      %dma_start3A_103 = arith.constant 0 : i32
      %dma_start3A_104 = tpu.memref_slice %arg3[%add3A, %dma_start3A_102, %dma_start3A_103] : memref<32x76x128xi32, #tpu.memory_space<hbm>> -> memref<1x76x128xi32, #tpu.memory_space<hbm>>
      %dma_start3A_105 = tpu.memref_squeeze %dma_start3A_104 : memref<1x76x128xi32, #tpu.memory_space<hbm>> -> memref<76x128xi32, #tpu.memory_space<hbm>>
      %dma_start3A_106 = arith.constant 0 : i32
      %dma_start3A_107 = arith.constant 0 : i32
      %dma_start3A_108 = tpu.memref_slice %arg3[%add3A, %dma_start3A_106, %dma_start3A_107] : memref<32x76x128xi32, #tpu.memory_space<hbm>> -> memref<1x76x128xi32, #tpu.memory_space<hbm>>
      %dma_start3A_109 = tpu.memref_squeeze %dma_start3A_108 : memref<1x76x128xi32, #tpu.memory_space<hbm>> -> memref<76x128xi32, #tpu.memory_space<hbm>>
      tpu.enqueue_dma source(%dma_start3A_109 : memref<76x128xi32, #tpu.memory_space<hbm>>) target(%arg7 : memref<76x128xi32, #tpu.memory_space<vmem>>) target_semaphore(%run_scoped3A : memref<!tpu.dma_semaphore, #tpu.memory_space<semaphore_mem>>)
      %dma_wait3A_110 = arith.constant 0 : i32
      %dma_wait3A_111 = arith.constant 0 : i32
      %dma_wait3A_112 = tpu.memref_slice %arg3[%add3A, %dma_wait3A_110, %dma_wait3A_111] : memref<32x76x128xi32, #tpu.memory_space<hbm>> -> memref<1x76x128xi32, #tpu.memory_space<hbm>>
      %dma_wait3A_113 = tpu.memref_squeeze %dma_wait3A_112 : memref<1x76x128xi32, #tpu.memory_space<hbm>> -> memref<76x128xi32, #tpu.memory_space<hbm>>
      %dma_wait3A_114 = arith.constant 0 : i32
      %dma_wait3A_115 = arith.constant 0 : i32
      %dma_wait3A_116 = tpu.memref_slice %arg3[%add3A, %dma_wait3A_114, %dma_wait3A_115] : memref<32x76x128xi32, #tpu.memory_space<hbm>> -> memref<1x76x128xi32, #tpu.memory_space<hbm>>
      %dma_wait3A_117 = tpu.memref_squeeze %dma_wait3A_116 : memref<1x76x128xi32, #tpu.memory_space<hbm>> -> memref<76x128xi32, #tpu.memory_space<hbm>>
      tpu.wait_dma2 semaphore(%run_scoped3A : memref<!tpu.dma_semaphore, #tpu.memory_space<semaphore_mem>>) src(%dma_wait3A_117 : memref<76x128xi32, #tpu.memory_space<hbm>>) dst(%arg7 : memref<76x128xi32, #tpu.memory_space<vmem>>)
      tpu.yield
    }) : () -> ()
    "tpu.region"() ({
      %run_scoped3A = tpu.sem_alloc : memref<!tpu.dma_semaphore, #tpu.memory_space<semaphore_mem>>
      %dma_start3A_102 = arith.constant 0 : i32
      %dma_start3A_103 = arith.constant 0 : i32
      %dma_start3A_104 = tpu.memref_slice %arg4[%add3A, %dma_start3A_102, %dma_start3A_103] : memref<32x76x128xi32, #tpu.memory_space<hbm>> -> memref<1x76x128xi32, #tpu.memory_space<hbm>>
      %dma_start3A_105 = tpu.memref_squeeze %dma_start3A_104 : memref<1x76x128xi32, #tpu.memory_space<hbm>> -> memref<76x128xi32, #tpu.memory_space<hbm>>
      %dma_start3A_106 = arith.constant 0 : i32
      %dma_start3A_107 = arith.constant 0 : i32
      %dma_start3A_108 = tpu.memref_slice %arg4[%add3A, %dma_start3A_106, %dma_start3A_107] : memref<32x76x128xi32, #tpu.memory_space<hbm>> -> memref<1x76x128xi32, #tpu.memory_space<hbm>>
      %dma_start3A_109 = tpu.memref_squeeze %dma_start3A_108 : memref<1x76x128xi32, #tpu.memory_space<hbm>> -> memref<76x128xi32, #tpu.memory_space<hbm>>
      tpu.enqueue_dma source(%dma_start3A_109 : memref<76x128xi32, #tpu.memory_space<hbm>>) target(%arg8 : memref<76x128xi32, #tpu.memory_space<vmem>>) target_semaphore(%run_scoped3A : memref<!tpu.dma_semaphore, #tpu.memory_space<semaphore_mem>>)
      %dma_wait3A_110 = arith.constant 0 : i32
      %dma_wait3A_111 = arith.constant 0 : i32
      %dma_wait3A_112 = tpu.memref_slice %arg4[%add3A, %dma_wait3A_110, %dma_wait3A_111] : memref<32x76x128xi32, #tpu.memory_space<hbm>> -> memref<1x76x128xi32, #tpu.memory_space<hbm>>
      %dma_wait3A_113 = tpu.memref_squeeze %dma_wait3A_112 : memref<1x76x128xi32, #tpu.memory_space<hbm>> -> memref<76x128xi32, #tpu.memory_space<hbm>>
      %dma_wait3A_114 = arith.constant 0 : i32
      %dma_wait3A_115 = arith.constant 0 : i32
      %dma_wait3A_116 = tpu.memref_slice %arg4[%add3A, %dma_wait3A_114, %dma_wait3A_115] : memref<32x76x128xi32, #tpu.memory_space<hbm>> -> memref<1x76x128xi32, #tpu.memory_space<hbm>>
      %dma_wait3A_117 = tpu.memref_squeeze %dma_wait3A_116 : memref<1x76x128xi32, #tpu.memory_space<hbm>> -> memref<76x128xi32, #tpu.memory_space<hbm>>
      tpu.wait_dma2 semaphore(%run_scoped3A : memref<!tpu.dma_semaphore, #tpu.memory_space<semaphore_mem>>) src(%dma_wait3A_117 : memref<76x128xi32, #tpu.memory_space<hbm>>) dst(%arg8 : memref<76x128xi32, #tpu.memory_space<vmem>>)
      tpu.yield
    }) : () -> ()
    "tpu.region"() ({
      %run_scoped3A = tpu.sem_alloc : memref<!tpu.dma_semaphore, #tpu.memory_space<semaphore_mem>>
      %dma_start3A_102 = arith.constant 0 : i32
      %dma_start3A_103 = tpu.memref_slice %arg5[%add3A, %dma_start3A_102] : memref<32x9728xf32, #tpu.memory_space<hbm>> -> memref<1x9728xf32, #tpu.memory_space<hbm>>
      %dma_start3A_104 = tpu.memref_squeeze %dma_start3A_103 : memref<1x9728xf32, #tpu.memory_space<hbm>> -> memref<9728xf32, #tpu.memory_space<hbm>>
      %dma_start3A_105 = arith.constant 0 : i32
      %dma_start3A_106 = tpu.memref_slice %arg5[%add3A, %dma_start3A_105] : memref<32x9728xf32, #tpu.memory_space<hbm>> -> memref<1x9728xf32, #tpu.memory_space<hbm>>
      %dma_start3A_107 = tpu.memref_squeeze %dma_start3A_106 : memref<1x9728xf32, #tpu.memory_space<hbm>> -> memref<9728xf32, #tpu.memory_space<hbm>>
      tpu.enqueue_dma source(%dma_start3A_107 : memref<9728xf32, #tpu.memory_space<hbm>>) target(%arg9 : memref<9728xf32, #tpu.memory_space<vmem>>) target_semaphore(%run_scoped3A : memref<!tpu.dma_semaphore, #tpu.memory_space<semaphore_mem>>)
      %dma_wait3A_108 = arith.constant 0 : i32
      %dma_wait3A_109 = tpu.memref_slice %arg5[%add3A, %dma_wait3A_108] : memref<32x9728xf32, #tpu.memory_space<hbm>> -> memref<1x9728xf32, #tpu.memory_space<hbm>>
      %dma_wait3A_110 = tpu.memref_squeeze %dma_wait3A_109 : memref<1x9728xf32, #tpu.memory_space<hbm>> -> memref<9728xf32, #tpu.memory_space<hbm>>
      %dma_wait3A_111 = arith.constant 0 : i32
      %dma_wait3A_112 = tpu.memref_slice %arg5[%add3A, %dma_wait3A_111] : memref<32x9728xf32, #tpu.memory_space<hbm>> -> memref<1x9728xf32, #tpu.memory_space<hbm>>
      %dma_wait3A_113 = tpu.memref_squeeze %dma_wait3A_112 : memref<1x9728xf32, #tpu.memory_space<hbm>> -> memref<9728xf32, #tpu.memory_space<hbm>>
      tpu.wait_dma2 semaphore(%run_scoped3A : memref<!tpu.dma_semaphore, #tpu.memory_space<semaphore_mem>>) src(%dma_wait3A_113 : memref<9728xf32, #tpu.memory_space<hbm>>) dst(%arg9 : memref<9728xf32, #tpu.memory_space<vmem>>)
      tpu.yield
    }) : () -> ()
    %dma_start3A = arith.constant 0 : i32
    %dma_start3A_42 = arith.constant 0 : i32
    %dma_start3A_43 = tpu.memref_slice %arg7[%dma_start3A, %dma_start3A_42] : memref<76x128xi32, #tpu.memory_space<vmem>> -> memref<1x128xi32, #tpu.memory_space<vmem>>
    %dma_start3A_44 = tpu.memref_squeeze %dma_start3A_43 : memref<1x128xi32, #tpu.memory_space<vmem>> -> memref<128xi32, #tpu.memory_space<vmem>>
    %dma_start3A_45 = arith.constant 0 : i32
    %dma_start3A_46 = arith.constant 0 : i32
    %dma_start3A_47 = tpu.memref_slice %arg2[%dma_start3A_45, %dma_start3A_46] : memref<16384x64xf32, #tpu.memory_space<hbm>> -> memref<16384x64xf32, #tpu.memory_space<hbm>>
    tpu.enqueue_indirect_dma source(%dma_start3A_47 : memref<16384x64xf32, #tpu.memory_space<hbm>>) target(%arg10 : memref<128x64xf32, #tpu.memory_space<vmem>>) offsets(%dma_start3A_44 : memref<128xi32, #tpu.memory_space<vmem>>) semaphore(%arg13 : memref<!tpu.dma_semaphore, #tpu.memory_space<semaphore_mem>>)
    %dma_start3A_48 = arith.constant 1 : i32
    %dma_start3A_49 = arith.constant 0 : i32
    %dma_start3A_50 = tpu.memref_slice %arg7[%dma_start3A_48, %dma_start3A_49] : memref<76x128xi32, #tpu.memory_space<vmem>> -> memref<1x128xi32, #tpu.memory_space<vmem>>
    %dma_start3A_51 = tpu.memref_squeeze %dma_start3A_50 : memref<1x128xi32, #tpu.memory_space<vmem>> -> memref<128xi32, #tpu.memory_space<vmem>>
    %dma_start3A_52 = arith.constant 0 : i32
    %dma_start3A_53 = arith.constant 0 : i32
    %dma_start3A_54 = tpu.memref_slice %arg2[%dma_start3A_52, %dma_start3A_53] : memref<16384x64xf32, #tpu.memory_space<hbm>> -> memref<16384x64xf32, #tpu.memory_space<hbm>>
    tpu.enqueue_indirect_dma source(%dma_start3A_54 : memref<16384x64xf32, #tpu.memory_space<hbm>>) target(%arg11 : memref<128x64xf32, #tpu.memory_space<vmem>>) offsets(%dma_start3A_51 : memref<128xi32, #tpu.memory_space<vmem>>) semaphore(%arg14 : memref<!tpu.dma_semaphore, #tpu.memory_space<semaphore_mem>>)
    %sub3A = arith.constant 1 : i32
    %sub3A_55 = arith.subi %select_n3A, %sub3A : i32
    %jit3A_56 = arith.constant 2 : i32
    %div3A = arith.divsi %select_n3A, %jit3A_56 : i32
    %sign3A = arith.constant 0 : i32
    %sign3A_57 = arith.cmpi sgt, %select_n3A, %sign3A : i32
    %sign3A_58 = arith.extui %sign3A_57 : i1 to i32
    %sign3A_59 = arith.constant 0 : i32
    %sign3A_60 = arith.cmpi slt, %select_n3A, %sign3A_59 : i32
    %sign3A_61 = arith.extui %sign3A_60 : i1 to i32
    %sign3A_62 = arith.subi %sign3A_58, %sign3A_61 : i32
    %sign3A_63 = arith.constant 0 : i32
    %sign3A_64 = arith.cmpi sgt, %jit3A_56, %sign3A_63 : i32
    %sign3A_65 = arith.extui %sign3A_64 : i1 to i32
    %sign3A_66 = arith.constant 0 : i32
    %sign3A_67 = arith.cmpi slt, %jit3A_56, %sign3A_66 : i32
    %sign3A_68 = arith.extui %sign3A_67 : i1 to i32
    %sign3A_69 = arith.subi %sign3A_65, %sign3A_68 : i32
    %ne3A = arith.cmpi ne, %sign3A_62, %sign3A_69 : i32
    %rem3A = arith.remsi %select_n3A, %jit3A_56 : i32
    %ne3A_70 = arith.constant 0 : i32
    %ne3A_71 = arith.cmpi ne, %rem3A, %ne3A_70 : i32
    %and3A = arith.andi %ne3A, %ne3A_71 : i1
    %sub3A_72 = arith.constant 1 : i32
    %sub3A_73 = arith.subi %div3A, %sub3A_72 : i32
    %select_n3A_74 = arith.select %and3A, %sub3A_73, %div3A : i32
    %while3A = arith.constant 0 : i32
    %while3A_75 = arith.constant 0 : i32
    %while3A_76 = arith.subi %select_n3A_74, %while3A : i32
    %while3A_77 = arith.addi %while3A, %while3A_76 : i32
    %while3A_78 = arith.constant 1 : i32
    %while3A_79 = arith.divsi %while3A_76, %while3A_78 : i32
    %while3A_80 = arith.muli %while3A_79, %while3A_78 : i32
    %while3A_81 = arith.addi %while3A, %while3A_80 : i32
    %while3A_82 = arith.constant 1 : i32
    %while3A_83 = scf.for %while3A_102 = %while3A to %while3A_81 step %while3A_82 iter_args(%while3A_103 = %while3A_75) -> (i32)  : i32 {
      %mul3A_104 = arith.constant 2 : i32
      %mul3A_105 = arith.muli %mul3A_104, %while3A_102 : i32
      %add3A_106 = arith.constant 0 : i32
      %add3A_107 = arith.addi %mul3A_105, %add3A_106 : i32
      %dma_wait3A_108 = arith.constant 0 : i32
      %dma_wait3A_109 = tpu.memref_slice %arg7[%add3A_107, %dma_wait3A_108] : memref<76x128xi32, #tpu.memory_space<vmem>> -> memref<1x128xi32, #tpu.memory_space<vmem>>
      %dma_wait3A_110 = tpu.memref_squeeze %dma_wait3A_109 : memref<1x128xi32, #tpu.memory_space<vmem>> -> memref<128xi32, #tpu.memory_space<vmem>>
      %dma_wait3A_111 = arith.constant 0 : i32
      %dma_wait3A_112 = arith.constant 0 : i32
      %dma_wait3A_113 = tpu.memref_slice %arg2[%dma_wait3A_111, %dma_wait3A_112] : memref<16384x64xf32, #tpu.memory_space<hbm>> -> memref<16384x64xf32, #tpu.memory_space<hbm>>
      tpu.wait_indirect_dma semaphore(%arg13 : memref<!tpu.dma_semaphore, #tpu.memory_space<semaphore_mem>>) src(%dma_wait3A_113 : memref<16384x64xf32, #tpu.memory_space<hbm>>) dst(%arg10 : memref<128x64xf32, #tpu.memory_space<vmem>>)
      %mul3A_114 = arith.constant 128 : i32
      %mul3A_115 = arith.muli %add3A_107, %mul3A_114 : i32
      %broadcast_in_dim3A_116 = vector.broadcast %mul3A_115 : i32 to vector<16xi32>
      %scan3A_117 = arith.constant 0 : i32
      %scan3A_118 = arith.constant 0 : i32
      %scan3A_119 = arith.constant 16 : i32
      %scan3A_120 = arith.addi %scan3A_118, %scan3A_119 : i32
      %scan3A_121 = arith.constant 1 : i32
      %scan3A_122 = scf.for %scan3A_188 = %scan3A_118 to %scan3A_120 step %scan3A_121 iter_args(%scan3A_189 = %scan3A_117) -> (i32)  : i32 {
        %mul3A_190 = arith.constant 8 : i32
        %mul3A_191 = arith.muli %scan3A_188, %mul3A_190 : i32
        %add3A_192 = arith.constant 0 : i32
        %add3A_193 = arith.addi %mul3A_191, %add3A_192 : i32
        %add3A_194 = vector.broadcast %add3A_193 : i32 to vector<16xi32>
        %add3A_195 = arith.addi %broadcast_in_dim3A_116, %add3A_194 : vector<16xi32>
        %gather3A = tpu.vector_load_idx %arg9[%add3A_195] : memref<9728xf32, #tpu.memory_space<vmem>>[vector<16xi32>], vector<16xf32>,
        %add3A_196 = arith.constant 0 : i32
        %add3A_197 = arith.addi %mul3A_191, %add3A_196 : i32
        %get3A = arith.index_cast %add3A_197 : i32 to index
        %get3A_198 = arith.constant 0 : index
        %get3A_199 = tpu.vector_load %arg10[%get3A, %get3A_198] {strides = array<i32>} : memref<128x64xf32, #tpu.memory_space<vmem>>, vector<16xf32>,
        %mul3A_200 = arith.mulf %get3A_199, %gather3A : vector<16xf32>
        %add3A_201 = arith.constant 0 : i32
        %add3A_202 = arith.addi %mul3A_191, %add3A_201 : i32
        %swap3A = arith.index_cast %add3A_202 : i32 to index
        %swap3A_203 = arith.constant 0 : index
        %swap3A_204 = tpu.vector_load %arg10[%swap3A, %swap3A_203] {strides = array<i32>} : memref<128x64xf32, #tpu.memory_space<vmem>>, vector<16xf32>,
        tpu.vector_store %arg10[%swap3A, %swap3A_203], %mul3A_200 {strides = array<i32>} : memref<128x64xf32, #tpu.memory_space<vmem>>, vector<16xf32>,
        %add3A_205 = arith.constant 0 : i32
        %add3A_206 = arith.addi %mul3A_191, %add3A_205 : i32
        %get3A_207 = arith.index_cast %add3A_206 : i32 to index
        %get3A_208 = arith.constant 16 : index
        %get3A_209 = tpu.vector_load %arg10[%get3A_207, %get3A_208] {strides = array<i32>} : memref<128x64xf32, #tpu.memory_space<vmem>>, vector<16xf32>,
        %mul3A_210 = arith.mulf %get3A_209, %gather3A : vector<16xf32>
        %add3A_211 = arith.constant 0 : i32
        %add3A_212 = arith.addi %mul3A_191, %add3A_211 : i32
        %swap3A_213 = arith.index_cast %add3A_212 : i32 to index
        %swap3A_214 = arith.constant 16 : index
        %swap3A_215 = tpu.vector_load %arg10[%swap3A_213, %swap3A_214] {strides = array<i32>} : memref<128x64xf32, #tpu.memory_space<vmem>>, vector<16xf32>,
        tpu.vector_store %arg10[%swap3A_213, %swap3A_214], %mul3A_210 {strides = array<i32>} : memref<128x64xf32, #tpu.memory_space<vmem>>, vector<16xf32>,
        %add3A_216 = arith.constant 0 : i32
        %add3A_217 = arith.addi %mul3A_191, %add3A_216 : i32
        %get3A_218 = arith.index_cast %add3A_217 : i32 to index
        %get3A_219 = arith.constant 32 : index
        %get3A_220 = tpu.vector_load %arg10[%get3A_218, %get3A_219] {strides = array<i32>} : memref<128x64xf32, #tpu.memory_space<vmem>>, vector<16xf32>,
        %mul3A_221 = arith.mulf %get3A_220, %gather3A : vector<16xf32>
        %add3A_222 = arith.constant 0 : i32
        %add3A_223 = arith.addi %mul3A_191, %add3A_222 : i32
        %swap3A_224 = arith.index_cast %add3A_223 : i32 to index
        %swap3A_225 = arith.constant 32 : index
        %swap3A_226 = tpu.vector_load %arg10[%swap3A_224, %swap3A_225] {strides = array<i32>} : memref<128x64xf32, #tpu.memory_space<vmem>>, vector<16xf32>,
        tpu.vector_store %arg10[%swap3A_224, %swap3A_225], %mul3A_221 {strides = array<i32>} : memref<128x64xf32, #tpu.memory_space<vmem>>, vector<16xf32>,
        %add3A_227 = arith.constant 0 : i32
        %add3A_228 = arith.addi %mul3A_191, %add3A_227 : i32
        %get3A_229 = arith.index_cast %add3A_228 : i32 to index
        %get3A_230 = arith.constant 48 : index
        %get3A_231 = tpu.vector_load %arg10[%get3A_229, %get3A_230] {strides = array<i32>} : memref<128x64xf32, #tpu.memory_space<vmem>>, vector<16xf32>,
        %mul3A_232 = arith.mulf %get3A_231, %gather3A : vector<16xf32>
        %add3A_233 = arith.constant 0 : i32
        %add3A_234 = arith.addi %mul3A_191, %add3A_233 : i32
        %swap3A_235 = arith.index_cast %add3A_234 : i32 to index
        %swap3A_236 = arith.constant 48 : index
        %swap3A_237 = tpu.vector_load %arg10[%swap3A_235, %swap3A_236] {strides = array<i32>} : memref<128x64xf32, #tpu.memory_space<vmem>>, vector<16xf32>,
        tpu.vector_store %arg10[%swap3A_235, %swap3A_236], %mul3A_232 {strides = array<i32>} : memref<128x64xf32, #tpu.memory_space<vmem>>, vector<16xf32>,
        %add3A_238 = arith.constant 1 : i32
        %add3A_239 = arith.addi %mul3A_191, %add3A_238 : i32
        %add3A_240 = vector.broadcast %add3A_239 : i32 to vector<16xi32>
        %add3A_241 = arith.addi %broadcast_in_dim3A_116, %add3A_240 : vector<16xi32>
        %gather3A_242 = tpu.vector_load_idx %arg9[%add3A_241] : memref<9728xf32, #tpu.memory_space<vmem>>[vector<16xi32>], vector<16xf32>,
        %add3A_243 = arith.constant 1 : i32
        %add3A_244 = arith.addi %mul3A_191, %add3A_243 : i32
        %get3A_245 = arith.index_cast %add3A_244 : i32 to index
        %get3A_246 = arith.constant 0 : index
        %get3A_247 = tpu.vector_load %arg10[%get3A_245, %get3A_246] {strides = array<i32>} : memref<128x64xf32, #tpu.memory_space<vmem>>, vector<16xf32>,
        %mul3A_248 = arith.mulf %get3A_247, %gather3A_242 : vector<16xf32>
        %add3A_249 = arith.constant 1 : i32
        %add3A_250 = arith.addi %mul3A_191, %add3A_249 : i32
        %swap3A_251 = arith.index_cast %add3A_250 : i32 to index
        %swap3A_252 = arith.constant 0 : index
        %swap3A_253 = tpu.vector_load %arg10[%swap3A_251, %swap3A_252] {strides = array<i32>} : memref<128x64xf32, #tpu.memory_space<vmem>>, vector<16xf32>,
        tpu.vector_store %arg10[%swap3A_251, %swap3A_252], %mul3A_248 {strides = array<i32>} : memref<128x64xf32, #tpu.memory_space<vmem>>, vector<16xf32>,
        %add3A_254 = arith.constant 1 : i32
        %add3A_255 = arith.addi %mul3A_191, %add3A_254 : i32
        %get3A_256 = arith.index_cast %add3A_255 : i32 to index
        %get3A_257 = arith.constant 16 : index
        %get3A_258 = tpu.vector_load %arg10[%get3A_256, %get3A_257] {strides = array<i32>} : memref<128x64xf32, #tpu.memory_space<vmem>>, vector<16xf32>,
        %mul3A_259 = arith.mulf %get3A_258, %gather3A_242 : vector<16xf32>
        %add3A_260 = arith.constant 1 : i32
        %add3A_261 = arith.addi %mul3A_191, %add3A_260 : i32
        %swap3A_262 = arith.index_cast %add3A_261 : i32 to index
        %swap3A_263 = arith.constant 16 : index
        %swap3A_264 = tpu.vector_load %arg10[%swap3A_262, %swap3A_263] {strides = array<i32>} : memref<128x64xf32, #tpu.memory_space<vmem>>, vector<16xf32>,
        tpu.vector_store %arg10[%swap3A_262, %swap3A_263], %mul3A_259 {strides = array<i32>} : memref<128x64xf32, #tpu.memory_space<vmem>>, vector<16xf32>,
        %add3A_265 = arith.constant 1 : i32
        %add3A_266 = arith.addi %mul3A_191, %add3A_265 : i32
        %get3A_267 = arith.index_cast %add3A_266 : i32 to index
        %get3A_268 = arith.constant 32 : index
        %get3A_269 = tpu.vector_load %arg10[%get3A_267, %get3A_268] {strides = array<i32>} : memref<128x64xf32, #tpu.memory_space<vmem>>, vector<16xf32>,
        %mul3A_270 = arith.mulf %get3A_269, %gather3A_242 : vector<16xf32>
        %add3A_271 = arith.constant 1 : i32
        %add3A_272 = arith.addi %mul3A_191, %add3A_271 : i32
        %swap3A_273 = arith.index_cast %add3A_272 : i32 to index
        %swap3A_274 = arith.constant 32 : index
        %swap3A_275 = tpu.vector_load %arg10[%swap3A_273, %swap3A_274] {strides = array<i32>} : memref<128x64xf32, #tpu.memory_space<vmem>>, vector<16xf32>,
        tpu.vector_store %arg10[%swap3A_273, %swap3A_274], %mul3A_270 {strides = array<i32>} : memref<128x64xf32, #tpu.memory_space<vmem>>, vector<16xf32>,
        %add3A_276 = arith.constant 1 : i32
        %add3A_277 = arith.addi %mul3A_191, %add3A_276 : i32
        %get3A_278 = arith.index_cast %add3A_277 : i32 to index
        %get3A_279 = arith.constant 48 : index
        %get3A_280 = tpu.vector_load %arg10[%get3A_278, %get3A_279] {strides = array<i32>} : memref<128x64xf32, #tpu.memory_space<vmem>>, vector<16xf32>,
        %mul3A_281 = arith.mulf %get3A_280, %gather3A_242 : vector<16xf32>
        %add3A_282 = arith.constant 1 : i32
        %add3A_283 = arith.addi %mul3A_191, %add3A_282 : i32
        %swap3A_284 = arith.index_cast %add3A_283 : i32 to index
        %swap3A_285 = arith.constant 48 : index
        %swap3A_286 = tpu.vector_load %arg10[%swap3A_284, %swap3A_285] {strides = array<i32>} : memref<128x64xf32, #tpu.memory_space<vmem>>, vector<16xf32>,
        tpu.vector_store %arg10[%swap3A_284, %swap3A_285], %mul3A_281 {strides = array<i32>} : memref<128x64xf32, #tpu.memory_space<vmem>>, vector<16xf32>,
        %add3A_287 = arith.constant 2 : i32
        %add3A_288 = arith.addi %mul3A_191, %add3A_287 : i32
        %add3A_289 = vector.broadcast %add3A_288 : i32 to vector<16xi32>
        %add3A_290 = arith.addi %broadcast_in_dim3A_116, %add3A_289 : vector<16xi32>
        %gather3A_291 = tpu.vector_load_idx %arg9[%add3A_290] : memref<9728xf32, #tpu.memory_space<vmem>>[vector<16xi32>], vector<16xf32>,
        %add3A_292 = arith.constant 2 : i32
        %add3A_293 = arith.addi %mul3A_191, %add3A_292 : i32
        %get3A_294 = arith.index_cast %add3A_293 : i32 to index
        %get3A_295 = arith.constant 0 : index
        %get3A_296 = tpu.vector_load %arg10[%get3A_294, %get3A_295] {strides = array<i32>} : memref<128x64xf32, #tpu.memory_space<vmem>>, vector<16xf32>,
        %mul3A_297 = arith.mulf %get3A_296, %gather3A_291 : vector<16xf32>
        %add3A_298 = arith.constant 2 : i32
        %add3A_299 = arith.addi %mul3A_191, %add3A_298 : i32
        %swap3A_300 = arith.index_cast %add3A_299 : i32 to index
        %swap3A_301 = arith.constant 0 : index
        %swap3A_302 = tpu.vector_load %arg10[%swap3A_300, %swap3A_301] {strides = array<i32>} : memref<128x64xf32, #tpu.memory_space<vmem>>, vector<16xf32>,
        tpu.vector_store %arg10[%swap3A_300, %swap3A_301], %mul3A_297 {strides = array<i32>} : memref<128x64xf32, #tpu.memory_space<vmem>>, vector<16xf32>,
        %add3A_303 = arith.constant 2 : i32
        %add3A_304 = arith.addi %mul3A_191, %add3A_303 : i32
        %get3A_305 = arith.index_cast %add3A_304 : i32 to index
        %get3A_306 = arith.constant 16 : index
        %get3A_307 = tpu.vector_load %arg10[%get3A_305, %get3A_306] {strides = array<i32>} : memref<128x64xf32, #tpu.memory_space<vmem>>, vector<16xf32>,
        %mul3A_308 = arith.mulf %get3A_307, %gather3A_291 : vector<16xf32>
        %add3A_309 = arith.constant 2 : i32
        %add3A_310 = arith.addi %mul3A_191, %add3A_309 : i32
        %swap3A_311 = arith.index_cast %add3A_310 : i32 to index
        %swap3A_312 = arith.constant 16 : index
        %swap3A_313 = tpu.vector_load %arg10[%swap3A_311, %swap3A_312] {strides = array<i32>} : memref<128x64xf32, #tpu.memory_space<vmem>>, vector<16xf32>,
        tpu.vector_store %arg10[%swap3A_311, %swap3A_312], %mul3A_308 {strides = array<i32>} : memref<128x64xf32, #tpu.memory_space<vmem>>, vector<16xf32>,
        %add3A_314 = arith.constant 2 : i32
        %add3A_315 = arith.addi %mul3A_191, %add3A_314 : i32
        %get3A_316 = arith.index_cast %add3A_315 : i32 to index
        %get3A_317 = arith.constant 32 : index
        %get3A_318 = tpu.vector_load %arg10[%get3A_316, %get3A_317] {strides = array<i32>} : memref<128x64xf32, #tpu.memory_space<vmem>>, vector<16xf32>,
        %mul3A_319 = arith.mulf %get3A_318, %gather3A_291 : vector<16xf32>
        %add3A_320 = arith.constant 2 : i32
        %add3A_321 = arith.addi %mul3A_191, %add3A_320 : i32
        %swap3A_322 = arith.index_cast %add3A_321 : i32 to index
        %swap3A_323 = arith.constant 32 : index
        %swap3A_324 = tpu.vector_load %arg10[%swap3A_322, %swap3A_323] {strides = array<i32>} : memref<128x64xf32, #tpu.memory_space<vmem>>, vector<16xf32>,
        tpu.vector_store %arg10[%swap3A_322, %swap3A_323], %mul3A_319 {strides = array<i32>} : memref<128x64xf32, #tpu.memory_space<vmem>>, vector<16xf32>,
        %add3A_325 = arith.constant 2 : i32
        %add3A_326 = arith.addi %mul3A_191, %add3A_325 : i32
        %get3A_327 = arith.index_cast %add3A_326 : i32 to index
        %get3A_328 = arith.constant 48 : index
        %get3A_329 = tpu.vector_load %arg10[%get3A_327, %get3A_328] {strides = array<i32>} : memref<128x64xf32, #tpu.memory_space<vmem>>, vector<16xf32>,
        %mul3A_330 = arith.mulf %get3A_329, %gather3A_291 : vector<16xf32>
        %add3A_331 = arith.constant 2 : i32
        %add3A_332 = arith.addi %mul3A_191, %add3A_331 : i32
        %swap3A_333 = arith.index_cast %add3A_332 : i32 to index
        %swap3A_334 = arith.constant 48 : index
        %swap3A_335 = tpu.vector_load %arg10[%swap3A_333, %swap3A_334] {strides = array<i32>} : memref<128x64xf32, #tpu.memory_space<vmem>>, vector<16xf32>,
        tpu.vector_store %arg10[%swap3A_333, %swap3A_334], %mul3A_330 {strides = array<i32>} : memref<128x64xf32, #tpu.memory_space<vmem>>, vector<16xf32>,
        %add3A_336 = arith.constant 3 : i32
        %add3A_337 = arith.addi %mul3A_191, %add3A_336 : i32
        %add3A_338 = vector.broadcast %add3A_337 : i32 to vector<16xi32>
        %add3A_339 = arith.addi %broadcast_in_dim3A_116, %add3A_338 : vector<16xi32>
        %gather3A_340 = tpu.vector_load_idx %arg9[%add3A_339] : memref<9728xf32, #tpu.memory_space<vmem>>[vector<16xi32>], vector<16xf32>,
        %add3A_341 = arith.constant 3 : i32
        %add3A_342 = arith.addi %mul3A_191, %add3A_341 : i32
        %get3A_343 = arith.index_cast %add3A_342 : i32 to index
        %get3A_344 = arith.constant 0 : index
        %get3A_345 = tpu.vector_load %arg10[%get3A_343, %get3A_344] {strides = array<i32>} : memref<128x64xf32, #tpu.memory_space<vmem>>, vector<16xf32>,
        %mul3A_346 = arith.mulf %get3A_345, %gather3A_340 : vector<16xf32>
        %add3A_347 = arith.constant 3 : i32
        %add3A_348 = arith.addi %mul3A_191, %add3A_347 : i32
        %swap3A_349 = arith.index_cast %add3A_348 : i32 to index
        %swap3A_350 = arith.constant 0 : index
        %swap3A_351 = tpu.vector_load %arg10[%swap3A_349, %swap3A_350] {strides = array<i32>} : memref<128x64xf32, #tpu.memory_space<vmem>>, vector<16xf32>,
        tpu.vector_store %arg10[%swap3A_349, %swap3A_350], %mul3A_346 {strides = array<i32>} : memref<128x64xf32, #tpu.memory_space<vmem>>, vector<16xf32>,
        %add3A_352 = arith.constant 3 : i32
        %add3A_353 = arith.addi %mul3A_191, %add3A_352 : i32
        %get3A_354 = arith.index_cast %add3A_353 : i32 to index
        %get3A_355 = arith.constant 16 : index
        %get3A_356 = tpu.vector_load %arg10[%get3A_354, %get3A_355] {strides = array<i32>} : memref<128x64xf32, #tpu.memory_space<vmem>>, vector<16xf32>,
        %mul3A_357 = arith.mulf %get3A_356, %gather3A_340 : vector<16xf32>
        %add3A_358 = arith.constant 3 : i32
        %add3A_359 = arith.addi %mul3A_191, %add3A_358 : i32
        %swap3A_360 = arith.index_cast %add3A_359 : i32 to index
        %swap3A_361 = arith.constant 16 : index
        %swap3A_362 = tpu.vector_load %arg10[%swap3A_360, %swap3A_361] {strides = array<i32>} : memref<128x64xf32, #tpu.memory_space<vmem>>, vector<16xf32>,
        tpu.vector_store %arg10[%swap3A_360, %swap3A_361], %mul3A_357 {strides = array<i32>} : memref<128x64xf32, #tpu.memory_space<vmem>>, vector<16xf32>,
        %add3A_363 = arith.constant 3 : i32
        %add3A_364 = arith.addi %mul3A_191, %add3A_363 : i32
        %get3A_365 = arith.index_cast %add3A_364 : i32 to index
        %get3A_366 = arith.constant 32 : index
        %get3A_367 = tpu.vector_load %arg10[%get3A_365, %get3A_366] {strides = array<i32>} : memref<128x64xf32, #tpu.memory_space<vmem>>, vector<16xf32>,
        %mul3A_368 = arith.mulf %get3A_367, %gather3A_340 : vector<16xf32>
        %add3A_369 = arith.constant 3 : i32
        %add3A_370 = arith.addi %mul3A_191, %add3A_369 : i32
        %swap3A_371 = arith.index_cast %add3A_370 : i32 to index
        %swap3A_372 = arith.constant 32 : index
        %swap3A_373 = tpu.vector_load %arg10[%swap3A_371, %swap3A_372] {strides = array<i32>} : memref<128x64xf32, #tpu.memory_space<vmem>>, vector<16xf32>,
        tpu.vector_store %arg10[%swap3A_371, %swap3A_372], %mul3A_368 {strides = array<i32>} : memref<128x64xf32, #tpu.memory_space<vmem>>, vector<16xf32>,
        %add3A_374 = arith.constant 3 : i32
        %add3A_375 = arith.addi %mul3A_191, %add3A_374 : i32
        %get3A_376 = arith.index_cast %add3A_375 : i32 to index
        %get3A_377 = arith.constant 48 : index
        %get3A_378 = tpu.vector_load %arg10[%get3A_376, %get3A_377] {strides = array<i32>} : memref<128x64xf32, #tpu.memory_space<vmem>>, vector<16xf32>,
        %mul3A_379 = arith.mulf %get3A_378, %gather3A_340 : vector<16xf32>
        %add3A_380 = arith.constant 3 : i32
        %add3A_381 = arith.addi %mul3A_191, %add3A_380 : i32
        %swap3A_382 = arith.index_cast %add3A_381 : i32 to index
        %swap3A_383 = arith.constant 48 : index
        %swap3A_384 = tpu.vector_load %arg10[%swap3A_382, %swap3A_383] {strides = array<i32>} : memref<128x64xf32, #tpu.memory_space<vmem>>, vector<16xf32>,
        tpu.vector_store %arg10[%swap3A_382, %swap3A_383], %mul3A_379 {strides = array<i32>} : memref<128x64xf32, #tpu.memory_space<vmem>>, vector<16xf32>,
        %add3A_385 = arith.constant 4 : i32
        %add3A_386 = arith.addi %mul3A_191, %add3A_385 : i32
        %add3A_387 = vector.broadcast %add3A_386 : i32 to vector<16xi32>
        %add3A_388 = arith.addi %broadcast_in_dim3A_116, %add3A_387 : vector<16xi32>
        %gather3A_389 = tpu.vector_load_idx %arg9[%add3A_388] : memref<9728xf32, #tpu.memory_space<vmem>>[vector<16xi32>], vector<16xf32>,
        %add3A_390 = arith.constant 4 : i32
        %add3A_391 = arith.addi %mul3A_191, %add3A_390 : i32
        %get3A_392 = arith.index_cast %add3A_391 : i32 to index
        %get3A_393 = arith.constant 0 : index
        %get3A_394 = tpu.vector_load %arg10[%get3A_392, %get3A_393] {strides = array<i32>} : memref<128x64xf32, #tpu.memory_space<vmem>>, vector<16xf32>,
        %mul3A_395 = arith.mulf %get3A_394, %gather3A_389 : vector<16xf32>
        %add3A_396 = arith.constant 4 : i32
        %add3A_397 = arith.addi %mul3A_191, %add3A_396 : i32
        %swap3A_398 = arith.index_cast %add3A_397 : i32 to index
        %swap3A_399 = arith.constant 0 : index
        %swap3A_400 = tpu.vector_load %arg10[%swap3A_398, %swap3A_399] {strides = array<i32>} : memref<128x64xf32, #tpu.memory_space<vmem>>, vector<16xf32>,
        tpu.vector_store %arg10[%swap3A_398, %swap3A_399], %mul3A_395 {strides = array<i32>} : memref<128x64xf32, #tpu.memory_space<vmem>>, vector<16xf32>,
        %add3A_401 = arith.constant 4 : i32
        %add3A_402 = arith.addi %mul3A_191, %add3A_401 : i32
        %get3A_403 = arith.index_cast %add3A_402 : i32 to index
        %get3A_404 = arith.constant 16 : index
        %get3A_405 = tpu.vector_load %arg10[%get3A_403, %get3A_404] {strides = array<i32>} : memref<128x64xf32, #tpu.memory_space<vmem>>, vector<16xf32>,
        %mul3A_406 = arith.mulf %get3A_405, %gather3A_389 : vector<16xf32>
        %add3A_407 = arith.constant 4 : i32
        %add3A_408 = arith.addi %mul3A_191, %add3A_407 : i32
        %swap3A_409 = arith.index_cast %add3A_408 : i32 to index
        %swap3A_410 = arith.constant 16 : index
        %swap3A_411 = tpu.vector_load %arg10[%swap3A_409, %swap3A_410] {strides = array<i32>} : memref<128x64xf32, #tpu.memory_space<vmem>>, vector<16xf32>,
        tpu.vector_store %arg10[%swap3A_409, %swap3A_410], %mul3A_406 {strides = array<i32>} : memref<128x64xf32, #tpu.memory_space<vmem>>, vector<16xf32>,
        %add3A_412 = arith.constant 4 : i32
        %add3A_413 = arith.addi %mul3A_191, %add3A_412 : i32
        %get3A_414 = arith.index_cast %add3A_413 : i32 to index
        %get3A_415 = arith.constant 32 : index
        %get3A_416 = tpu.vector_load %arg10[%get3A_414, %get3A_415] {strides = array<i32>} : memref<128x64xf32, #tpu.memory_space<vmem>>, vector<16xf32>,
        %mul3A_417 = arith.mulf %get3A_416, %gather3A_389 : vector<16xf32>
        %add3A_418 = arith.constant 4 : i32
        %add3A_419 = arith.addi %mul3A_191, %add3A_418 : i32
        %swap3A_420 = arith.index_cast %add3A_419 : i32 to index
        %swap3A_421 = arith.constant 32 : index
        %swap3A_422 = tpu.vector_load %arg10[%swap3A_420, %swap3A_421] {strides = array<i32>} : memref<128x64xf32, #tpu.memory_space<vmem>>, vector<16xf32>,
        tpu.vector_store %arg10[%swap3A_420, %swap3A_421], %mul3A_417 {strides = array<i32>} : memref<128x64xf32, #tpu.memory_space<vmem>>, vector<16xf32>,
        %add3A_423 = arith.constant 4 : i32
        %add3A_424 = arith.addi %mul3A_191, %add3A_423 : i32
        %get3A_425 = arith.index_cast %add3A_424 : i32 to index
        %get3A_426 = arith.constant 48 : index
        %get3A_427 = tpu.vector_load %arg10[%get3A_425, %get3A_426] {strides = array<i32>} : memref<128x64xf32, #tpu.memory_space<vmem>>, vector<16xf32>,
        %mul3A_428 = arith.mulf %get3A_427, %gather3A_389 : vector<16xf32>
        %add3A_429 = arith.constant 4 : i32
        %add3A_430 = arith.addi %mul3A_191, %add3A_429 : i32
        %swap3A_431 = arith.index_cast %add3A_430 : i32 to index
        %swap3A_432 = arith.constant 48 : index
        %swap3A_433 = tpu.vector_load %arg10[%swap3A_431, %swap3A_432] {strides = array<i32>} : memref<128x64xf32, #tpu.memory_space<vmem>>, vector<16xf32>,
        tpu.vector_store %arg10[%swap3A_431, %swap3A_432], %mul3A_428 {strides = array<i32>} : memref<128x64xf32, #tpu.memory_space<vmem>>, vector<16xf32>,
        %add3A_434 = arith.constant 5 : i32
        %add3A_435 = arith.addi %mul3A_191, %add3A_434 : i32
        %add3A_436 = vector.broadcast %add3A_435 : i32 to vector<16xi32>
        %add3A_437 = arith.addi %broadcast_in_dim3A_116, %add3A_436 : vector<16xi32>
        %gather3A_438 = tpu.vector_load_idx %arg9[%add3A_437] : memref<9728xf32, #tpu.memory_space<vmem>>[vector<16xi32>], vector<16xf32>,
        %add3A_439 = arith.constant 5 : i32
        %add3A_440 = arith.addi %mul3A_191, %add3A_439 : i32
        %get3A_441 = arith.index_cast %add3A_440 : i32 to index
        %get3A_442 = arith.constant 0 : index
        %get3A_443 = tpu.vector_load %arg10[%get3A_441, %get3A_442] {strides = array<i32>} : memref<128x64xf32, #tpu.memory_space<vmem>>, vector<16xf32>,
        %mul3A_444 = arith.mulf %get3A_443, %gather3A_438 : vector<16xf32>
        %add3A_445 = arith.constant 5 : i32
        %add3A_446 = arith.addi %mul3A_191, %add3A_445 : i32
        %swap3A_447 = arith.index_cast %add3A_446 : i32 to index
        %swap3A_448 = arith.constant 0 : index
        %swap3A_449 = tpu.vector_load %arg10[%swap3A_447, %swap3A_448] {strides = array<i32>} : memref<128x64xf32, #tpu.memory_space<vmem>>, vector<16xf32>,
        tpu.vector_store %arg10[%swap3A_447, %swap3A_448], %mul3A_444 {strides = array<i32>} : memref<128x64xf32, #tpu.memory_space<vmem>>, vector<16xf32>,
        %add3A_450 = arith.constant 5 : i32
        %add3A_451 = arith.addi %mul3A_191, %add3A_450 : i32
        %get3A_452 = arith.index_cast %add3A_451 : i32 to index
        %get3A_453 = arith.constant 16 : index
        %get3A_454 = tpu.vector_load %arg10[%get3A_452, %get3A_453] {strides = array<i32>} : memref<128x64xf32, #tpu.memory_space<vmem>>, vector<16xf32>,
        %mul3A_455 = arith.mulf %get3A_454, %gather3A_438 : vector<16xf32>
        %add3A_456 = arith.constant 5 : i32
        %add3A_457 = arith.addi %mul3A_191, %add3A_456 : i32
        %swap3A_458 = arith.index_cast %add3A_457 : i32 to index
        %swap3A_459 = arith.constant 16 : index
        %swap3A_460 = tpu.vector_load %arg10[%swap3A_458, %swap3A_459] {strides = array<i32>} : memref<128x64xf32, #tpu.memory_space<vmem>>, vector<16xf32>,
        tpu.vector_store %arg10[%swap3A_458, %swap3A_459], %mul3A_455 {strides = array<i32>} : memref<128x64xf32, #tpu.memory_space<vmem>>, vector<16xf32>,
        %add3A_461 = arith.constant 5 : i32
        %add3A_462 = arith.addi %mul3A_191, %add3A_461 : i32
        %get3A_463 = arith.index_cast %add3A_462 : i32 to index
        %get3A_464 = arith.constant 32 : index
        %get3A_465 = tpu.vector_load %arg10[%get3A_463, %get3A_464] {strides = array<i32>} : memref<128x64xf32, #tpu.memory_space<vmem>>, vector<16xf32>,
        %mul3A_466 = arith.mulf %get3A_465, %gather3A_438 : vector<16xf32>
        %add3A_467 = arith.constant 5 : i32
        %add3A_468 = arith.addi %mul3A_191, %add3A_467 : i32
        %swap3A_469 = arith.index_cast %add3A_468 : i32 to index
        %swap3A_470 = arith.constant 32 : index
        %swap3A_471 = tpu.vector_load %arg10[%swap3A_469, %swap3A_470] {strides = array<i32>} : memref<128x64xf32, #tpu.memory_space<vmem>>, vector<16xf32>,
        tpu.vector_store %arg10[%swap3A_469, %swap3A_470], %mul3A_466 {strides = array<i32>} : memref<128x64xf32, #tpu.memory_space<vmem>>, vector<16xf32>,
        %add3A_472 = arith.constant 5 : i32
        %add3A_473 = arith.addi %mul3A_191, %add3A_472 : i32
        %get3A_474 = arith.index_cast %add3A_473 : i32 to index
        %get3A_475 = arith.constant 48 : index
        %get3A_476 = tpu.vector_load %arg10[%get3A_474, %get3A_475] {strides = array<i32>} : memref<128x64xf32, #tpu.memory_space<vmem>>, vector<16xf32>,
        %mul3A_477 = arith.mulf %get3A_476, %gather3A_438 : vector<16xf32>
        %add3A_478 = arith.constant 5 : i32
        %add3A_479 = arith.addi %mul3A_191, %add3A_478 : i32
        %swap3A_480 = arith.index_cast %add3A_479 : i32 to index
        %swap3A_481 = arith.constant 48 : index
        %swap3A_482 = tpu.vector_load %arg10[%swap3A_480, %swap3A_481] {strides = array<i32>} : memref<128x64xf32, #tpu.memory_space<vmem>>, vector<16xf32>,
        tpu.vector_store %arg10[%swap3A_480, %swap3A_481], %mul3A_477 {strides = array<i32>} : memref<128x64xf32, #tpu.memory_space<vmem>>, vector<16xf32>,
        %add3A_483 = arith.constant 6 : i32
        %add3A_484 = arith.addi %mul3A_191, %add3A_483 : i32
        %add3A_485 = vector.broadcast %add3A_484 : i32 to vector<16xi32>
        %add3A_486 = arith.addi %broadcast_in_dim3A_116, %add3A_485 : vector<16xi32>
        %gather3A_487 = tpu.vector_load_idx %arg9[%add3A_486] : memref<9728xf32, #tpu.memory_space<vmem>>[vector<16xi32>], vector<16xf32>,
        %add3A_488 = arith.constant 6 : i32
        %add3A_489 = arith.addi %mul3A_191, %add3A_488 : i32
        %get3A_490 = arith.index_cast %add3A_489 : i32 to index
        %get3A_491 = arith.constant 0 : index
        %get3A_492 = tpu.vector_load %arg10[%get3A_490, %get3A_491] {strides = array<i32>} : memref<128x64xf32, #tpu.memory_space<vmem>>, vector<16xf32>,
        %mul3A_493 = arith.mulf %get3A_492, %gather3A_487 : vector<16xf32>
        %add3A_494 = arith.constant 6 : i32
        %add3A_495 = arith.addi %mul3A_191, %add3A_494 : i32
        %swap3A_496 = arith.index_cast %add3A_495 : i32 to index
        %swap3A_497 = arith.constant 0 : index
        %swap3A_498 = tpu.vector_load %arg10[%swap3A_496, %swap3A_497] {strides = array<i32>} : memref<128x64xf32, #tpu.memory_space<vmem>>, vector<16xf32>,
        tpu.vector_store %arg10[%swap3A_496, %swap3A_497], %mul3A_493 {strides = array<i32>} : memref<128x64xf32, #tpu.memory_space<vmem>>, vector<16xf32>,
        %add3A_499 = arith.constant 6 : i32
        %add3A_500 = arith.addi %mul3A_191, %add3A_499 : i32
        %get3A_501 = arith.index_cast %add3A_500 : i32 to index
        %get3A_502 = arith.constant 16 : index
        %get3A_503 = tpu.vector_load %arg10[%get3A_501, %get3A_502] {strides = array<i32>} : memref<128x64xf32, #tpu.memory_space<vmem>>, vector<16xf32>,
        %mul3A_504 = arith.mulf %get3A_503, %gather3A_487 : vector<16xf32>
        %add3A_505 = arith.constant 6 : i32
        %add3A_506 = arith.addi %mul3A_191, %add3A_505 : i32
        %swap3A_507 = arith.index_cast %add3A_506 : i32 to index
        %swap3A_508 = arith.constant 16 : index
        %swap3A_509 = tpu.vector_load %arg10[%swap3A_507, %swap3A_508] {strides = array<i32>} : memref<128x64xf32, #tpu.memory_space<vmem>>, vector<16xf32>,
        tpu.vector_store %arg10[%swap3A_507, %swap3A_508], %mul3A_504 {strides = array<i32>} : memref<128x64xf32, #tpu.memory_space<vmem>>, vector<16xf32>,
        %add3A_510 = arith.constant 6 : i32
        %add3A_511 = arith.addi %mul3A_191, %add3A_510 : i32
        %get3A_512 = arith.index_cast %add3A_511 : i32 to index
        %get3A_513 = arith.constant 32 : index
        %get3A_514 = tpu.vector_load %arg10[%get3A_512, %get3A_513] {strides = array<i32>} : memref<128x64xf32, #tpu.memory_space<vmem>>, vector<16xf32>,
        %mul3A_515 = arith.mulf %get3A_514, %gather3A_487 : vector<16xf32>
        %add3A_516 = arith.constant 6 : i32
        %add3A_517 = arith.addi %mul3A_191, %add3A_516 : i32
        %swap3A_518 = arith.index_cast %add3A_517 : i32 to index
        %swap3A_519 = arith.constant 32 : index
        %swap3A_520 = tpu.vector_load %arg10[%swap3A_518, %swap3A_519] {strides = array<i32>} : memref<128x64xf32, #tpu.memory_space<vmem>>, vector<16xf32>,
        tpu.vector_store %arg10[%swap3A_518, %swap3A_519], %mul3A_515 {strides = array<i32>} : memref<128x64xf32, #tpu.memory_space<vmem>>, vector<16xf32>,
        %add3A_521 = arith.constant 6 : i32
        %add3A_522 = arith.addi %mul3A_191, %add3A_521 : i32
        %get3A_523 = arith.index_cast %add3A_522 : i32 to index
        %get3A_524 = arith.constant 48 : index
        %get3A_525 = tpu.vector_load %arg10[%get3A_523, %get3A_524] {strides = array<i32>} : memref<128x64xf32, #tpu.memory_space<vmem>>, vector<16xf32>,
        %mul3A_526 = arith.mulf %get3A_525, %gather3A_487 : vector<16xf32>
        %add3A_527 = arith.constant 6 : i32
        %add3A_528 = arith.addi %mul3A_191, %add3A_527 : i32
        %swap3A_529 = arith.index_cast %add3A_528 : i32 to index
        %swap3A_530 = arith.constant 48 : index
        %swap3A_531 = tpu.vector_load %arg10[%swap3A_529, %swap3A_530] {strides = array<i32>} : memref<128x64xf32, #tpu.memory_space<vmem>>, vector<16xf32>,
        tpu.vector_store %arg10[%swap3A_529, %swap3A_530], %mul3A_526 {strides = array<i32>} : memref<128x64xf32, #tpu.memory_space<vmem>>, vector<16xf32>,
        %add3A_532 = arith.constant 7 : i32
        %add3A_533 = arith.addi %mul3A_191, %add3A_532 : i32
        %add3A_534 = vector.broadcast %add3A_533 : i32 to vector<16xi32>
        %add3A_535 = arith.addi %broadcast_in_dim3A_116, %add3A_534 : vector<16xi32>
        %gather3A_536 = tpu.vector_load_idx %arg9[%add3A_535] : memref<9728xf32, #tpu.memory_space<vmem>>[vector<16xi32>], vector<16xf32>,
        %add3A_537 = arith.constant 7 : i32
        %add3A_538 = arith.addi %mul3A_191, %add3A_537 : i32
        %get3A_539 = arith.index_cast %add3A_538 : i32 to index
        %get3A_540 = arith.constant 0 : index
        %get3A_541 = tpu.vector_load %arg10[%get3A_539, %get3A_540] {strides = array<i32>} : memref<128x64xf32, #tpu.memory_space<vmem>>, vector<16xf32>,
        %mul3A_542 = arith.mulf %get3A_541, %gather3A_536 : vector<16xf32>
        %add3A_543 = arith.constant 7 : i32
        %add3A_544 = arith.addi %mul3A_191, %add3A_543 : i32
        %swap3A_545 = arith.index_cast %add3A_544 : i32 to index
        %swap3A_546 = arith.constant 0 : index
        %swap3A_547 = tpu.vector_load %arg10[%swap3A_545, %swap3A_546] {strides = array<i32>} : memref<128x64xf32, #tpu.memory_space<vmem>>, vector<16xf32>,
        tpu.vector_store %arg10[%swap3A_545, %swap3A_546], %mul3A_542 {strides = array<i32>} : memref<128x64xf32, #tpu.memory_space<vmem>>, vector<16xf32>,
        %add3A_548 = arith.constant 7 : i32
        %add3A_549 = arith.addi %mul3A_191, %add3A_548 : i32
        %get3A_550 = arith.index_cast %add3A_549 : i32 to index
        %get3A_551 = arith.constant 16 : index
        %get3A_552 = tpu.vector_load %arg10[%get3A_550, %get3A_551] {strides = array<i32>} : memref<128x64xf32, #tpu.memory_space<vmem>>, vector<16xf32>,
        %mul3A_553 = arith.mulf %get3A_552, %gather3A_536 : vector<16xf32>
        %add3A_554 = arith.constant 7 : i32
        %add3A_555 = arith.addi %mul3A_191, %add3A_554 : i32
        %swap3A_556 = arith.index_cast %add3A_555 : i32 to index
        %swap3A_557 = arith.constant 16 : index
        %swap3A_558 = tpu.vector_load %arg10[%swap3A_556, %swap3A_557] {strides = array<i32>} : memref<128x64xf32, #tpu.memory_space<vmem>>, vector<16xf32>,
        tpu.vector_store %arg10[%swap3A_556, %swap3A_557], %mul3A_553 {strides = array<i32>} : memref<128x64xf32, #tpu.memory_space<vmem>>, vector<16xf32>,
        %add3A_559 = arith.constant 7 : i32
        %add3A_560 = arith.addi %mul3A_191, %add3A_559 : i32
        %get3A_561 = arith.index_cast %add3A_560 : i32 to index
        %get3A_562 = arith.constant 32 : index
        %get3A_563 = tpu.vector_load %arg10[%get3A_561, %get3A_562] {strides = array<i32>} : memref<128x64xf32, #tpu.memory_space<vmem>>, vector<16xf32>,
        %mul3A_564 = arith.mulf %get3A_563, %gather3A_536 : vector<16xf32>
        %add3A_565 = arith.constant 7 : i32
        %add3A_566 = arith.addi %mul3A_191, %add3A_565 : i32
        %swap3A_567 = arith.index_cast %add3A_566 : i32 to index
        %swap3A_568 = arith.constant 32 : index
        %swap3A_569 = tpu.vector_load %arg10[%swap3A_567, %swap3A_568] {strides = array<i32>} : memref<128x64xf32, #tpu.memory_space<vmem>>, vector<16xf32>,
        tpu.vector_store %arg10[%swap3A_567, %swap3A_568], %mul3A_564 {strides = array<i32>} : memref<128x64xf32, #tpu.memory_space<vmem>>, vector<16xf32>,
        %add3A_570 = arith.constant 7 : i32
        %add3A_571 = arith.addi %mul3A_191, %add3A_570 : i32
        %get3A_572 = arith.index_cast %add3A_571 : i32 to index
        %get3A_573 = arith.constant 48 : index
        %get3A_574 = tpu.vector_load %arg10[%get3A_572, %get3A_573] {strides = array<i32>} : memref<128x64xf32, #tpu.memory_space<vmem>>, vector<16xf32>,
        %mul3A_575 = arith.mulf %get3A_574, %gather3A_536 : vector<16xf32>
        %add3A_576 = arith.constant 7 : i32
        %add3A_577 = arith.addi %mul3A_191, %add3A_576 : i32
        %swap3A_578 = arith.index_cast %add3A_577 : i32 to index
        %swap3A_579 = arith.constant 48 : index
        %swap3A_580 = tpu.vector_load %arg10[%swap3A_578, %swap3A_579] {strides = array<i32>} : memref<128x64xf32, #tpu.memory_space<vmem>>, vector<16xf32>,
        tpu.vector_store %arg10[%swap3A_578, %swap3A_579], %mul3A_575 {strides = array<i32>} : memref<128x64xf32, #tpu.memory_space<vmem>>, vector<16xf32>,
        %scan3A_581 = arith.constant 0 : i32
        scf.yield %scan3A_581 : i32
      }
      %scan3A_123 = arith.constant 16 : i32
      %dma_start3A_124 = arith.constant 0 : i32
      %dma_start3A_125 = tpu.memref_slice %arg8[%add3A_107, %dma_start3A_124] : memref<76x128xi32, #tpu.memory_space<vmem>> -> memref<1x128xi32, #tpu.memory_space<vmem>>
      %dma_start3A_126 = tpu.memref_squeeze %dma_start3A_125 : memref<1x128xi32, #tpu.memory_space<vmem>> -> memref<128xi32, #tpu.memory_space<vmem>>
      %dma_start3A_127 = arith.constant 0 : i32
      %dma_start3A_128 = arith.constant 0 : i32
      %dma_start3A_129 = tpu.memref_slice %arg12[%dma_start3A_127, %dma_start3A_128] : memref<16384x64xf32, #tpu.memory_space<vmem_shared>> -> memref<16384x64xf32, #tpu.memory_space<vmem_shared>>
      tpu.enqueue_indirect_dma source(%arg10 : memref<128x64xf32, #tpu.memory_space<vmem>>) target(%dma_start3A_129 : memref<16384x64xf32, #tpu.memory_space<vmem_shared>>) offsets(%dma_start3A_126 : memref<128xi32, #tpu.memory_space<vmem>>) semaphore(%arg15 : memref<!tpu.dma_semaphore, #tpu.memory_space<semaphore_mem>>) {add = true}
      %add3A_130 = arith.constant 1 : i32
      %add3A_131 = arith.addi %mul3A_105, %add3A_130 : i32
      %dma_wait3A_132 = arith.constant 0 : i32
      %dma_wait3A_133 = tpu.memref_slice %arg7[%add3A_131, %dma_wait3A_132] : memref<76x128xi32, #tpu.memory_space<vmem>> -> memref<1x128xi32, #tpu.memory_space<vmem>>
      %dma_wait3A_134 = tpu.memref_squeeze %dma_wait3A_133 : memref<1x128xi32, #tpu.memory_space<vmem>> -> memref<128xi32, #tpu.memory_space<vmem>>
      %dma_wait3A_135 = arith.constant 0 : i32
      %dma_wait3A_136 = arith.constant 0 : i32
      %dma_wait3A_137 = tpu.memref_slice %arg2[%dma_wait3A_135, %dma_wait3A_136] : memref<16384x64xf32, #tpu.memory_space<hbm>> -> memref<16384x64xf32, #tpu.memory_space<hbm>>
      tpu.wait_indirect_dma semaphore(%arg14 : memref<!tpu.dma_semaphore, #tpu.memory_space<semaphore_mem>>) src(%dma_wait3A_137 : memref<16384x64xf32, #tpu.memory_space<hbm>>) dst(%arg11 : memref<128x64xf32, #tpu.memory_space<vmem>>)
      %mul3A_138 = arith.constant 128 : i32
      %mul3A_139 = arith.muli %add3A_131, %mul3A_138 : i32
      %broadcast_in_dim3A_140 = vector.broadcast %mul3A_139 : i32 to vector<16xi32>
      %scan3A_141 = arith.constant 0 : i32
      %scan3A_142 = arith.constant 0 : i32
      %scan3A_143 = arith.constant 16 : i32
      %scan3A_144 = arith.addi %scan3A_142, %scan3A_143 : i32
      %scan3A_145 = arith.constant 1 : i32
      %scan3A_146 = scf.for %scan3A_188 = %scan3A_142 to %scan3A_144 step %scan3A_145 iter_args(%scan3A_189 = %scan3A_141) -> (i32)  : i32 {
        %mul3A_190 = arith.constant 8 : i32
        %mul3A_191 = arith.muli %scan3A_188, %mul3A_190 : i32
        %add3A_192 = arith.constant 0 : i32
        %add3A_193 = arith.addi %mul3A_191, %add3A_192 : i32
        %add3A_194 = vector.broadcast %add3A_193 : i32 to vector<16xi32>
        %add3A_195 = arith.addi %broadcast_in_dim3A_140, %add3A_194 : vector<16xi32>
        %gather3A = tpu.vector_load_idx %arg9[%add3A_195] : memref<9728xf32, #tpu.memory_space<vmem>>[vector<16xi32>], vector<16xf32>,
        %add3A_196 = arith.constant 0 : i32
        %add3A_197 = arith.addi %mul3A_191, %add3A_196 : i32
        %get3A = arith.index_cast %add3A_197 : i32 to index
        %get3A_198 = arith.constant 0 : index
        %get3A_199 = tpu.vector_load %arg11[%get3A, %get3A_198] {strides = array<i32>} : memref<128x64xf32, #tpu.memory_space<vmem>>, vector<16xf32>,
        %mul3A_200 = arith.mulf %get3A_199, %gather3A : vector<16xf32>
        %add3A_201 = arith.constant 0 : i32
        %add3A_202 = arith.addi %mul3A_191, %add3A_201 : i32
        %swap3A = arith.index_cast %add3A_202 : i32 to index
        %swap3A_203 = arith.constant 0 : index
        %swap3A_204 = tpu.vector_load %arg11[%swap3A, %swap3A_203] {strides = array<i32>} : memref<128x64xf32, #tpu.memory_space<vmem>>, vector<16xf32>,
        tpu.vector_store %arg11[%swap3A, %swap3A_203], %mul3A_200 {strides = array<i32>} : memref<128x64xf32, #tpu.memory_space<vmem>>, vector<16xf32>,
        %add3A_205 = arith.constant 0 : i32
        %add3A_206 = arith.addi %mul3A_191, %add3A_205 : i32
        %get3A_207 = arith.index_cast %add3A_206 : i32 to index
        %get3A_208 = arith.constant 16 : index
        %get3A_209 = tpu.vector_load %arg11[%get3A_207, %get3A_208] {strides = array<i32>} : memref<128x64xf32, #tpu.memory_space<vmem>>, vector<16xf32>,
        %mul3A_210 = arith.mulf %get3A_209, %gather3A : vector<16xf32>
        %add3A_211 = arith.constant 0 : i32
        %add3A_212 = arith.addi %mul3A_191, %add3A_211 : i32
        %swap3A_213 = arith.index_cast %add3A_212 : i32 to index
        %swap3A_214 = arith.constant 16 : index
        %swap3A_215 = tpu.vector_load %arg11[%swap3A_213, %swap3A_214] {strides = array<i32>} : memref<128x64xf32, #tpu.memory_space<vmem>>, vector<16xf32>,
        tpu.vector_store %arg11[%swap3A_213, %swap3A_214], %mul3A_210 {strides = array<i32>} : memref<128x64xf32, #tpu.memory_space<vmem>>, vector<16xf32>,
        %add3A_216 = arith.constant 0 : i32
        %add3A_217 = arith.addi %mul3A_191, %add3A_216 : i32
        %get3A_218 = arith.index_cast %add3A_217 : i32 to index
        %get3A_219 = arith.constant 32 : index
        %get3A_220 = tpu.vector_load %arg11[%get3A_218, %get3A_219] {strides = array<i32>} : memref<128x64xf32, #tpu.memory_space<vmem>>, vector<16xf32>,
        %mul3A_221 = arith.mulf %get3A_220, %gather3A : vector<16xf32>
        %add3A_222 = arith.constant 0 : i32
        %add3A_223 = arith.addi %mul3A_191, %add3A_222 : i32
        %swap3A_224 = arith.index_cast %add3A_223 : i32 to index
        %swap3A_225 = arith.constant 32 : index
        %swap3A_226 = tpu.vector_load %arg11[%swap3A_224, %swap3A_225] {strides = array<i32>} : memref<128x64xf32, #tpu.memory_space<vmem>>, vector<16xf32>,
        tpu.vector_store %arg11[%swap3A_224, %swap3A_225], %mul3A_221 {strides = array<i32>} : memref<128x64xf32, #tpu.memory_space<vmem>>, vector<16xf32>,
        %add3A_227 = arith.constant 0 : i32
        %add3A_228 = arith.addi %mul3A_191, %add3A_227 : i32
        %get3A_229 = arith.index_cast %add3A_228 : i32 to index
        %get3A_230 = arith.constant 48 : index
        %get3A_231 = tpu.vector_load %arg11[%get3A_229, %get3A_230] {strides = array<i32>} : memref<128x64xf32, #tpu.memory_space<vmem>>, vector<16xf32>,
        %mul3A_232 = arith.mulf %get3A_231, %gather3A : vector<16xf32>
        %add3A_233 = arith.constant 0 : i32
        %add3A_234 = arith.addi %mul3A_191, %add3A_233 : i32
        %swap3A_235 = arith.index_cast %add3A_234 : i32 to index
        %swap3A_236 = arith.constant 48 : index
        %swap3A_237 = tpu.vector_load %arg11[%swap3A_235, %swap3A_236] {strides = array<i32>} : memref<128x64xf32, #tpu.memory_space<vmem>>, vector<16xf32>,
        tpu.vector_store %arg11[%swap3A_235, %swap3A_236], %mul3A_232 {strides = array<i32>} : memref<128x64xf32, #tpu.memory_space<vmem>>, vector<16xf32>,
        %add3A_238 = arith.constant 1 : i32
        %add3A_239 = arith.addi %mul3A_191, %add3A_238 : i32
        %add3A_240 = vector.broadcast %add3A_239 : i32 to vector<16xi32>
        %add3A_241 = arith.addi %broadcast_in_dim3A_140, %add3A_240 : vector<16xi32>
        %gather3A_242 = tpu.vector_load_idx %arg9[%add3A_241] : memref<9728xf32, #tpu.memory_space<vmem>>[vector<16xi32>], vector<16xf32>,
        %add3A_243 = arith.constant 1 : i32
        %add3A_244 = arith.addi %mul3A_191, %add3A_243 : i32
        %get3A_245 = arith.index_cast %add3A_244 : i32 to index
        %get3A_246 = arith.constant 0 : index
        %get3A_247 = tpu.vector_load %arg11[%get3A_245, %get3A_246] {strides = array<i32>} : memref<128x64xf32, #tpu.memory_space<vmem>>, vector<16xf32>,
        %mul3A_248 = arith.mulf %get3A_247, %gather3A_242 : vector<16xf32>
        %add3A_249 = arith.constant 1 : i32
        %add3A_250 = arith.addi %mul3A_191, %add3A_249 : i32
        %swap3A_251 = arith.index_cast %add3A_250 : i32 to index
        %swap3A_252 = arith.constant 0 : index
        %swap3A_253 = tpu.vector_load %arg11[%swap3A_251, %swap3A_252] {strides = array<i32>} : memref<128x64xf32, #tpu.memory_space<vmem>>, vector<16xf32>,
        tpu.vector_store %arg11[%swap3A_251, %swap3A_252], %mul3A_248 {strides = array<i32>} : memref<128x64xf32, #tpu.memory_space<vmem>>, vector<16xf32>,
        %add3A_254 = arith.constant 1 : i32
        %add3A_255 = arith.addi %mul3A_191, %add3A_254 : i32
        %get3A_256 = arith.index_cast %add3A_255 : i32 to index
        %get3A_257 = arith.constant 16 : index
        %get3A_258 = tpu.vector_load %arg11[%get3A_256, %get3A_257] {strides = array<i32>} : memref<128x64xf32, #tpu.memory_space<vmem>>, vector<16xf32>,
        %mul3A_259 = arith.mulf %get3A_258, %gather3A_242 : vector<16xf32>
        %add3A_260 = arith.constant 1 : i32
        %add3A_261 = arith.addi %mul3A_191, %add3A_260 : i32
        %swap3A_262 = arith.index_cast %add3A_261 : i32 to index
        %swap3A_263 = arith.constant 16 : index
        %swap3A_264 = tpu.vector_load %arg11[%swap3A_262, %swap3A_263] {strides = array<i32>} : memref<128x64xf32, #tpu.memory_space<vmem>>, vector<16xf32>,
        tpu.vector_store %arg11[%swap3A_262, %swap3A_263], %mul3A_259 {strides = array<i32>} : memref<128x64xf32, #tpu.memory_space<vmem>>, vector<16xf32>,
        %add3A_265 = arith.constant 1 : i32
        %add3A_266 = arith.addi %mul3A_191, %add3A_265 : i32
        %get3A_267 = arith.index_cast %add3A_266 : i32 to index
        %get3A_268 = arith.constant 32 : index
        %get3A_269 = tpu.vector_load %arg11[%get3A_267, %get3A_268] {strides = array<i32>} : memref<128x64xf32, #tpu.memory_space<vmem>>, vector<16xf32>,
        %mul3A_270 = arith.mulf %get3A_269, %gather3A_242 : vector<16xf32>
        %add3A_271 = arith.constant 1 : i32
        %add3A_272 = arith.addi %mul3A_191, %add3A_271 : i32
        %swap3A_273 = arith.index_cast %add3A_272 : i32 to index
        %swap3A_274 = arith.constant 32 : index
        %swap3A_275 = tpu.vector_load %arg11[%swap3A_273, %swap3A_274] {strides = array<i32>} : memref<128x64xf32, #tpu.memory_space<vmem>>, vector<16xf32>,
        tpu.vector_store %arg11[%swap3A_273, %swap3A_274], %mul3A_270 {strides = array<i32>} : memref<128x64xf32, #tpu.memory_space<vmem>>, vector<16xf32>,
        %add3A_276 = arith.constant 1 : i32
        %add3A_277 = arith.addi %mul3A_191, %add3A_276 : i32
        %get3A_278 = arith.index_cast %add3A_277 : i32 to index
        %get3A_279 = arith.constant 48 : index
        %get3A_280 = tpu.vector_load %arg11[%get3A_278, %get3A_279] {strides = array<i32>} : memref<128x64xf32, #tpu.memory_space<vmem>>, vector<16xf32>,
        %mul3A_281 = arith.mulf %get3A_280, %gather3A_242 : vector<16xf32>
        %add3A_282 = arith.constant 1 : i32
        %add3A_283 = arith.addi %mul3A_191, %add3A_282 : i32
        %swap3A_284 = arith.index_cast %add3A_283 : i32 to index
        %swap3A_285 = arith.constant 48 : index
        %swap3A_286 = tpu.vector_load %arg11[%swap3A_284, %swap3A_285] {strides = array<i32>} : memref<128x64xf32, #tpu.memory_space<vmem>>, vector<16xf32>,
        tpu.vector_store %arg11[%swap3A_284, %swap3A_285], %mul3A_281 {strides = array<i32>} : memref<128x64xf32, #tpu.memory_space<vmem>>, vector<16xf32>,
        %add3A_287 = arith.constant 2 : i32
        %add3A_288 = arith.addi %mul3A_191, %add3A_287 : i32
        %add3A_289 = vector.broadcast %add3A_288 : i32 to vector<16xi32>
        %add3A_290 = arith.addi %broadcast_in_dim3A_140, %add3A_289 : vector<16xi32>
        %gather3A_291 = tpu.vector_load_idx %arg9[%add3A_290] : memref<9728xf32, #tpu.memory_space<vmem>>[vector<16xi32>], vector<16xf32>,
        %add3A_292 = arith.constant 2 : i32
        %add3A_293 = arith.addi %mul3A_191, %add3A_292 : i32
        %get3A_294 = arith.index_cast %add3A_293 : i32 to index
        %get3A_295 = arith.constant 0 : index
        %get3A_296 = tpu.vector_load %arg11[%get3A_294, %get3A_295] {strides = array<i32>} : memref<128x64xf32, #tpu.memory_space<vmem>>, vector<16xf32>,
        %mul3A_297 = arith.mulf %get3A_296, %gather3A_291 : vector<16xf32>
        %add3A_298 = arith.constant 2 : i32
        %add3A_299 = arith.addi %mul3A_191, %add3A_298 : i32
        %swap3A_300 = arith.index_cast %add3A_299 : i32 to index
        %swap3A_301 = arith.constant 0 : index
        %swap3A_302 = tpu.vector_load %arg11[%swap3A_300, %swap3A_301] {strides = array<i32>} : memref<128x64xf32, #tpu.memory_space<vmem>>, vector<16xf32>,
        tpu.vector_store %arg11[%swap3A_300, %swap3A_301], %mul3A_297 {strides = array<i32>} : memref<128x64xf32, #tpu.memory_space<vmem>>, vector<16xf32>,
        %add3A_303 = arith.constant 2 : i32
        %add3A_304 = arith.addi %mul3A_191, %add3A_303 : i32
        %get3A_305 = arith.index_cast %add3A_304 : i32 to index
        %get3A_306 = arith.constant 16 : index
        %get3A_307 = tpu.vector_load %arg11[%get3A_305, %get3A_306] {strides = array<i32>} : memref<128x64xf32, #tpu.memory_space<vmem>>, vector<16xf32>,
        %mul3A_308 = arith.mulf %get3A_307, %gather3A_291 : vector<16xf32>
        %add3A_309 = arith.constant 2 : i32
        %add3A_310 = arith.addi %mul3A_191, %add3A_309 : i32
        %swap3A_311 = arith.index_cast %add3A_310 : i32 to index
        %swap3A_312 = arith.constant 16 : index
        %swap3A_313 = tpu.vector_load %arg11[%swap3A_311, %swap3A_312] {strides = array<i32>} : memref<128x64xf32, #tpu.memory_space<vmem>>, vector<16xf32>,
        tpu.vector_store %arg11[%swap3A_311, %swap3A_312], %mul3A_308 {strides = array<i32>} : memref<128x64xf32, #tpu.memory_space<vmem>>, vector<16xf32>,
        %add3A_314 = arith.constant 2 : i32
        %add3A_315 = arith.addi %mul3A_191, %add3A_314 : i32
        %get3A_316 = arith.index_cast %add3A_315 : i32 to index
        %get3A_317 = arith.constant 32 : index
        %get3A_318 = tpu.vector_load %arg11[%get3A_316, %get3A_317] {strides = array<i32>} : memref<128x64xf32, #tpu.memory_space<vmem>>, vector<16xf32>,
        %mul3A_319 = arith.mulf %get3A_318, %gather3A_291 : vector<16xf32>
        %add3A_320 = arith.constant 2 : i32
        %add3A_321 = arith.addi %mul3A_191, %add3A_320 : i32
        %swap3A_322 = arith.index_cast %add3A_321 : i32 to index
        %swap3A_323 = arith.constant 32 : index
        %swap3A_324 = tpu.vector_load %arg11[%swap3A_322, %swap3A_323] {strides = array<i32>} : memref<128x64xf32, #tpu.memory_space<vmem>>, vector<16xf32>,
        tpu.vector_store %arg11[%swap3A_322, %swap3A_323], %mul3A_319 {strides = array<i32>} : memref<128x64xf32, #tpu.memory_space<vmem>>, vector<16xf32>,
        %add3A_325 = arith.constant 2 : i32
        %add3A_326 = arith.addi %mul3A_191, %add3A_325 : i32
        %get3A_327 = arith.index_cast %add3A_326 : i32 to index
        %get3A_328 = arith.constant 48 : index
        %get3A_329 = tpu.vector_load %arg11[%get3A_327, %get3A_328] {strides = array<i32>} : memref<128x64xf32, #tpu.memory_space<vmem>>, vector<16xf32>,
        %mul3A_330 = arith.mulf %get3A_329, %gather3A_291 : vector<16xf32>
        %add3A_331 = arith.constant 2 : i32
        %add3A_332 = arith.addi %mul3A_191, %add3A_331 : i32
        %swap3A_333 = arith.index_cast %add3A_332 : i32 to index
        %swap3A_334 = arith.constant 48 : index
        %swap3A_335 = tpu.vector_load %arg11[%swap3A_333, %swap3A_334] {strides = array<i32>} : memref<128x64xf32, #tpu.memory_space<vmem>>, vector<16xf32>,
        tpu.vector_store %arg11[%swap3A_333, %swap3A_334], %mul3A_330 {strides = array<i32>} : memref<128x64xf32, #tpu.memory_space<vmem>>, vector<16xf32>,
        %add3A_336 = arith.constant 3 : i32
        %add3A_337 = arith.addi %mul3A_191, %add3A_336 : i32
        %add3A_338 = vector.broadcast %add3A_337 : i32 to vector<16xi32>
        %add3A_339 = arith.addi %broadcast_in_dim3A_140, %add3A_338 : vector<16xi32>
        %gather3A_340 = tpu.vector_load_idx %arg9[%add3A_339] : memref<9728xf32, #tpu.memory_space<vmem>>[vector<16xi32>], vector<16xf32>,
        %add3A_341 = arith.constant 3 : i32
        %add3A_342 = arith.addi %mul3A_191, %add3A_341 : i32
        %get3A_343 = arith.index_cast %add3A_342 : i32 to index
        %get3A_344 = arith.constant 0 : index
        %get3A_345 = tpu.vector_load %arg11[%get3A_343, %get3A_344] {strides = array<i32>} : memref<128x64xf32, #tpu.memory_space<vmem>>, vector<16xf32>,
        %mul3A_346 = arith.mulf %get3A_345, %gather3A_340 : vector<16xf32>
        %add3A_347 = arith.constant 3 : i32
        %add3A_348 = arith.addi %mul3A_191, %add3A_347 : i32
        %swap3A_349 = arith.index_cast %add3A_348 : i32 to index
        %swap3A_350 = arith.constant 0 : index
        %swap3A_351 = tpu.vector_load %arg11[%swap3A_349, %swap3A_350] {strides = array<i32>} : memref<128x64xf32, #tpu.memory_space<vmem>>, vector<16xf32>,
        tpu.vector_store %arg11[%swap3A_349, %swap3A_350], %mul3A_346 {strides = array<i32>} : memref<128x64xf32, #tpu.memory_space<vmem>>, vector<16xf32>,
        %add3A_352 = arith.constant 3 : i32
        %add3A_353 = arith.addi %mul3A_191, %add3A_352 : i32
        %get3A_354 = arith.index_cast %add3A_353 : i32 to index
        %get3A_355 = arith.constant 16 : index
        %get3A_356 = tpu.vector_load %arg11[%get3A_354, %get3A_355] {strides = array<i32>} : memref<128x64xf32, #tpu.memory_space<vmem>>, vector<16xf32>,
        %mul3A_357 = arith.mulf %get3A_356, %gather3A_340 : vector<16xf32>
        %add3A_358 = arith.constant 3 : i32
        %add3A_359 = arith.addi %mul3A_191, %add3A_358 : i32
        %swap3A_360 = arith.index_cast %add3A_359 : i32 to index
        %swap3A_361 = arith.constant 16 : index
        %swap3A_362 = tpu.vector_load %arg11[%swap3A_360, %swap3A_361] {strides = array<i32>} : memref<128x64xf32, #tpu.memory_space<vmem>>, vector<16xf32>,
        tpu.vector_store %arg11[%swap3A_360, %swap3A_361], %mul3A_357 {strides = array<i32>} : memref<128x64xf32, #tpu.memory_space<vmem>>, vector<16xf32>,
        %add3A_363 = arith.constant 3 : i32
        %add3A_364 = arith.addi %mul3A_191, %add3A_363 : i32
        %get3A_365 = arith.index_cast %add3A_364 : i32 to index
        %get3A_366 = arith.constant 32 : index
        %get3A_367 = tpu.vector_load %arg11[%get3A_365, %get3A_366] {strides = array<i32>} : memref<128x64xf32, #tpu.memory_space<vmem>>, vector<16xf32>,
        %mul3A_368 = arith.mulf %get3A_367, %gather3A_340 : vector<16xf32>
        %add3A_369 = arith.constant 3 : i32
        %add3A_370 = arith.addi %mul3A_191, %add3A_369 : i32
        %swap3A_371 = arith.index_cast %add3A_370 : i32 to index
        %swap3A_372 = arith.constant 32 : index
        %swap3A_373 = tpu.vector_load %arg11[%swap3A_371, %swap3A_372] {strides = array<i32>} : memref<128x64xf32, #tpu.memory_space<vmem>>, vector<16xf32>,
        tpu.vector_store %arg11[%swap3A_371, %swap3A_372], %mul3A_368 {strides = array<i32>} : memref<128x64xf32, #tpu.memory_space<vmem>>, vector<16xf32>,
        %add3A_374 = arith.constant 3 : i32
        %add3A_375 = arith.addi %mul3A_191, %add3A_374 : i32
        %get3A_376 = arith.index_cast %add3A_375 : i32 to index
        %get3A_377 = arith.constant 48 : index
        %get3A_378 = tpu.vector_load %arg11[%get3A_376, %get3A_377] {strides = array<i32>} : memref<128x64xf32, #tpu.memory_space<vmem>>, vector<16xf32>,
        %mul3A_379 = arith.mulf %get3A_378, %gather3A_340 : vector<16xf32>
        %add3A_380 = arith.constant 3 : i32
        %add3A_381 = arith.addi %mul3A_191, %add3A_380 : i32
        %swap3A_382 = arith.index_cast %add3A_381 : i32 to index
        %swap3A_383 = arith.constant 48 : index
        %swap3A_384 = tpu.vector_load %arg11[%swap3A_382, %swap3A_383] {strides = array<i32>} : memref<128x64xf32, #tpu.memory_space<vmem>>, vector<16xf32>,
        tpu.vector_store %arg11[%swap3A_382, %swap3A_383], %mul3A_379 {strides = array<i32>} : memref<128x64xf32, #tpu.memory_space<vmem>>, vector<16xf32>,
        %add3A_385 = arith.constant 4 : i32
        %add3A_386 = arith.addi %mul3A_191, %add3A_385 : i32
        %add3A_387 = vector.broadcast %add3A_386 : i32 to vector<16xi32>
        %add3A_388 = arith.addi %broadcast_in_dim3A_140, %add3A_387 : vector<16xi32>
        %gather3A_389 = tpu.vector_load_idx %arg9[%add3A_388] : memref<9728xf32, #tpu.memory_space<vmem>>[vector<16xi32>], vector<16xf32>,
        %add3A_390 = arith.constant 4 : i32
        %add3A_391 = arith.addi %mul3A_191, %add3A_390 : i32
        %get3A_392 = arith.index_cast %add3A_391 : i32 to index
        %get3A_393 = arith.constant 0 : index
        %get3A_394 = tpu.vector_load %arg11[%get3A_392, %get3A_393] {strides = array<i32>} : memref<128x64xf32, #tpu.memory_space<vmem>>, vector<16xf32>,
        %mul3A_395 = arith.mulf %get3A_394, %gather3A_389 : vector<16xf32>
        %add3A_396 = arith.constant 4 : i32
        %add3A_397 = arith.addi %mul3A_191, %add3A_396 : i32
        %swap3A_398 = arith.index_cast %add3A_397 : i32 to index
        %swap3A_399 = arith.constant 0 : index
        %swap3A_400 = tpu.vector_load %arg11[%swap3A_398, %swap3A_399] {strides = array<i32>} : memref<128x64xf32, #tpu.memory_space<vmem>>, vector<16xf32>,
        tpu.vector_store %arg11[%swap3A_398, %swap3A_399], %mul3A_395 {strides = array<i32>} : memref<128x64xf32, #tpu.memory_space<vmem>>, vector<16xf32>,
        %add3A_401 = arith.constant 4 : i32
        %add3A_402 = arith.addi %mul3A_191, %add3A_401 : i32
        %get3A_403 = arith.index_cast %add3A_402 : i32 to index
        %get3A_404 = arith.constant 16 : index
        %get3A_405 = tpu.vector_load %arg11[%get3A_403, %get3A_404] {strides = array<i32>} : memref<128x64xf32, #tpu.memory_space<vmem>>, vector<16xf32>,
        %mul3A_406 = arith.mulf %get3A_405, %gather3A_389 : vector<16xf32>
        %add3A_407 = arith.constant 4 : i32
        %add3A_408 = arith.addi %mul3A_191, %add3A_407 : i32
        %swap3A_409 = arith.index_cast %add3A_408 : i32 to index
        %swap3A_410 = arith.constant 16 : index
        %swap3A_411 = tpu.vector_load %arg11[%swap3A_409, %swap3A_410] {strides = array<i32>} : memref<128x64xf32, #tpu.memory_space<vmem>>, vector<16xf32>,
        tpu.vector_store %arg11[%swap3A_409, %swap3A_410], %mul3A_406 {strides = array<i32>} : memref<128x64xf32, #tpu.memory_space<vmem>>, vector<16xf32>,
        %add3A_412 = arith.constant 4 : i32
        %add3A_413 = arith.addi %mul3A_191, %add3A_412 : i32
        %get3A_414 = arith.index_cast %add3A_413 : i32 to index
        %get3A_415 = arith.constant 32 : index
        %get3A_416 = tpu.vector_load %arg11[%get3A_414, %get3A_415] {strides = array<i32>} : memref<128x64xf32, #tpu.memory_space<vmem>>, vector<16xf32>,
        %mul3A_417 = arith.mulf %get3A_416, %gather3A_389 : vector<16xf32>
        %add3A_418 = arith.constant 4 : i32
        %add3A_419 = arith.addi %mul3A_191, %add3A_418 : i32
        %swap3A_420 = arith.index_cast %add3A_419 : i32 to index
        %swap3A_421 = arith.constant 32 : index
        %swap3A_422 = tpu.vector_load %arg11[%swap3A_420, %swap3A_421] {strides = array<i32>} : memref<128x64xf32, #tpu.memory_space<vmem>>, vector<16xf32>,
        tpu.vector_store %arg11[%swap3A_420, %swap3A_421], %mul3A_417 {strides = array<i32>} : memref<128x64xf32, #tpu.memory_space<vmem>>, vector<16xf32>,
        %add3A_423 = arith.constant 4 : i32
        %add3A_424 = arith.addi %mul3A_191, %add3A_423 : i32
        %get3A_425 = arith.index_cast %add3A_424 : i32 to index
        %get3A_426 = arith.constant 48 : index
        %get3A_427 = tpu.vector_load %arg11[%get3A_425, %get3A_426] {strides = array<i32>} : memref<128x64xf32, #tpu.memory_space<vmem>>, vector<16xf32>,
        %mul3A_428 = arith.mulf %get3A_427, %gather3A_389 : vector<16xf32>
        %add3A_429 = arith.constant 4 : i32
        %add3A_430 = arith.addi %mul3A_191, %add3A_429 : i32
        %swap3A_431 = arith.index_cast %add3A_430 : i32 to index
        %swap3A_432 = arith.constant 48 : index
        %swap3A_433 = tpu.vector_load %arg11[%swap3A_431, %swap3A_432] {strides = array<i32>} : memref<128x64xf32, #tpu.memory_space<vmem>>, vector<16xf32>,
        tpu.vector_store %arg11[%swap3A_431, %swap3A_432], %mul3A_428 {strides = array<i32>} : memref<128x64xf32, #tpu.memory_space<vmem>>, vector<16xf32>,
        %add3A_434 = arith.constant 5 : i32
        %add3A_435 = arith.addi %mul3A_191, %add3A_434 : i32
        %add3A_436 = vector.broadcast %add3A_435 : i32 to vector<16xi32>
        %add3A_437 = arith.addi %broadcast_in_dim3A_140, %add3A_436 : vector<16xi32>
        %gather3A_438 = tpu.vector_load_idx %arg9[%add3A_437] : memref<9728xf32, #tpu.memory_space<vmem>>[vector<16xi32>], vector<16xf32>,
        %add3A_439 = arith.constant 5 : i32
        %add3A_440 = arith.addi %mul3A_191, %add3A_439 : i32
        %get3A_441 = arith.index_cast %add3A_440 : i32 to index
        %get3A_442 = arith.constant 0 : index
        %get3A_443 = tpu.vector_load %arg11[%get3A_441, %get3A_442] {strides = array<i32>} : memref<128x64xf32, #tpu.memory_space<vmem>>, vector<16xf32>,
        %mul3A_444 = arith.mulf %get3A_443, %gather3A_438 : vector<16xf32>
        %add3A_445 = arith.constant 5 : i32
        %add3A_446 = arith.addi %mul3A_191, %add3A_445 : i32
        %swap3A_447 = arith.index_cast %add3A_446 : i32 to index
        %swap3A_448 = arith.constant 0 : index
        %swap3A_449 = tpu.vector_load %arg11[%swap3A_447, %swap3A_448] {strides = array<i32>} : memref<128x64xf32, #tpu.memory_space<vmem>>, vector<16xf32>,
        tpu.vector_store %arg11[%swap3A_447, %swap3A_448], %mul3A_444 {strides = array<i32>} : memref<128x64xf32, #tpu.memory_space<vmem>>, vector<16xf32>,
        %add3A_450 = arith.constant 5 : i32
        %add3A_451 = arith.addi %mul3A_191, %add3A_450 : i32
        %get3A_452 = arith.index_cast %add3A_451 : i32 to index
        %get3A_453 = arith.constant 16 : index
        %get3A_454 = tpu.vector_load %arg11[%get3A_452, %get3A_453] {strides = array<i32>} : memref<128x64xf32, #tpu.memory_space<vmem>>, vector<16xf32>,
        %mul3A_455 = arith.mulf %get3A_454, %gather3A_438 : vector<16xf32>
        %add3A_456 = arith.constant 5 : i32
        %add3A_457 = arith.addi %mul3A_191, %add3A_456 : i32
        %swap3A_458 = arith.index_cast %add3A_457 : i32 to index
        %swap3A_459 = arith.constant 16 : index
        %swap3A_460 = tpu.vector_load %arg11[%swap3A_458, %swap3A_459] {strides = array<i32>} : memref<128x64xf32, #tpu.memory_space<vmem>>, vector<16xf32>,
        tpu.vector_store %arg11[%swap3A_458, %swap3A_459], %mul3A_455 {strides = array<i32>} : memref<128x64xf32, #tpu.memory_space<vmem>>, vector<16xf32>,
        %add3A_461 = arith.constant 5 : i32
        %add3A_462 = arith.addi %mul3A_191, %add3A_461 : i32
        %get3A_463 = arith.index_cast %add3A_462 : i32 to index
        %get3A_464 = arith.constant 32 : index
        %get3A_465 = tpu.vector_load %arg11[%get3A_463, %get3A_464] {strides = array<i32>} : memref<128x64xf32, #tpu.memory_space<vmem>>, vector<16xf32>,
        %mul3A_466 = arith.mulf %get3A_465, %gather3A_438 : vector<16xf32>
        %add3A_467 = arith.constant 5 : i32
        %add3A_468 = arith.addi %mul3A_191, %add3A_467 : i32
        %swap3A_469 = arith.index_cast %add3A_468 : i32 to index
        %swap3A_470 = arith.constant 32 : index
        %swap3A_471 = tpu.vector_load %arg11[%swap3A_469, %swap3A_470] {strides = array<i32>} : memref<128x64xf32, #tpu.memory_space<vmem>>, vector<16xf32>,
        tpu.vector_store %arg11[%swap3A_469, %swap3A_470], %mul3A_466 {strides = array<i32>} : memref<128x64xf32, #tpu.memory_space<vmem>>, vector<16xf32>,
        %add3A_472 = arith.constant 5 : i32
        %add3A_473 = arith.addi %mul3A_191, %add3A_472 : i32
        %get3A_474 = arith.index_cast %add3A_473 : i32 to index
        %get3A_475 = arith.constant 48 : index
        %get3A_476 = tpu.vector_load %arg11[%get3A_474, %get3A_475] {strides = array<i32>} : memref<128x64xf32, #tpu.memory_space<vmem>>, vector<16xf32>,
        %mul3A_477 = arith.mulf %get3A_476, %gather3A_438 : vector<16xf32>
        %add3A_478 = arith.constant 5 : i32
        %add3A_479 = arith.addi %mul3A_191, %add3A_478 : i32
        %swap3A_480 = arith.index_cast %add3A_479 : i32 to index
        %swap3A_481 = arith.constant 48 : index
        %swap3A_482 = tpu.vector_load %arg11[%swap3A_480, %swap3A_481] {strides = array<i32>} : memref<128x64xf32, #tpu.memory_space<vmem>>, vector<16xf32>,
        tpu.vector_store %arg11[%swap3A_480, %swap3A_481], %mul3A_477 {strides = array<i32>} : memref<128x64xf32, #tpu.memory_space<vmem>>, vector<16xf32>,
        %add3A_483 = arith.constant 6 : i32
        %add3A_484 = arith.addi %mul3A_191, %add3A_483 : i32
        %add3A_485 = vector.broadcast %add3A_484 : i32 to vector<16xi32>
        %add3A_486 = arith.addi %broadcast_in_dim3A_140, %add3A_485 : vector<16xi32>
        %gather3A_487 = tpu.vector_load_idx %arg9[%add3A_486] : memref<9728xf32, #tpu.memory_space<vmem>>[vector<16xi32>], vector<16xf32>,
        %add3A_488 = arith.constant 6 : i32
        %add3A_489 = arith.addi %mul3A_191, %add3A_488 : i32
        %get3A_490 = arith.index_cast %add3A_489 : i32 to index
        %get3A_491 = arith.constant 0 : index
        %get3A_492 = tpu.vector_load %arg11[%get3A_490, %get3A_491] {strides = array<i32>} : memref<128x64xf32, #tpu.memory_space<vmem>>, vector<16xf32>,
        %mul3A_493 = arith.mulf %get3A_492, %gather3A_487 : vector<16xf32>
        %add3A_494 = arith.constant 6 : i32
        %add3A_495 = arith.addi %mul3A_191, %add3A_494 : i32
        %swap3A_496 = arith.index_cast %add3A_495 : i32 to index
        %swap3A_497 = arith.constant 0 : index
        %swap3A_498 = tpu.vector_load %arg11[%swap3A_496, %swap3A_497] {strides = array<i32>} : memref<128x64xf32, #tpu.memory_space<vmem>>, vector<16xf32>,
        tpu.vector_store %arg11[%swap3A_496, %swap3A_497], %mul3A_493 {strides = array<i32>} : memref<128x64xf32, #tpu.memory_space<vmem>>, vector<16xf32>,
        %add3A_499 = arith.constant 6 : i32
        %add3A_500 = arith.addi %mul3A_191, %add3A_499 : i32
        %get3A_501 = arith.index_cast %add3A_500 : i32 to index
        %get3A_502 = arith.constant 16 : index
        %get3A_503 = tpu.vector_load %arg11[%get3A_501, %get3A_502] {strides = array<i32>} : memref<128x64xf32, #tpu.memory_space<vmem>>, vector<16xf32>,
        %mul3A_504 = arith.mulf %get3A_503, %gather3A_487 : vector<16xf32>
        %add3A_505 = arith.constant 6 : i32
        %add3A_506 = arith.addi %mul3A_191, %add3A_505 : i32
        %swap3A_507 = arith.index_cast %add3A_506 : i32 to index
        %swap3A_508 = arith.constant 16 : index
        %swap3A_509 = tpu.vector_load %arg11[%swap3A_507, %swap3A_508] {strides = array<i32>} : memref<128x64xf32, #tpu.memory_space<vmem>>, vector<16xf32>,
        tpu.vector_store %arg11[%swap3A_507, %swap3A_508], %mul3A_504 {strides = array<i32>} : memref<128x64xf32, #tpu.memory_space<vmem>>, vector<16xf32>,
        %add3A_510 = arith.constant 6 : i32
        %add3A_511 = arith.addi %mul3A_191, %add3A_510 : i32
        %get3A_512 = arith.index_cast %add3A_511 : i32 to index
        %get3A_513 = arith.constant 32 : index
        %get3A_514 = tpu.vector_load %arg11[%get3A_512, %get3A_513] {strides = array<i32>} : memref<128x64xf32, #tpu.memory_space<vmem>>, vector<16xf32>,
        %mul3A_515 = arith.mulf %get3A_514, %gather3A_487 : vector<16xf32>
        %add3A_516 = arith.constant 6 : i32
        %add3A_517 = arith.addi %mul3A_191, %add3A_516 : i32
        %swap3A_518 = arith.index_cast %add3A_517 : i32 to index
        %swap3A_519 = arith.constant 32 : index
        %swap3A_520 = tpu.vector_load %arg11[%swap3A_518, %swap3A_519] {strides = array<i32>} : memref<128x64xf32, #tpu.memory_space<vmem>>, vector<16xf32>,
        tpu.vector_store %arg11[%swap3A_518, %swap3A_519], %mul3A_515 {strides = array<i32>} : memref<128x64xf32, #tpu.memory_space<vmem>>, vector<16xf32>,
        %add3A_521 = arith.constant 6 : i32
        %add3A_522 = arith.addi %mul3A_191, %add3A_521 : i32
        %get3A_523 = arith.index_cast %add3A_522 : i32 to index
        %get3A_524 = arith.constant 48 : index
        %get3A_525 = tpu.vector_load %arg11[%get3A_523, %get3A_524] {strides = array<i32>} : memref<128x64xf32, #tpu.memory_space<vmem>>, vector<16xf32>,
        %mul3A_526 = arith.mulf %get3A_525, %gather3A_487 : vector<16xf32>
        %add3A_527 = arith.constant 6 : i32
        %add3A_528 = arith.addi %mul3A_191, %add3A_527 : i32
        %swap3A_529 = arith.index_cast %add3A_528 : i32 to index
        %swap3A_530 = arith.constant 48 : index
        %swap3A_531 = tpu.vector_load %arg11[%swap3A_529, %swap3A_530] {strides = array<i32>} : memref<128x64xf32, #tpu.memory_space<vmem>>, vector<16xf32>,
        tpu.vector_store %arg11[%swap3A_529, %swap3A_530], %mul3A_526 {strides = array<i32>} : memref<128x64xf32, #tpu.memory_space<vmem>>, vector<16xf32>,
        %add3A_532 = arith.constant 7 : i32
        %add3A_533 = arith.addi %mul3A_191, %add3A_532 : i32
        %add3A_534 = vector.broadcast %add3A_533 : i32 to vector<16xi32>
        %add3A_535 = arith.addi %broadcast_in_dim3A_140, %add3A_534 : vector<16xi32>
        %gather3A_536 = tpu.vector_load_idx %arg9[%add3A_535] : memref<9728xf32, #tpu.memory_space<vmem>>[vector<16xi32>], vector<16xf32>,
        %add3A_537 = arith.constant 7 : i32
        %add3A_538 = arith.addi %mul3A_191, %add3A_537 : i32
        %get3A_539 = arith.index_cast %add3A_538 : i32 to index
        %get3A_540 = arith.constant 0 : index
        %get3A_541 = tpu.vector_load %arg11[%get3A_539, %get3A_540] {strides = array<i32>} : memref<128x64xf32, #tpu.memory_space<vmem>>, vector<16xf32>,
        %mul3A_542 = arith.mulf %get3A_541, %gather3A_536 : vector<16xf32>
        %add3A_543 = arith.constant 7 : i32
        %add3A_544 = arith.addi %mul3A_191, %add3A_543 : i32
        %swap3A_545 = arith.index_cast %add3A_544 : i32 to index
        %swap3A_546 = arith.constant 0 : index
        %swap3A_547 = tpu.vector_load %arg11[%swap3A_545, %swap3A_546] {strides = array<i32>} : memref<128x64xf32, #tpu.memory_space<vmem>>, vector<16xf32>,
        tpu.vector_store %arg11[%swap3A_545, %swap3A_546], %mul3A_542 {strides = array<i32>} : memref<128x64xf32, #tpu.memory_space<vmem>>, vector<16xf32>,
        %add3A_548 = arith.constant 7 : i32
        %add3A_549 = arith.addi %mul3A_191, %add3A_548 : i32
        %get3A_550 = arith.index_cast %add3A_549 : i32 to index
        %get3A_551 = arith.constant 16 : index
        %get3A_552 = tpu.vector_load %arg11[%get3A_550, %get3A_551] {strides = array<i32>} : memref<128x64xf32, #tpu.memory_space<vmem>>, vector<16xf32>,
        %mul3A_553 = arith.mulf %get3A_552, %gather3A_536 : vector<16xf32>
        %add3A_554 = arith.constant 7 : i32
        %add3A_555 = arith.addi %mul3A_191, %add3A_554 : i32
        %swap3A_556 = arith.index_cast %add3A_555 : i32 to index
        %swap3A_557 = arith.constant 16 : index
        %swap3A_558 = tpu.vector_load %arg11[%swap3A_556, %swap3A_557] {strides = array<i32>} : memref<128x64xf32, #tpu.memory_space<vmem>>, vector<16xf32>,
        tpu.vector_store %arg11[%swap3A_556, %swap3A_557], %mul3A_553 {strides = array<i32>} : memref<128x64xf32, #tpu.memory_space<vmem>>, vector<16xf32>,
        %add3A_559 = arith.constant 7 : i32
        %add3A_560 = arith.addi %mul3A_191, %add3A_559 : i32
        %get3A_561 = arith.index_cast %add3A_560 : i32 to index
        %get3A_562 = arith.constant 32 : index
        %get3A_563 = tpu.vector_load %arg11[%get3A_561, %get3A_562] {strides = array<i32>} : memref<128x64xf32, #tpu.memory_space<vmem>>, vector<16xf32>,
        %mul3A_564 = arith.mulf %get3A_563, %gather3A_536 : vector<16xf32>
        %add3A_565 = arith.constant 7 : i32
        %add3A_566 = arith.addi %mul3A_191, %add3A_565 : i32
        %swap3A_567 = arith.index_cast %add3A_566 : i32 to index
        %swap3A_568 = arith.constant 32 : index
        %swap3A_569 = tpu.vector_load %arg11[%swap3A_567, %swap3A_568] {strides = array<i32>} : memref<128x64xf32, #tpu.memory_space<vmem>>, vector<16xf32>,
        tpu.vector_store %arg11[%swap3A_567, %swap3A_568], %mul3A_564 {strides = array<i32>} : memref<128x64xf32, #tpu.memory_space<vmem>>, vector<16xf32>,
        %add3A_570 = arith.constant 7 : i32
        %add3A_571 = arith.addi %mul3A_191, %add3A_570 : i32
        %get3A_572 = arith.index_cast %add3A_571 : i32 to index
        %get3A_573 = arith.constant 48 : index
        %get3A_574 = tpu.vector_load %arg11[%get3A_572, %get3A_573] {strides = array<i32>} : memref<128x64xf32, #tpu.memory_space<vmem>>, vector<16xf32>,
        %mul3A_575 = arith.mulf %get3A_574, %gather3A_536 : vector<16xf32>
        %add3A_576 = arith.constant 7 : i32
        %add3A_577 = arith.addi %mul3A_191, %add3A_576 : i32
        %swap3A_578 = arith.index_cast %add3A_577 : i32 to index
        %swap3A_579 = arith.constant 48 : index
        %swap3A_580 = tpu.vector_load %arg11[%swap3A_578, %swap3A_579] {strides = array<i32>} : memref<128x64xf32, #tpu.memory_space<vmem>>, vector<16xf32>,
        tpu.vector_store %arg11[%swap3A_578, %swap3A_579], %mul3A_575 {strides = array<i32>} : memref<128x64xf32, #tpu.memory_space<vmem>>, vector<16xf32>,
        %scan3A_581 = arith.constant 0 : i32
        scf.yield %scan3A_581 : i32
      }
      %scan3A_147 = arith.constant 16 : i32
      %dma_start3A_148 = arith.constant 0 : i32
      %dma_start3A_149 = tpu.memref_slice %arg8[%add3A_131, %dma_start3A_148] : memref<76x128xi32, #tpu.memory_space<vmem>> -> memref<1x128xi32, #tpu.memory_space<vmem>>
      %dma_start3A_150 = tpu.memref_squeeze %dma_start3A_149 : memref<1x128xi32, #tpu.memory_space<vmem>> -> memref<128xi32, #tpu.memory_space<vmem>>
      %dma_start3A_151 = arith.constant 0 : i32
      %dma_start3A_152 = arith.constant 0 : i32
      %dma_start3A_153 = tpu.memref_slice %arg12[%dma_start3A_151, %dma_start3A_152] : memref<16384x64xf32, #tpu.memory_space<vmem_shared>> -> memref<16384x64xf32, #tpu.memory_space<vmem_shared>>
      tpu.enqueue_indirect_dma source(%arg11 : memref<128x64xf32, #tpu.memory_space<vmem>>) target(%dma_start3A_153 : memref<16384x64xf32, #tpu.memory_space<vmem_shared>>) offsets(%dma_start3A_150 : memref<128xi32, #tpu.memory_space<vmem>>) semaphore(%arg16 : memref<!tpu.dma_semaphore, #tpu.memory_space<semaphore_mem>>) {add = true}
      %add3A_154 = arith.constant 0 : i32
      %add3A_155 = arith.addi %mul3A_105, %add3A_154 : i32
      %dma_wait3A_156 = arith.constant 0 : i32
      %dma_wait3A_157 = tpu.memref_slice %arg8[%add3A_155, %dma_wait3A_156] : memref<76x128xi32, #tpu.memory_space<vmem>> -> memref<1x128xi32, #tpu.memory_space<vmem>>
      %dma_wait3A_158 = tpu.memref_squeeze %dma_wait3A_157 : memref<1x128xi32, #tpu.memory_space<vmem>> -> memref<128xi32, #tpu.memory_space<vmem>>
      %dma_wait3A_159 = arith.constant 0 : i32
      %dma_wait3A_160 = arith.constant 0 : i32
      %dma_wait3A_161 = tpu.memref_slice %arg12[%dma_wait3A_159, %dma_wait3A_160] : memref<16384x64xf32, #tpu.memory_space<vmem_shared>> -> memref<16384x64xf32, #tpu.memory_space<vmem_shared>>
      tpu.wait_indirect_dma semaphore(%arg15 : memref<!tpu.dma_semaphore, #tpu.memory_space<semaphore_mem>>) src(%arg10 : memref<128x64xf32, #tpu.memory_space<vmem>>) dst(%dma_wait3A_161 : memref<16384x64xf32, #tpu.memory_space<vmem_shared>>)
      %add3A_162 = arith.constant 2 : i32
      %add3A_163 = arith.addi %add3A_155, %add3A_162 : i32
      %min3A = arith.minsi %add3A_163, %sub3A_55 : i32
      %dma_start3A_164 = arith.constant 0 : i32
      %dma_start3A_165 = tpu.memref_slice %arg7[%min3A, %dma_start3A_164] : memref<76x128xi32, #tpu.memory_space<vmem>> -> memref<1x128xi32, #tpu.memory_space<vmem>>
      %dma_start3A_166 = tpu.memref_squeeze %dma_start3A_165 : memref<1x128xi32, #tpu.memory_space<vmem>> -> memref<128xi32, #tpu.memory_space<vmem>>
      %dma_start3A_167 = arith.constant 0 : i32
      %dma_start3A_168 = arith.constant 0 : i32
      %dma_start3A_169 = tpu.memref_slice %arg2[%dma_start3A_167, %dma_start3A_168] : memref<16384x64xf32, #tpu.memory_space<hbm>> -> memref<16384x64xf32, #tpu.memory_space<hbm>>
      tpu.enqueue_indirect_dma source(%dma_start3A_169 : memref<16384x64xf32, #tpu.memory_space<hbm>>) target(%arg10 : memref<128x64xf32, #tpu.memory_space<vmem>>) offsets(%dma_start3A_166 : memref<128xi32, #tpu.memory_space<vmem>>) semaphore(%arg13 : memref<!tpu.dma_semaphore, #tpu.memory_space<semaphore_mem>>)
      %add3A_170 = arith.constant 1 : i32
      %add3A_171 = arith.addi %mul3A_105, %add3A_170 : i32
      %dma_wait3A_172 = arith.constant 0 : i32
      %dma_wait3A_173 = tpu.memref_slice %arg8[%add3A_171, %dma_wait3A_172] : memref<76x128xi32, #tpu.memory_space<vmem>> -> memref<1x128xi32, #tpu.memory_space<vmem>>
      %dma_wait3A_174 = tpu.memref_squeeze %dma_wait3A_173 : memref<1x128xi32, #tpu.memory_space<vmem>> -> memref<128xi32, #tpu.memory_space<vmem>>
      %dma_wait3A_175 = arith.constant 0 : i32
      %dma_wait3A_176 = arith.constant 0 : i32
      %dma_wait3A_177 = tpu.memref_slice %arg12[%dma_wait3A_175, %dma_wait3A_176] : memref<16384x64xf32, #tpu.memory_space<vmem_shared>> -> memref<16384x64xf32, #tpu.memory_space<vmem_shared>>
      tpu.wait_indirect_dma semaphore(%arg16 : memref<!tpu.dma_semaphore, #tpu.memory_space<semaphore_mem>>) src(%arg11 : memref<128x64xf32, #tpu.memory_space<vmem>>) dst(%dma_wait3A_177 : memref<16384x64xf32, #tpu.memory_space<vmem_shared>>)
      %add3A_178 = arith.constant 2 : i32
      %add3A_179 = arith.addi %add3A_171, %add3A_178 : i32
      %min3A_180 = arith.minsi %add3A_179, %sub3A_55 : i32
      %dma_start3A_181 = arith.constant 0 : i32
      %dma_start3A_182 = tpu.memref_slice %arg7[%min3A_180, %dma_start3A_181] : memref<76x128xi32, #tpu.memory_space<vmem>> -> memref<1x128xi32, #tpu.memory_space<vmem>>
      %dma_start3A_183 = tpu.memref_squeeze %dma_start3A_182 : memref<1x128xi32, #tpu.memory_space<vmem>> -> memref<128xi32, #tpu.memory_space<vmem>>
      %dma_start3A_184 = arith.constant 0 : i32
      %dma_start3A_185 = arith.constant 0 : i32
      %dma_start3A_186 = tpu.memref_slice %arg2[%dma_start3A_184, %dma_start3A_185] : memref<16384x64xf32, #tpu.memory_space<hbm>> -> memref<16384x64xf32, #tpu.memory_space<hbm>>
      tpu.enqueue_indirect_dma source(%dma_start3A_186 : memref<16384x64xf32, #tpu.memory_space<hbm>>) target(%arg11 : memref<128x64xf32, #tpu.memory_space<vmem>>) offsets(%dma_start3A_183 : memref<128xi32, #tpu.memory_space<vmem>>) semaphore(%arg14 : memref<!tpu.dma_semaphore, #tpu.memory_space<semaphore_mem>>)
      %while3A_187 = arith.constant 0 : i32
      scf.yield %while3A_187 : i32
    }
    %while3A_84 = arith.constant 1 : i32
    %while3A_85 = scf.for %while3A_102 = %while3A_81 to %while3A_77 step %while3A_84 iter_args(%while3A_103 = %while3A_83) -> (i32)  : i32 {
      %mul3A_104 = arith.constant 2 : i32
      %mul3A_105 = arith.muli %mul3A_104, %while3A_102 : i32
      %add3A_106 = arith.constant 0 : i32
      %add3A_107 = arith.addi %mul3A_105, %add3A_106 : i32
      %dma_wait3A_108 = arith.constant 0 : i32
      %dma_wait3A_109 = tpu.memref_slice %arg7[%add3A_107, %dma_wait3A_108] : memref<76x128xi32, #tpu.memory_space<vmem>> -> memref<1x128xi32, #tpu.memory_space<vmem>>
      %dma_wait3A_110 = tpu.memref_squeeze %dma_wait3A_109 : memref<1x128xi32, #tpu.memory_space<vmem>> -> memref<128xi32, #tpu.memory_space<vmem>>
      %dma_wait3A_111 = arith.constant 0 : i32
      %dma_wait3A_112 = arith.constant 0 : i32
      %dma_wait3A_113 = tpu.memref_slice %arg2[%dma_wait3A_111, %dma_wait3A_112] : memref<16384x64xf32, #tpu.memory_space<hbm>> -> memref<16384x64xf32, #tpu.memory_space<hbm>>
      tpu.wait_indirect_dma semaphore(%arg13 : memref<!tpu.dma_semaphore, #tpu.memory_space<semaphore_mem>>) src(%dma_wait3A_113 : memref<16384x64xf32, #tpu.memory_space<hbm>>) dst(%arg10 : memref<128x64xf32, #tpu.memory_space<vmem>>)
      %mul3A_114 = arith.constant 128 : i32
      %mul3A_115 = arith.muli %add3A_107, %mul3A_114 : i32
      %broadcast_in_dim3A_116 = vector.broadcast %mul3A_115 : i32 to vector<16xi32>
      %scan3A_117 = arith.constant 0 : i32
      %scan3A_118 = arith.constant 0 : i32
      %scan3A_119 = arith.constant 16 : i32
      %scan3A_120 = arith.addi %scan3A_118, %scan3A_119 : i32
      %scan3A_121 = arith.constant 1 : i32
      %scan3A_122 = scf.for %scan3A_188 = %scan3A_118 to %scan3A_120 step %scan3A_121 iter_args(%scan3A_189 = %scan3A_117) -> (i32)  : i32 {
        %mul3A_190 = arith.constant 8 : i32
        %mul3A_191 = arith.muli %scan3A_188, %mul3A_190 : i32
        %add3A_192 = arith.constant 0 : i32
        %add3A_193 = arith.addi %mul3A_191, %add3A_192 : i32
        %add3A_194 = vector.broadcast %add3A_193 : i32 to vector<16xi32>
        %add3A_195 = arith.addi %broadcast_in_dim3A_116, %add3A_194 : vector<16xi32>
        %gather3A = tpu.vector_load_idx %arg9[%add3A_195] : memref<9728xf32, #tpu.memory_space<vmem>>[vector<16xi32>], vector<16xf32>,
        %add3A_196 = arith.constant 0 : i32
        %add3A_197 = arith.addi %mul3A_191, %add3A_196 : i32
        %get3A = arith.index_cast %add3A_197 : i32 to index
        %get3A_198 = arith.constant 0 : index
        %get3A_199 = tpu.vector_load %arg10[%get3A, %get3A_198] {strides = array<i32>} : memref<128x64xf32, #tpu.memory_space<vmem>>, vector<16xf32>,
        %mul3A_200 = arith.mulf %get3A_199, %gather3A : vector<16xf32>
        %add3A_201 = arith.constant 0 : i32
        %add3A_202 = arith.addi %mul3A_191, %add3A_201 : i32
        %swap3A = arith.index_cast %add3A_202 : i32 to index
        %swap3A_203 = arith.constant 0 : index
        %swap3A_204 = tpu.vector_load %arg10[%swap3A, %swap3A_203] {strides = array<i32>} : memref<128x64xf32, #tpu.memory_space<vmem>>, vector<16xf32>,
        tpu.vector_store %arg10[%swap3A, %swap3A_203], %mul3A_200 {strides = array<i32>} : memref<128x64xf32, #tpu.memory_space<vmem>>, vector<16xf32>,
        %add3A_205 = arith.constant 0 : i32
        %add3A_206 = arith.addi %mul3A_191, %add3A_205 : i32
        %get3A_207 = arith.index_cast %add3A_206 : i32 to index
        %get3A_208 = arith.constant 16 : index
        %get3A_209 = tpu.vector_load %arg10[%get3A_207, %get3A_208] {strides = array<i32>} : memref<128x64xf32, #tpu.memory_space<vmem>>, vector<16xf32>,
        %mul3A_210 = arith.mulf %get3A_209, %gather3A : vector<16xf32>
        %add3A_211 = arith.constant 0 : i32
        %add3A_212 = arith.addi %mul3A_191, %add3A_211 : i32
        %swap3A_213 = arith.index_cast %add3A_212 : i32 to index
        %swap3A_214 = arith.constant 16 : index
        %swap3A_215 = tpu.vector_load %arg10[%swap3A_213, %swap3A_214] {strides = array<i32>} : memref<128x64xf32, #tpu.memory_space<vmem>>, vector<16xf32>,
        tpu.vector_store %arg10[%swap3A_213, %swap3A_214], %mul3A_210 {strides = array<i32>} : memref<128x64xf32, #tpu.memory_space<vmem>>, vector<16xf32>,
        %add3A_216 = arith.constant 0 : i32
        %add3A_217 = arith.addi %mul3A_191, %add3A_216 : i32
        %get3A_218 = arith.index_cast %add3A_217 : i32 to index
        %get3A_219 = arith.constant 32 : index
        %get3A_220 = tpu.vector_load %arg10[%get3A_218, %get3A_219] {strides = array<i32>} : memref<128x64xf32, #tpu.memory_space<vmem>>, vector<16xf32>,
        %mul3A_221 = arith.mulf %get3A_220, %gather3A : vector<16xf32>
        %add3A_222 = arith.constant 0 : i32
        %add3A_223 = arith.addi %mul3A_191, %add3A_222 : i32
        %swap3A_224 = arith.index_cast %add3A_223 : i32 to index
        %swap3A_225 = arith.constant 32 : index
        %swap3A_226 = tpu.vector_load %arg10[%swap3A_224, %swap3A_225] {strides = array<i32>} : memref<128x64xf32, #tpu.memory_space<vmem>>, vector<16xf32>,
        tpu.vector_store %arg10[%swap3A_224, %swap3A_225], %mul3A_221 {strides = array<i32>} : memref<128x64xf32, #tpu.memory_space<vmem>>, vector<16xf32>,
        %add3A_227 = arith.constant 0 : i32
        %add3A_228 = arith.addi %mul3A_191, %add3A_227 : i32
        %get3A_229 = arith.index_cast %add3A_228 : i32 to index
        %get3A_230 = arith.constant 48 : index
        %get3A_231 = tpu.vector_load %arg10[%get3A_229, %get3A_230] {strides = array<i32>} : memref<128x64xf32, #tpu.memory_space<vmem>>, vector<16xf32>,
        %mul3A_232 = arith.mulf %get3A_231, %gather3A : vector<16xf32>
        %add3A_233 = arith.constant 0 : i32
        %add3A_234 = arith.addi %mul3A_191, %add3A_233 : i32
        %swap3A_235 = arith.index_cast %add3A_234 : i32 to index
        %swap3A_236 = arith.constant 48 : index
        %swap3A_237 = tpu.vector_load %arg10[%swap3A_235, %swap3A_236] {strides = array<i32>} : memref<128x64xf32, #tpu.memory_space<vmem>>, vector<16xf32>,
        tpu.vector_store %arg10[%swap3A_235, %swap3A_236], %mul3A_232 {strides = array<i32>} : memref<128x64xf32, #tpu.memory_space<vmem>>, vector<16xf32>,
        %add3A_238 = arith.constant 1 : i32
        %add3A_239 = arith.addi %mul3A_191, %add3A_238 : i32
        %add3A_240 = vector.broadcast %add3A_239 : i32 to vector<16xi32>
        %add3A_241 = arith.addi %broadcast_in_dim3A_116, %add3A_240 : vector<16xi32>
        %gather3A_242 = tpu.vector_load_idx %arg9[%add3A_241] : memref<9728xf32, #tpu.memory_space<vmem>>[vector<16xi32>], vector<16xf32>,
        %add3A_243 = arith.constant 1 : i32
        %add3A_244 = arith.addi %mul3A_191, %add3A_243 : i32
        %get3A_245 = arith.index_cast %add3A_244 : i32 to index
        %get3A_246 = arith.constant 0 : index
        %get3A_247 = tpu.vector_load %arg10[%get3A_245, %get3A_246] {strides = array<i32>} : memref<128x64xf32, #tpu.memory_space<vmem>>, vector<16xf32>,
        %mul3A_248 = arith.mulf %get3A_247, %gather3A_242 : vector<16xf32>
        %add3A_249 = arith.constant 1 : i32
        %add3A_250 = arith.addi %mul3A_191, %add3A_249 : i32
        %swap3A_251 = arith.index_cast %add3A_250 : i32 to index
        %swap3A_252 = arith.constant 0 : index
        %swap3A_253 = tpu.vector_load %arg10[%swap3A_251, %swap3A_252] {strides = array<i32>} : memref<128x64xf32, #tpu.memory_space<vmem>>, vector<16xf32>,
        tpu.vector_store %arg10[%swap3A_251, %swap3A_252], %mul3A_248 {strides = array<i32>} : memref<128x64xf32, #tpu.memory_space<vmem>>, vector<16xf32>,
        %add3A_254 = arith.constant 1 : i32
        %add3A_255 = arith.addi %mul3A_191, %add3A_254 : i32
        %get3A_256 = arith.index_cast %add3A_255 : i32 to index
        %get3A_257 = arith.constant 16 : index
        %get3A_258 = tpu.vector_load %arg10[%get3A_256, %get3A_257] {strides = array<i32>} : memref<128x64xf32, #tpu.memory_space<vmem>>, vector<16xf32>,
        %mul3A_259 = arith.mulf %get3A_258, %gather3A_242 : vector<16xf32>
        %add3A_260 = arith.constant 1 : i32
        %add3A_261 = arith.addi %mul3A_191, %add3A_260 : i32
        %swap3A_262 = arith.index_cast %add3A_261 : i32 to index
        %swap3A_263 = arith.constant 16 : index
        %swap3A_264 = tpu.vector_load %arg10[%swap3A_262, %swap3A_263] {strides = array<i32>} : memref<128x64xf32, #tpu.memory_space<vmem>>, vector<16xf32>,
        tpu.vector_store %arg10[%swap3A_262, %swap3A_263], %mul3A_259 {strides = array<i32>} : memref<128x64xf32, #tpu.memory_space<vmem>>, vector<16xf32>,
        %add3A_265 = arith.constant 1 : i32
        %add3A_266 = arith.addi %mul3A_191, %add3A_265 : i32
        %get3A_267 = arith.index_cast %add3A_266 : i32 to index
        %get3A_268 = arith.constant 32 : index
        %get3A_269 = tpu.vector_load %arg10[%get3A_267, %get3A_268] {strides = array<i32>} : memref<128x64xf32, #tpu.memory_space<vmem>>, vector<16xf32>,
        %mul3A_270 = arith.mulf %get3A_269, %gather3A_242 : vector<16xf32>
        %add3A_271 = arith.constant 1 : i32
        %add3A_272 = arith.addi %mul3A_191, %add3A_271 : i32
        %swap3A_273 = arith.index_cast %add3A_272 : i32 to index
        %swap3A_274 = arith.constant 32 : index
        %swap3A_275 = tpu.vector_load %arg10[%swap3A_273, %swap3A_274] {strides = array<i32>} : memref<128x64xf32, #tpu.memory_space<vmem>>, vector<16xf32>,
        tpu.vector_store %arg10[%swap3A_273, %swap3A_274], %mul3A_270 {strides = array<i32>} : memref<128x64xf32, #tpu.memory_space<vmem>>, vector<16xf32>,
        %add3A_276 = arith.constant 1 : i32
        %add3A_277 = arith.addi %mul3A_191, %add3A_276 : i32
        %get3A_278 = arith.index_cast %add3A_277 : i32 to index
        %get3A_279 = arith.constant 48 : index
        %get3A_280 = tpu.vector_load %arg10[%get3A_278, %get3A_279] {strides = array<i32>} : memref<128x64xf32, #tpu.memory_space<vmem>>, vector<16xf32>,
        %mul3A_281 = arith.mulf %get3A_280, %gather3A_242 : vector<16xf32>
        %add3A_282 = arith.constant 1 : i32
        %add3A_283 = arith.addi %mul3A_191, %add3A_282 : i32
        %swap3A_284 = arith.index_cast %add3A_283 : i32 to index
        %swap3A_285 = arith.constant 48 : index
        %swap3A_286 = tpu.vector_load %arg10[%swap3A_284, %swap3A_285] {strides = array<i32>} : memref<128x64xf32, #tpu.memory_space<vmem>>, vector<16xf32>,
        tpu.vector_store %arg10[%swap3A_284, %swap3A_285], %mul3A_281 {strides = array<i32>} : memref<128x64xf32, #tpu.memory_space<vmem>>, vector<16xf32>,
        %add3A_287 = arith.constant 2 : i32
        %add3A_288 = arith.addi %mul3A_191, %add3A_287 : i32
        %add3A_289 = vector.broadcast %add3A_288 : i32 to vector<16xi32>
        %add3A_290 = arith.addi %broadcast_in_dim3A_116, %add3A_289 : vector<16xi32>
        %gather3A_291 = tpu.vector_load_idx %arg9[%add3A_290] : memref<9728xf32, #tpu.memory_space<vmem>>[vector<16xi32>], vector<16xf32>,
        %add3A_292 = arith.constant 2 : i32
        %add3A_293 = arith.addi %mul3A_191, %add3A_292 : i32
        %get3A_294 = arith.index_cast %add3A_293 : i32 to index
        %get3A_295 = arith.constant 0 : index
        %get3A_296 = tpu.vector_load %arg10[%get3A_294, %get3A_295] {strides = array<i32>} : memref<128x64xf32, #tpu.memory_space<vmem>>, vector<16xf32>,
        %mul3A_297 = arith.mulf %get3A_296, %gather3A_291 : vector<16xf32>
        %add3A_298 = arith.constant 2 : i32
        %add3A_299 = arith.addi %mul3A_191, %add3A_298 : i32
        %swap3A_300 = arith.index_cast %add3A_299 : i32 to index
        %swap3A_301 = arith.constant 0 : index
        %swap3A_302 = tpu.vector_load %arg10[%swap3A_300, %swap3A_301] {strides = array<i32>} : memref<128x64xf32, #tpu.memory_space<vmem>>, vector<16xf32>,
        tpu.vector_store %arg10[%swap3A_300, %swap3A_301], %mul3A_297 {strides = array<i32>} : memref<128x64xf32, #tpu.memory_space<vmem>>, vector<16xf32>,
        %add3A_303 = arith.constant 2 : i32
        %add3A_304 = arith.addi %mul3A_191, %add3A_303 : i32
        %get3A_305 = arith.index_cast %add3A_304 : i32 to index
        %get3A_306 = arith.constant 16 : index
        %get3A_307 = tpu.vector_load %arg10[%get3A_305, %get3A_306] {strides = array<i32>} : memref<128x64xf32, #tpu.memory_space<vmem>>, vector<16xf32>,
        %mul3A_308 = arith.mulf %get3A_307, %gather3A_291 : vector<16xf32>
        %add3A_309 = arith.constant 2 : i32
        %add3A_310 = arith.addi %mul3A_191, %add3A_309 : i32
        %swap3A_311 = arith.index_cast %add3A_310 : i32 to index
        %swap3A_312 = arith.constant 16 : index
        %swap3A_313 = tpu.vector_load %arg10[%swap3A_311, %swap3A_312] {strides = array<i32>} : memref<128x64xf32, #tpu.memory_space<vmem>>, vector<16xf32>,
        tpu.vector_store %arg10[%swap3A_311, %swap3A_312], %mul3A_308 {strides = array<i32>} : memref<128x64xf32, #tpu.memory_space<vmem>>, vector<16xf32>,
        %add3A_314 = arith.constant 2 : i32
        %add3A_315 = arith.addi %mul3A_191, %add3A_314 : i32
        %get3A_316 = arith.index_cast %add3A_315 : i32 to index
        %get3A_317 = arith.constant 32 : index
        %get3A_318 = tpu.vector_load %arg10[%get3A_316, %get3A_317] {strides = array<i32>} : memref<128x64xf32, #tpu.memory_space<vmem>>, vector<16xf32>,
        %mul3A_319 = arith.mulf %get3A_318, %gather3A_291 : vector<16xf32>
        %add3A_320 = arith.constant 2 : i32
        %add3A_321 = arith.addi %mul3A_191, %add3A_320 : i32
        %swap3A_322 = arith.index_cast %add3A_321 : i32 to index
        %swap3A_323 = arith.constant 32 : index
        %swap3A_324 = tpu.vector_load %arg10[%swap3A_322, %swap3A_323] {strides = array<i32>} : memref<128x64xf32, #tpu.memory_space<vmem>>, vector<16xf32>,
        tpu.vector_store %arg10[%swap3A_322, %swap3A_323], %mul3A_319 {strides = array<i32>} : memref<128x64xf32, #tpu.memory_space<vmem>>, vector<16xf32>,
        %add3A_325 = arith.constant 2 : i32
        %add3A_326 = arith.addi %mul3A_191, %add3A_325 : i32
        %get3A_327 = arith.index_cast %add3A_326 : i32 to index
        %get3A_328 = arith.constant 48 : index
        %get3A_329 = tpu.vector_load %arg10[%get3A_327, %get3A_328] {strides = array<i32>} : memref<128x64xf32, #tpu.memory_space<vmem>>, vector<16xf32>,
        %mul3A_330 = arith.mulf %get3A_329, %gather3A_291 : vector<16xf32>
        %add3A_331 = arith.constant 2 : i32
        %add3A_332 = arith.addi %mul3A_191, %add3A_331 : i32
        %swap3A_333 = arith.index_cast %add3A_332 : i32 to index
        %swap3A_334 = arith.constant 48 : index
        %swap3A_335 = tpu.vector_load %arg10[%swap3A_333, %swap3A_334] {strides = array<i32>} : memref<128x64xf32, #tpu.memory_space<vmem>>, vector<16xf32>,
        tpu.vector_store %arg10[%swap3A_333, %swap3A_334], %mul3A_330 {strides = array<i32>} : memref<128x64xf32, #tpu.memory_space<vmem>>, vector<16xf32>,
        %add3A_336 = arith.constant 3 : i32
        %add3A_337 = arith.addi %mul3A_191, %add3A_336 : i32
        %add3A_338 = vector.broadcast %add3A_337 : i32 to vector<16xi32>
        %add3A_339 = arith.addi %broadcast_in_dim3A_116, %add3A_338 : vector<16xi32>
        %gather3A_340 = tpu.vector_load_idx %arg9[%add3A_339] : memref<9728xf32, #tpu.memory_space<vmem>>[vector<16xi32>], vector<16xf32>,
        %add3A_341 = arith.constant 3 : i32
        %add3A_342 = arith.addi %mul3A_191, %add3A_341 : i32
        %get3A_343 = arith.index_cast %add3A_342 : i32 to index
        %get3A_344 = arith.constant 0 : index
        %get3A_345 = tpu.vector_load %arg10[%get3A_343, %get3A_344] {strides = array<i32>} : memref<128x64xf32, #tpu.memory_space<vmem>>, vector<16xf32>,
        %mul3A_346 = arith.mulf %get3A_345, %gather3A_340 : vector<16xf32>
        %add3A_347 = arith.constant 3 : i32
        %add3A_348 = arith.addi %mul3A_191, %add3A_347 : i32
        %swap3A_349 = arith.index_cast %add3A_348 : i32 to index
        %swap3A_350 = arith.constant 0 : index
        %swap3A_351 = tpu.vector_load %arg10[%swap3A_349, %swap3A_350] {strides = array<i32>} : memref<128x64xf32, #tpu.memory_space<vmem>>, vector<16xf32>,
        tpu.vector_store %arg10[%swap3A_349, %swap3A_350], %mul3A_346 {strides = array<i32>} : memref<128x64xf32, #tpu.memory_space<vmem>>, vector<16xf32>,
        %add3A_352 = arith.constant 3 : i32
        %add3A_353 = arith.addi %mul3A_191, %add3A_352 : i32
        %get3A_354 = arith.index_cast %add3A_353 : i32 to index
        %get3A_355 = arith.constant 16 : index
        %get3A_356 = tpu.vector_load %arg10[%get3A_354, %get3A_355] {strides = array<i32>} : memref<128x64xf32, #tpu.memory_space<vmem>>, vector<16xf32>,
        %mul3A_357 = arith.mulf %get3A_356, %gather3A_340 : vector<16xf32>
        %add3A_358 = arith.constant 3 : i32
        %add3A_359 = arith.addi %mul3A_191, %add3A_358 : i32
        %swap3A_360 = arith.index_cast %add3A_359 : i32 to index
        %swap3A_361 = arith.constant 16 : index
        %swap3A_362 = tpu.vector_load %arg10[%swap3A_360, %swap3A_361] {strides = array<i32>} : memref<128x64xf32, #tpu.memory_space<vmem>>, vector<16xf32>,
        tpu.vector_store %arg10[%swap3A_360, %swap3A_361], %mul3A_357 {strides = array<i32>} : memref<128x64xf32, #tpu.memory_space<vmem>>, vector<16xf32>,
        %add3A_363 = arith.constant 3 : i32
        %add3A_364 = arith.addi %mul3A_191, %add3A_363 : i32
        %get3A_365 = arith.index_cast %add3A_364 : i32 to index
        %get3A_366 = arith.constant 32 : index
        %get3A_367 = tpu.vector_load %arg10[%get3A_365, %get3A_366] {strides = array<i32>} : memref<128x64xf32, #tpu.memory_space<vmem>>, vector<16xf32>,
        %mul3A_368 = arith.mulf %get3A_367, %gather3A_340 : vector<16xf32>
        %add3A_369 = arith.constant 3 : i32
        %add3A_370 = arith.addi %mul3A_191, %add3A_369 : i32
        %swap3A_371 = arith.index_cast %add3A_370 : i32 to index
        %swap3A_372 = arith.constant 32 : index
        %swap3A_373 = tpu.vector_load %arg10[%swap3A_371, %swap3A_372] {strides = array<i32>} : memref<128x64xf32, #tpu.memory_space<vmem>>, vector<16xf32>,
        tpu.vector_store %arg10[%swap3A_371, %swap3A_372], %mul3A_368 {strides = array<i32>} : memref<128x64xf32, #tpu.memory_space<vmem>>, vector<16xf32>,
        %add3A_374 = arith.constant 3 : i32
        %add3A_375 = arith.addi %mul3A_191, %add3A_374 : i32
        %get3A_376 = arith.index_cast %add3A_375 : i32 to index
        %get3A_377 = arith.constant 48 : index
        %get3A_378 = tpu.vector_load %arg10[%get3A_376, %get3A_377] {strides = array<i32>} : memref<128x64xf32, #tpu.memory_space<vmem>>, vector<16xf32>,
        %mul3A_379 = arith.mulf %get3A_378, %gather3A_340 : vector<16xf32>
        %add3A_380 = arith.constant 3 : i32
        %add3A_381 = arith.addi %mul3A_191, %add3A_380 : i32
        %swap3A_382 = arith.index_cast %add3A_381 : i32 to index
        %swap3A_383 = arith.constant 48 : index
        %swap3A_384 = tpu.vector_load %arg10[%swap3A_382, %swap3A_383] {strides = array<i32>} : memref<128x64xf32, #tpu.memory_space<vmem>>, vector<16xf32>,
        tpu.vector_store %arg10[%swap3A_382, %swap3A_383], %mul3A_379 {strides = array<i32>} : memref<128x64xf32, #tpu.memory_space<vmem>>, vector<16xf32>,
        %add3A_385 = arith.constant 4 : i32
        %add3A_386 = arith.addi %mul3A_191, %add3A_385 : i32
        %add3A_387 = vector.broadcast %add3A_386 : i32 to vector<16xi32>
        %add3A_388 = arith.addi %broadcast_in_dim3A_116, %add3A_387 : vector<16xi32>
        %gather3A_389 = tpu.vector_load_idx %arg9[%add3A_388] : memref<9728xf32, #tpu.memory_space<vmem>>[vector<16xi32>], vector<16xf32>,
        %add3A_390 = arith.constant 4 : i32
        %add3A_391 = arith.addi %mul3A_191, %add3A_390 : i32
        %get3A_392 = arith.index_cast %add3A_391 : i32 to index
        %get3A_393 = arith.constant 0 : index
        %get3A_394 = tpu.vector_load %arg10[%get3A_392, %get3A_393] {strides = array<i32>} : memref<128x64xf32, #tpu.memory_space<vmem>>, vector<16xf32>,
        %mul3A_395 = arith.mulf %get3A_394, %gather3A_389 : vector<16xf32>
        %add3A_396 = arith.constant 4 : i32
        %add3A_397 = arith.addi %mul3A_191, %add3A_396 : i32
        %swap3A_398 = arith.index_cast %add3A_397 : i32 to index
        %swap3A_399 = arith.constant 0 : index
        %swap3A_400 = tpu.vector_load %arg10[%swap3A_398, %swap3A_399] {strides = array<i32>} : memref<128x64xf32, #tpu.memory_space<vmem>>, vector<16xf32>,
        tpu.vector_store %arg10[%swap3A_398, %swap3A_399], %mul3A_395 {strides = array<i32>} : memref<128x64xf32, #tpu.memory_space<vmem>>, vector<16xf32>,
        %add3A_401 = arith.constant 4 : i32
        %add3A_402 = arith.addi %mul3A_191, %add3A_401 : i32
        %get3A_403 = arith.index_cast %add3A_402 : i32 to index
        %get3A_404 = arith.constant 16 : index
        %get3A_405 = tpu.vector_load %arg10[%get3A_403, %get3A_404] {strides = array<i32>} : memref<128x64xf32, #tpu.memory_space<vmem>>, vector<16xf32>,
        %mul3A_406 = arith.mulf %get3A_405, %gather3A_389 : vector<16xf32>
        %add3A_407 = arith.constant 4 : i32
        %add3A_408 = arith.addi %mul3A_191, %add3A_407 : i32
        %swap3A_409 = arith.index_cast %add3A_408 : i32 to index
        %swap3A_410 = arith.constant 16 : index
        %swap3A_411 = tpu.vector_load %arg10[%swap3A_409, %swap3A_410] {strides = array<i32>} : memref<128x64xf32, #tpu.memory_space<vmem>>, vector<16xf32>,
        tpu.vector_store %arg10[%swap3A_409, %swap3A_410], %mul3A_406 {strides = array<i32>} : memref<128x64xf32, #tpu.memory_space<vmem>>, vector<16xf32>,
        %add3A_412 = arith.constant 4 : i32
        %add3A_413 = arith.addi %mul3A_191, %add3A_412 : i32
        %get3A_414 = arith.index_cast %add3A_413 : i32 to index
        %get3A_415 = arith.constant 32 : index
        %get3A_416 = tpu.vector_load %arg10[%get3A_414, %get3A_415] {strides = array<i32>} : memref<128x64xf32, #tpu.memory_space<vmem>>, vector<16xf32>,
        %mul3A_417 = arith.mulf %get3A_416, %gather3A_389 : vector<16xf32>
        %add3A_418 = arith.constant 4 : i32
        %add3A_419 = arith.addi %mul3A_191, %add3A_418 : i32
        %swap3A_420 = arith.index_cast %add3A_419 : i32 to index
        %swap3A_421 = arith.constant 32 : index
        %swap3A_422 = tpu.vector_load %arg10[%swap3A_420, %swap3A_421] {strides = array<i32>} : memref<128x64xf32, #tpu.memory_space<vmem>>, vector<16xf32>,
        tpu.vector_store %arg10[%swap3A_420, %swap3A_421], %mul3A_417 {strides = array<i32>} : memref<128x64xf32, #tpu.memory_space<vmem>>, vector<16xf32>,
        %add3A_423 = arith.constant 4 : i32
        %add3A_424 = arith.addi %mul3A_191, %add3A_423 : i32
        %get3A_425 = arith.index_cast %add3A_424 : i32 to index
        %get3A_426 = arith.constant 48 : index
        %get3A_427 = tpu.vector_load %arg10[%get3A_425, %get3A_426] {strides = array<i32>} : memref<128x64xf32, #tpu.memory_space<vmem>>, vector<16xf32>,
        %mul3A_428 = arith.mulf %get3A_427, %gather3A_389 : vector<16xf32>
        %add3A_429 = arith.constant 4 : i32
        %add3A_430 = arith.addi %mul3A_191, %add3A_429 : i32
        %swap3A_431 = arith.index_cast %add3A_430 : i32 to index
        %swap3A_432 = arith.constant 48 : index
        %swap3A_433 = tpu.vector_load %arg10[%swap3A_431, %swap3A_432] {strides = array<i32>} : memref<128x64xf32, #tpu.memory_space<vmem>>, vector<16xf32>,
        tpu.vector_store %arg10[%swap3A_431, %swap3A_432], %mul3A_428 {strides = array<i32>} : memref<128x64xf32, #tpu.memory_space<vmem>>, vector<16xf32>,
        %add3A_434 = arith.constant 5 : i32
        %add3A_435 = arith.addi %mul3A_191, %add3A_434 : i32
        %add3A_436 = vector.broadcast %add3A_435 : i32 to vector<16xi32>
        %add3A_437 = arith.addi %broadcast_in_dim3A_116, %add3A_436 : vector<16xi32>
        %gather3A_438 = tpu.vector_load_idx %arg9[%add3A_437] : memref<9728xf32, #tpu.memory_space<vmem>>[vector<16xi32>], vector<16xf32>,
        %add3A_439 = arith.constant 5 : i32
        %add3A_440 = arith.addi %mul3A_191, %add3A_439 : i32
        %get3A_441 = arith.index_cast %add3A_440 : i32 to index
        %get3A_442 = arith.constant 0 : index
        %get3A_443 = tpu.vector_load %arg10[%get3A_441, %get3A_442] {strides = array<i32>} : memref<128x64xf32, #tpu.memory_space<vmem>>, vector<16xf32>,
        %mul3A_444 = arith.mulf %get3A_443, %gather3A_438 : vector<16xf32>
        %add3A_445 = arith.constant 5 : i32
        %add3A_446 = arith.addi %mul3A_191, %add3A_445 : i32
        %swap3A_447 = arith.index_cast %add3A_446 : i32 to index
        %swap3A_448 = arith.constant 0 : index
        %swap3A_449 = tpu.vector_load %arg10[%swap3A_447, %swap3A_448] {strides = array<i32>} : memref<128x64xf32, #tpu.memory_space<vmem>>, vector<16xf32>,
        tpu.vector_store %arg10[%swap3A_447, %swap3A_448], %mul3A_444 {strides = array<i32>} : memref<128x64xf32, #tpu.memory_space<vmem>>, vector<16xf32>,
        %add3A_450 = arith.constant 5 : i32
        %add3A_451 = arith.addi %mul3A_191, %add3A_450 : i32
        %get3A_452 = arith.index_cast %add3A_451 : i32 to index
        %get3A_453 = arith.constant 16 : index
        %get3A_454 = tpu.vector_load %arg10[%get3A_452, %get3A_453] {strides = array<i32>} : memref<128x64xf32, #tpu.memory_space<vmem>>, vector<16xf32>,
        %mul3A_455 = arith.mulf %get3A_454, %gather3A_438 : vector<16xf32>
        %add3A_456 = arith.constant 5 : i32
        %add3A_457 = arith.addi %mul3A_191, %add3A_456 : i32
        %swap3A_458 = arith.index_cast %add3A_457 : i32 to index
        %swap3A_459 = arith.constant 16 : index
        %swap3A_460 = tpu.vector_load %arg10[%swap3A_458, %swap3A_459] {strides = array<i32>} : memref<128x64xf32, #tpu.memory_space<vmem>>, vector<16xf32>,
        tpu.vector_store %arg10[%swap3A_458, %swap3A_459], %mul3A_455 {strides = array<i32>} : memref<128x64xf32, #tpu.memory_space<vmem>>, vector<16xf32>,
        %add3A_461 = arith.constant 5 : i32
        %add3A_462 = arith.addi %mul3A_191, %add3A_461 : i32
        %get3A_463 = arith.index_cast %add3A_462 : i32 to index
        %get3A_464 = arith.constant 32 : index
        %get3A_465 = tpu.vector_load %arg10[%get3A_463, %get3A_464] {strides = array<i32>} : memref<128x64xf32, #tpu.memory_space<vmem>>, vector<16xf32>,
        %mul3A_466 = arith.mulf %get3A_465, %gather3A_438 : vector<16xf32>
        %add3A_467 = arith.constant 5 : i32
        %add3A_468 = arith.addi %mul3A_191, %add3A_467 : i32
        %swap3A_469 = arith.index_cast %add3A_468 : i32 to index
        %swap3A_470 = arith.constant 32 : index
        %swap3A_471 = tpu.vector_load %arg10[%swap3A_469, %swap3A_470] {strides = array<i32>} : memref<128x64xf32, #tpu.memory_space<vmem>>, vector<16xf32>,
        tpu.vector_store %arg10[%swap3A_469, %swap3A_470], %mul3A_466 {strides = array<i32>} : memref<128x64xf32, #tpu.memory_space<vmem>>, vector<16xf32>,
        %add3A_472 = arith.constant 5 : i32
        %add3A_473 = arith.addi %mul3A_191, %add3A_472 : i32
        %get3A_474 = arith.index_cast %add3A_473 : i32 to index
        %get3A_475 = arith.constant 48 : index
        %get3A_476 = tpu.vector_load %arg10[%get3A_474, %get3A_475] {strides = array<i32>} : memref<128x64xf32, #tpu.memory_space<vmem>>, vector<16xf32>,
        %mul3A_477 = arith.mulf %get3A_476, %gather3A_438 : vector<16xf32>
        %add3A_478 = arith.constant 5 : i32
        %add3A_479 = arith.addi %mul3A_191, %add3A_478 : i32
        %swap3A_480 = arith.index_cast %add3A_479 : i32 to index
        %swap3A_481 = arith.constant 48 : index
        %swap3A_482 = tpu.vector_load %arg10[%swap3A_480, %swap3A_481] {strides = array<i32>} : memref<128x64xf32, #tpu.memory_space<vmem>>, vector<16xf32>,
        tpu.vector_store %arg10[%swap3A_480, %swap3A_481], %mul3A_477 {strides = array<i32>} : memref<128x64xf32, #tpu.memory_space<vmem>>, vector<16xf32>,
        %add3A_483 = arith.constant 6 : i32
        %add3A_484 = arith.addi %mul3A_191, %add3A_483 : i32
        %add3A_485 = vector.broadcast %add3A_484 : i32 to vector<16xi32>
        %add3A_486 = arith.addi %broadcast_in_dim3A_116, %add3A_485 : vector<16xi32>
        %gather3A_487 = tpu.vector_load_idx %arg9[%add3A_486] : memref<9728xf32, #tpu.memory_space<vmem>>[vector<16xi32>], vector<16xf32>,
        %add3A_488 = arith.constant 6 : i32
        %add3A_489 = arith.addi %mul3A_191, %add3A_488 : i32
        %get3A_490 = arith.index_cast %add3A_489 : i32 to index
        %get3A_491 = arith.constant 0 : index
        %get3A_492 = tpu.vector_load %arg10[%get3A_490, %get3A_491] {strides = array<i32>} : memref<128x64xf32, #tpu.memory_space<vmem>>, vector<16xf32>,
        %mul3A_493 = arith.mulf %get3A_492, %gather3A_487 : vector<16xf32>
        %add3A_494 = arith.constant 6 : i32
        %add3A_495 = arith.addi %mul3A_191, %add3A_494 : i32
        %swap3A_496 = arith.index_cast %add3A_495 : i32 to index
        %swap3A_497 = arith.constant 0 : index
        %swap3A_498 = tpu.vector_load %arg10[%swap3A_496, %swap3A_497] {strides = array<i32>} : memref<128x64xf32, #tpu.memory_space<vmem>>, vector<16xf32>,
        tpu.vector_store %arg10[%swap3A_496, %swap3A_497], %mul3A_493 {strides = array<i32>} : memref<128x64xf32, #tpu.memory_space<vmem>>, vector<16xf32>,
        %add3A_499 = arith.constant 6 : i32
        %add3A_500 = arith.addi %mul3A_191, %add3A_499 : i32
        %get3A_501 = arith.index_cast %add3A_500 : i32 to index
        %get3A_502 = arith.constant 16 : index
        %get3A_503 = tpu.vector_load %arg10[%get3A_501, %get3A_502] {strides = array<i32>} : memref<128x64xf32, #tpu.memory_space<vmem>>, vector<16xf32>,
        %mul3A_504 = arith.mulf %get3A_503, %gather3A_487 : vector<16xf32>
        %add3A_505 = arith.constant 6 : i32
        %add3A_506 = arith.addi %mul3A_191, %add3A_505 : i32
        %swap3A_507 = arith.index_cast %add3A_506 : i32 to index
        %swap3A_508 = arith.constant 16 : index
        %swap3A_509 = tpu.vector_load %arg10[%swap3A_507, %swap3A_508] {strides = array<i32>} : memref<128x64xf32, #tpu.memory_space<vmem>>, vector<16xf32>,
        tpu.vector_store %arg10[%swap3A_507, %swap3A_508], %mul3A_504 {strides = array<i32>} : memref<128x64xf32, #tpu.memory_space<vmem>>, vector<16xf32>,
        %add3A_510 = arith.constant 6 : i32
        %add3A_511 = arith.addi %mul3A_191, %add3A_510 : i32
        %get3A_512 = arith.index_cast %add3A_511 : i32 to index
        %get3A_513 = arith.constant 32 : index
        %get3A_514 = tpu.vector_load %arg10[%get3A_512, %get3A_513] {strides = array<i32>} : memref<128x64xf32, #tpu.memory_space<vmem>>, vector<16xf32>,
        %mul3A_515 = arith.mulf %get3A_514, %gather3A_487 : vector<16xf32>
        %add3A_516 = arith.constant 6 : i32
        %add3A_517 = arith.addi %mul3A_191, %add3A_516 : i32
        %swap3A_518 = arith.index_cast %add3A_517 : i32 to index
        %swap3A_519 = arith.constant 32 : index
        %swap3A_520 = tpu.vector_load %arg10[%swap3A_518, %swap3A_519] {strides = array<i32>} : memref<128x64xf32, #tpu.memory_space<vmem>>, vector<16xf32>,
        tpu.vector_store %arg10[%swap3A_518, %swap3A_519], %mul3A_515 {strides = array<i32>} : memref<128x64xf32, #tpu.memory_space<vmem>>, vector<16xf32>,
        %add3A_521 = arith.constant 6 : i32
        %add3A_522 = arith.addi %mul3A_191, %add3A_521 : i32
        %get3A_523 = arith.index_cast %add3A_522 : i32 to index
        %get3A_524 = arith.constant 48 : index
        %get3A_525 = tpu.vector_load %arg10[%get3A_523, %get3A_524] {strides = array<i32>} : memref<128x64xf32, #tpu.memory_space<vmem>>, vector<16xf32>,
        %mul3A_526 = arith.mulf %get3A_525, %gather3A_487 : vector<16xf32>
        %add3A_527 = arith.constant 6 : i32
        %add3A_528 = arith.addi %mul3A_191, %add3A_527 : i32
        %swap3A_529 = arith.index_cast %add3A_528 : i32 to index
        %swap3A_530 = arith.constant 48 : index
        %swap3A_531 = tpu.vector_load %arg10[%swap3A_529, %swap3A_530] {strides = array<i32>} : memref<128x64xf32, #tpu.memory_space<vmem>>, vector<16xf32>,
        tpu.vector_store %arg10[%swap3A_529, %swap3A_530], %mul3A_526 {strides = array<i32>} : memref<128x64xf32, #tpu.memory_space<vmem>>, vector<16xf32>,
        %add3A_532 = arith.constant 7 : i32
        %add3A_533 = arith.addi %mul3A_191, %add3A_532 : i32
        %add3A_534 = vector.broadcast %add3A_533 : i32 to vector<16xi32>
        %add3A_535 = arith.addi %broadcast_in_dim3A_116, %add3A_534 : vector<16xi32>
        %gather3A_536 = tpu.vector_load_idx %arg9[%add3A_535] : memref<9728xf32, #tpu.memory_space<vmem>>[vector<16xi32>], vector<16xf32>,
        %add3A_537 = arith.constant 7 : i32
        %add3A_538 = arith.addi %mul3A_191, %add3A_537 : i32
        %get3A_539 = arith.index_cast %add3A_538 : i32 to index
        %get3A_540 = arith.constant 0 : index
        %get3A_541 = tpu.vector_load %arg10[%get3A_539, %get3A_540] {strides = array<i32>} : memref<128x64xf32, #tpu.memory_space<vmem>>, vector<16xf32>,
        %mul3A_542 = arith.mulf %get3A_541, %gather3A_536 : vector<16xf32>
        %add3A_543 = arith.constant 7 : i32
        %add3A_544 = arith.addi %mul3A_191, %add3A_543 : i32
        %swap3A_545 = arith.index_cast %add3A_544 : i32 to index
        %swap3A_546 = arith.constant 0 : index
        %swap3A_547 = tpu.vector_load %arg10[%swap3A_545, %swap3A_546] {strides = array<i32>} : memref<128x64xf32, #tpu.memory_space<vmem>>, vector<16xf32>,
        tpu.vector_store %arg10[%swap3A_545, %swap3A_546], %mul3A_542 {strides = array<i32>} : memref<128x64xf32, #tpu.memory_space<vmem>>, vector<16xf32>,
        %add3A_548 = arith.constant 7 : i32
        %add3A_549 = arith.addi %mul3A_191, %add3A_548 : i32
        %get3A_550 = arith.index_cast %add3A_549 : i32 to index
        %get3A_551 = arith.constant 16 : index
        %get3A_552 = tpu.vector_load %arg10[%get3A_550, %get3A_551] {strides = array<i32>} : memref<128x64xf32, #tpu.memory_space<vmem>>, vector<16xf32>,
        %mul3A_553 = arith.mulf %get3A_552, %gather3A_536 : vector<16xf32>
        %add3A_554 = arith.constant 7 : i32
        %add3A_555 = arith.addi %mul3A_191, %add3A_554 : i32
        %swap3A_556 = arith.index_cast %add3A_555 : i32 to index
        %swap3A_557 = arith.constant 16 : index
        %swap3A_558 = tpu.vector_load %arg10[%swap3A_556, %swap3A_557] {strides = array<i32>} : memref<128x64xf32, #tpu.memory_space<vmem>>, vector<16xf32>,
        tpu.vector_store %arg10[%swap3A_556, %swap3A_557], %mul3A_553 {strides = array<i32>} : memref<128x64xf32, #tpu.memory_space<vmem>>, vector<16xf32>,
        %add3A_559 = arith.constant 7 : i32
        %add3A_560 = arith.addi %mul3A_191, %add3A_559 : i32
        %get3A_561 = arith.index_cast %add3A_560 : i32 to index
        %get3A_562 = arith.constant 32 : index
        %get3A_563 = tpu.vector_load %arg10[%get3A_561, %get3A_562] {strides = array<i32>} : memref<128x64xf32, #tpu.memory_space<vmem>>, vector<16xf32>,
        %mul3A_564 = arith.mulf %get3A_563, %gather3A_536 : vector<16xf32>
        %add3A_565 = arith.constant 7 : i32
        %add3A_566 = arith.addi %mul3A_191, %add3A_565 : i32
        %swap3A_567 = arith.index_cast %add3A_566 : i32 to index
        %swap3A_568 = arith.constant 32 : index
        %swap3A_569 = tpu.vector_load %arg10[%swap3A_567, %swap3A_568] {strides = array<i32>} : memref<128x64xf32, #tpu.memory_space<vmem>>, vector<16xf32>,
        tpu.vector_store %arg10[%swap3A_567, %swap3A_568], %mul3A_564 {strides = array<i32>} : memref<128x64xf32, #tpu.memory_space<vmem>>, vector<16xf32>,
        %add3A_570 = arith.constant 7 : i32
        %add3A_571 = arith.addi %mul3A_191, %add3A_570 : i32
        %get3A_572 = arith.index_cast %add3A_571 : i32 to index
        %get3A_573 = arith.constant 48 : index
        %get3A_574 = tpu.vector_load %arg10[%get3A_572, %get3A_573] {strides = array<i32>} : memref<128x64xf32, #tpu.memory_space<vmem>>, vector<16xf32>,
        %mul3A_575 = arith.mulf %get3A_574, %gather3A_536 : vector<16xf32>
        %add3A_576 = arith.constant 7 : i32
        %add3A_577 = arith.addi %mul3A_191, %add3A_576 : i32
        %swap3A_578 = arith.index_cast %add3A_577 : i32 to index
        %swap3A_579 = arith.constant 48 : index
        %swap3A_580 = tpu.vector_load %arg10[%swap3A_578, %swap3A_579] {strides = array<i32>} : memref<128x64xf32, #tpu.memory_space<vmem>>, vector<16xf32>,
        tpu.vector_store %arg10[%swap3A_578, %swap3A_579], %mul3A_575 {strides = array<i32>} : memref<128x64xf32, #tpu.memory_space<vmem>>, vector<16xf32>,
        %scan3A_581 = arith.constant 0 : i32
        scf.yield %scan3A_581 : i32
      }
      %scan3A_123 = arith.constant 16 : i32
      %dma_start3A_124 = arith.constant 0 : i32
      %dma_start3A_125 = tpu.memref_slice %arg8[%add3A_107, %dma_start3A_124] : memref<76x128xi32, #tpu.memory_space<vmem>> -> memref<1x128xi32, #tpu.memory_space<vmem>>
      %dma_start3A_126 = tpu.memref_squeeze %dma_start3A_125 : memref<1x128xi32, #tpu.memory_space<vmem>> -> memref<128xi32, #tpu.memory_space<vmem>>
      %dma_start3A_127 = arith.constant 0 : i32
      %dma_start3A_128 = arith.constant 0 : i32
      %dma_start3A_129 = tpu.memref_slice %arg12[%dma_start3A_127, %dma_start3A_128] : memref<16384x64xf32, #tpu.memory_space<vmem_shared>> -> memref<16384x64xf32, #tpu.memory_space<vmem_shared>>
      tpu.enqueue_indirect_dma source(%arg10 : memref<128x64xf32, #tpu.memory_space<vmem>>) target(%dma_start3A_129 : memref<16384x64xf32, #tpu.memory_space<vmem_shared>>) offsets(%dma_start3A_126 : memref<128xi32, #tpu.memory_space<vmem>>) semaphore(%arg15 : memref<!tpu.dma_semaphore, #tpu.memory_space<semaphore_mem>>) {add = true}
      %add3A_130 = arith.constant 1 : i32
      %add3A_131 = arith.addi %mul3A_105, %add3A_130 : i32
      %dma_wait3A_132 = arith.constant 0 : i32
      %dma_wait3A_133 = tpu.memref_slice %arg7[%add3A_131, %dma_wait3A_132] : memref<76x128xi32, #tpu.memory_space<vmem>> -> memref<1x128xi32, #tpu.memory_space<vmem>>
      %dma_wait3A_134 = tpu.memref_squeeze %dma_wait3A_133 : memref<1x128xi32, #tpu.memory_space<vmem>> -> memref<128xi32, #tpu.memory_space<vmem>>
      %dma_wait3A_135 = arith.constant 0 : i32
      %dma_wait3A_136 = arith.constant 0 : i32
      %dma_wait3A_137 = tpu.memref_slice %arg2[%dma_wait3A_135, %dma_wait3A_136] : memref<16384x64xf32, #tpu.memory_space<hbm>> -> memref<16384x64xf32, #tpu.memory_space<hbm>>
      tpu.wait_indirect_dma semaphore(%arg14 : memref<!tpu.dma_semaphore, #tpu.memory_space<semaphore_mem>>) src(%dma_wait3A_137 : memref<16384x64xf32, #tpu.memory_space<hbm>>) dst(%arg11 : memref<128x64xf32, #tpu.memory_space<vmem>>)
      %mul3A_138 = arith.constant 128 : i32
      %mul3A_139 = arith.muli %add3A_131, %mul3A_138 : i32
      %broadcast_in_dim3A_140 = vector.broadcast %mul3A_139 : i32 to vector<16xi32>
      %scan3A_141 = arith.constant 0 : i32
      %scan3A_142 = arith.constant 0 : i32
      %scan3A_143 = arith.constant 16 : i32
      %scan3A_144 = arith.addi %scan3A_142, %scan3A_143 : i32
      %scan3A_145 = arith.constant 1 : i32
      %scan3A_146 = scf.for %scan3A_188 = %scan3A_142 to %scan3A_144 step %scan3A_145 iter_args(%scan3A_189 = %scan3A_141) -> (i32)  : i32 {
        %mul3A_190 = arith.constant 8 : i32
        %mul3A_191 = arith.muli %scan3A_188, %mul3A_190 : i32
        %add3A_192 = arith.constant 0 : i32
        %add3A_193 = arith.addi %mul3A_191, %add3A_192 : i32
        %add3A_194 = vector.broadcast %add3A_193 : i32 to vector<16xi32>
        %add3A_195 = arith.addi %broadcast_in_dim3A_140, %add3A_194 : vector<16xi32>
        %gather3A = tpu.vector_load_idx %arg9[%add3A_195] : memref<9728xf32, #tpu.memory_space<vmem>>[vector<16xi32>], vector<16xf32>,
        %add3A_196 = arith.constant 0 : i32
        %add3A_197 = arith.addi %mul3A_191, %add3A_196 : i32
        %get3A = arith.index_cast %add3A_197 : i32 to index
        %get3A_198 = arith.constant 0 : index
        %get3A_199 = tpu.vector_load %arg11[%get3A, %get3A_198] {strides = array<i32>} : memref<128x64xf32, #tpu.memory_space<vmem>>, vector<16xf32>,
        %mul3A_200 = arith.mulf %get3A_199, %gather3A : vector<16xf32>
        %add3A_201 = arith.constant 0 : i32
        %add3A_202 = arith.addi %mul3A_191, %add3A_201 : i32
        %swap3A = arith.index_cast %add3A_202 : i32 to index
        %swap3A_203 = arith.constant 0 : index
        %swap3A_204 = tpu.vector_load %arg11[%swap3A, %swap3A_203] {strides = array<i32>} : memref<128x64xf32, #tpu.memory_space<vmem>>, vector<16xf32>,
        tpu.vector_store %arg11[%swap3A, %swap3A_203], %mul3A_200 {strides = array<i32>} : memref<128x64xf32, #tpu.memory_space<vmem>>, vector<16xf32>,
        %add3A_205 = arith.constant 0 : i32
        %add3A_206 = arith.addi %mul3A_191, %add3A_205 : i32
        %get3A_207 = arith.index_cast %add3A_206 : i32 to index
        %get3A_208 = arith.constant 16 : index
        %get3A_209 = tpu.vector_load %arg11[%get3A_207, %get3A_208] {strides = array<i32>} : memref<128x64xf32, #tpu.memory_space<vmem>>, vector<16xf32>,
        %mul3A_210 = arith.mulf %get3A_209, %gather3A : vector<16xf32>
        %add3A_211 = arith.constant 0 : i32
        %add3A_212 = arith.addi %mul3A_191, %add3A_211 : i32
        %swap3A_213 = arith.index_cast %add3A_212 : i32 to index
        %swap3A_214 = arith.constant 16 : index
        %swap3A_215 = tpu.vector_load %arg11[%swap3A_213, %swap3A_214] {strides = array<i32>} : memref<128x64xf32, #tpu.memory_space<vmem>>, vector<16xf32>,
        tpu.vector_store %arg11[%swap3A_213, %swap3A_214], %mul3A_210 {strides = array<i32>} : memref<128x64xf32, #tpu.memory_space<vmem>>, vector<16xf32>,
        %add3A_216 = arith.constant 0 : i32
        %add3A_217 = arith.addi %mul3A_191, %add3A_216 : i32
        %get3A_218 = arith.index_cast %add3A_217 : i32 to index
        %get3A_219 = arith.constant 32 : index
        %get3A_220 = tpu.vector_load %arg11[%get3A_218, %get3A_219] {strides = array<i32>} : memref<128x64xf32, #tpu.memory_space<vmem>>, vector<16xf32>,
        %mul3A_221 = arith.mulf %get3A_220, %gather3A : vector<16xf32>
        %add3A_222 = arith.constant 0 : i32
        %add3A_223 = arith.addi %mul3A_191, %add3A_222 : i32
        %swap3A_224 = arith.index_cast %add3A_223 : i32 to index
        %swap3A_225 = arith.constant 32 : index
        %swap3A_226 = tpu.vector_load %arg11[%swap3A_224, %swap3A_225] {strides = array<i32>} : memref<128x64xf32, #tpu.memory_space<vmem>>, vector<16xf32>,
        tpu.vector_store %arg11[%swap3A_224, %swap3A_225], %mul3A_221 {strides = array<i32>} : memref<128x64xf32, #tpu.memory_space<vmem>>, vector<16xf32>,
        %add3A_227 = arith.constant 0 : i32
        %add3A_228 = arith.addi %mul3A_191, %add3A_227 : i32
        %get3A_229 = arith.index_cast %add3A_228 : i32 to index
        %get3A_230 = arith.constant 48 : index
        %get3A_231 = tpu.vector_load %arg11[%get3A_229, %get3A_230] {strides = array<i32>} : memref<128x64xf32, #tpu.memory_space<vmem>>, vector<16xf32>,
        %mul3A_232 = arith.mulf %get3A_231, %gather3A : vector<16xf32>
        %add3A_233 = arith.constant 0 : i32
        %add3A_234 = arith.addi %mul3A_191, %add3A_233 : i32
        %swap3A_235 = arith.index_cast %add3A_234 : i32 to index
        %swap3A_236 = arith.constant 48 : index
        %swap3A_237 = tpu.vector_load %arg11[%swap3A_235, %swap3A_236] {strides = array<i32>} : memref<128x64xf32, #tpu.memory_space<vmem>>, vector<16xf32>,
        tpu.vector_store %arg11[%swap3A_235, %swap3A_236], %mul3A_232 {strides = array<i32>} : memref<128x64xf32, #tpu.memory_space<vmem>>, vector<16xf32>,
        %add3A_238 = arith.constant 1 : i32
        %add3A_239 = arith.addi %mul3A_191, %add3A_238 : i32
        %add3A_240 = vector.broadcast %add3A_239 : i32 to vector<16xi32>
        %add3A_241 = arith.addi %broadcast_in_dim3A_140, %add3A_240 : vector<16xi32>
        %gather3A_242 = tpu.vector_load_idx %arg9[%add3A_241] : memref<9728xf32, #tpu.memory_space<vmem>>[vector<16xi32>], vector<16xf32>,
        %add3A_243 = arith.constant 1 : i32
        %add3A_244 = arith.addi %mul3A_191, %add3A_243 : i32
        %get3A_245 = arith.index_cast %add3A_244 : i32 to index
        %get3A_246 = arith.constant 0 : index
        %get3A_247 = tpu.vector_load %arg11[%get3A_245, %get3A_246] {strides = array<i32>} : memref<128x64xf32, #tpu.memory_space<vmem>>, vector<16xf32>,
        %mul3A_248 = arith.mulf %get3A_247, %gather3A_242 : vector<16xf32>
        %add3A_249 = arith.constant 1 : i32
        %add3A_250 = arith.addi %mul3A_191, %add3A_249 : i32
        %swap3A_251 = arith.index_cast %add3A_250 : i32 to index
        %swap3A_252 = arith.constant 0 : index
        %swap3A_253 = tpu.vector_load %arg11[%swap3A_251, %swap3A_252] {strides = array<i32>} : memref<128x64xf32, #tpu.memory_space<vmem>>, vector<16xf32>,
        tpu.vector_store %arg11[%swap3A_251, %swap3A_252], %mul3A_248 {strides = array<i32>} : memref<128x64xf32, #tpu.memory_space<vmem>>, vector<16xf32>,
        %add3A_254 = arith.constant 1 : i32
        %add3A_255 = arith.addi %mul3A_191, %add3A_254 : i32
        %get3A_256 = arith.index_cast %add3A_255 : i32 to index
        %get3A_257 = arith.constant 16 : index
        %get3A_258 = tpu.vector_load %arg11[%get3A_256, %get3A_257] {strides = array<i32>} : memref<128x64xf32, #tpu.memory_space<vmem>>, vector<16xf32>,
        %mul3A_259 = arith.mulf %get3A_258, %gather3A_242 : vector<16xf32>
        %add3A_260 = arith.constant 1 : i32
        %add3A_261 = arith.addi %mul3A_191, %add3A_260 : i32
        %swap3A_262 = arith.index_cast %add3A_261 : i32 to index
        %swap3A_263 = arith.constant 16 : index
        %swap3A_264 = tpu.vector_load %arg11[%swap3A_262, %swap3A_263] {strides = array<i32>} : memref<128x64xf32, #tpu.memory_space<vmem>>, vector<16xf32>,
        tpu.vector_store %arg11[%swap3A_262, %swap3A_263], %mul3A_259 {strides = array<i32>} : memref<128x64xf32, #tpu.memory_space<vmem>>, vector<16xf32>,
        %add3A_265 = arith.constant 1 : i32
        %add3A_266 = arith.addi %mul3A_191, %add3A_265 : i32
        %get3A_267 = arith.index_cast %add3A_266 : i32 to index
        %get3A_268 = arith.constant 32 : index
        %get3A_269 = tpu.vector_load %arg11[%get3A_267, %get3A_268] {strides = array<i32>} : memref<128x64xf32, #tpu.memory_space<vmem>>, vector<16xf32>,
        %mul3A_270 = arith.mulf %get3A_269, %gather3A_242 : vector<16xf32>
        %add3A_271 = arith.constant 1 : i32
        %add3A_272 = arith.addi %mul3A_191, %add3A_271 : i32
        %swap3A_273 = arith.index_cast %add3A_272 : i32 to index
        %swap3A_274 = arith.constant 32 : index
        %swap3A_275 = tpu.vector_load %arg11[%swap3A_273, %swap3A_274] {strides = array<i32>} : memref<128x64xf32, #tpu.memory_space<vmem>>, vector<16xf32>,
        tpu.vector_store %arg11[%swap3A_273, %swap3A_274], %mul3A_270 {strides = array<i32>} : memref<128x64xf32, #tpu.memory_space<vmem>>, vector<16xf32>,
        %add3A_276 = arith.constant 1 : i32
        %add3A_277 = arith.addi %mul3A_191, %add3A_276 : i32
        %get3A_278 = arith.index_cast %add3A_277 : i32 to index
        %get3A_279 = arith.constant 48 : index
        %get3A_280 = tpu.vector_load %arg11[%get3A_278, %get3A_279] {strides = array<i32>} : memref<128x64xf32, #tpu.memory_space<vmem>>, vector<16xf32>,
        %mul3A_281 = arith.mulf %get3A_280, %gather3A_242 : vector<16xf32>
        %add3A_282 = arith.constant 1 : i32
        %add3A_283 = arith.addi %mul3A_191, %add3A_282 : i32
        %swap3A_284 = arith.index_cast %add3A_283 : i32 to index
        %swap3A_285 = arith.constant 48 : index
        %swap3A_286 = tpu.vector_load %arg11[%swap3A_284, %swap3A_285] {strides = array<i32>} : memref<128x64xf32, #tpu.memory_space<vmem>>, vector<16xf32>,
        tpu.vector_store %arg11[%swap3A_284, %swap3A_285], %mul3A_281 {strides = array<i32>} : memref<128x64xf32, #tpu.memory_space<vmem>>, vector<16xf32>,
        %add3A_287 = arith.constant 2 : i32
        %add3A_288 = arith.addi %mul3A_191, %add3A_287 : i32
        %add3A_289 = vector.broadcast %add3A_288 : i32 to vector<16xi32>
        %add3A_290 = arith.addi %broadcast_in_dim3A_140, %add3A_289 : vector<16xi32>
        %gather3A_291 = tpu.vector_load_idx %arg9[%add3A_290] : memref<9728xf32, #tpu.memory_space<vmem>>[vector<16xi32>], vector<16xf32>,
        %add3A_292 = arith.constant 2 : i32
        %add3A_293 = arith.addi %mul3A_191, %add3A_292 : i32
        %get3A_294 = arith.index_cast %add3A_293 : i32 to index
        %get3A_295 = arith.constant 0 : index
        %get3A_296 = tpu.vector_load %arg11[%get3A_294, %get3A_295] {strides = array<i32>} : memref<128x64xf32, #tpu.memory_space<vmem>>, vector<16xf32>,
        %mul3A_297 = arith.mulf %get3A_296, %gather3A_291 : vector<16xf32>
        %add3A_298 = arith.constant 2 : i32
        %add3A_299 = arith.addi %mul3A_191, %add3A_298 : i32
        %swap3A_300 = arith.index_cast %add3A_299 : i32 to index
        %swap3A_301 = arith.constant 0 : index
        %swap3A_302 = tpu.vector_load %arg11[%swap3A_300, %swap3A_301] {strides = array<i32>} : memref<128x64xf32, #tpu.memory_space<vmem>>, vector<16xf32>,
        tpu.vector_store %arg11[%swap3A_300, %swap3A_301], %mul3A_297 {strides = array<i32>} : memref<128x64xf32, #tpu.memory_space<vmem>>, vector<16xf32>,
        %add3A_303 = arith.constant 2 : i32
        %add3A_304 = arith.addi %mul3A_191, %add3A_303 : i32
        %get3A_305 = arith.index_cast %add3A_304 : i32 to index
        %get3A_306 = arith.constant 16 : index
        %get3A_307 = tpu.vector_load %arg11[%get3A_305, %get3A_306] {strides = array<i32>} : memref<128x64xf32, #tpu.memory_space<vmem>>, vector<16xf32>,
        %mul3A_308 = arith.mulf %get3A_307, %gather3A_291 : vector<16xf32>
        %add3A_309 = arith.constant 2 : i32
        %add3A_310 = arith.addi %mul3A_191, %add3A_309 : i32
        %swap3A_311 = arith.index_cast %add3A_310 : i32 to index
        %swap3A_312 = arith.constant 16 : index
        %swap3A_313 = tpu.vector_load %arg11[%swap3A_311, %swap3A_312] {strides = array<i32>} : memref<128x64xf32, #tpu.memory_space<vmem>>, vector<16xf32>,
        tpu.vector_store %arg11[%swap3A_311, %swap3A_312], %mul3A_308 {strides = array<i32>} : memref<128x64xf32, #tpu.memory_space<vmem>>, vector<16xf32>,
        %add3A_314 = arith.constant 2 : i32
        %add3A_315 = arith.addi %mul3A_191, %add3A_314 : i32
        %get3A_316 = arith.index_cast %add3A_315 : i32 to index
        %get3A_317 = arith.constant 32 : index
        %get3A_318 = tpu.vector_load %arg11[%get3A_316, %get3A_317] {strides = array<i32>} : memref<128x64xf32, #tpu.memory_space<vmem>>, vector<16xf32>,
        %mul3A_319 = arith.mulf %get3A_318, %gather3A_291 : vector<16xf32>
        %add3A_320 = arith.constant 2 : i32
        %add3A_321 = arith.addi %mul3A_191, %add3A_320 : i32
        %swap3A_322 = arith.index_cast %add3A_321 : i32 to index
        %swap3A_323 = arith.constant 32 : index
        %swap3A_324 = tpu.vector_load %arg11[%swap3A_322, %swap3A_323] {strides = array<i32>} : memref<128x64xf32, #tpu.memory_space<vmem>>, vector<16xf32>,
        tpu.vector_store %arg11[%swap3A_322, %swap3A_323], %mul3A_319 {strides = array<i32>} : memref<128x64xf32, #tpu.memory_space<vmem>>, vector<16xf32>,
        %add3A_325 = arith.constant 2 : i32
        %add3A_326 = arith.addi %mul3A_191, %add3A_325 : i32
        %get3A_327 = arith.index_cast %add3A_326 : i32 to index
        %get3A_328 = arith.constant 48 : index
        %get3A_329 = tpu.vector_load %arg11[%get3A_327, %get3A_328] {strides = array<i32>} : memref<128x64xf32, #tpu.memory_space<vmem>>, vector<16xf32>,
        %mul3A_330 = arith.mulf %get3A_329, %gather3A_291 : vector<16xf32>
        %add3A_331 = arith.constant 2 : i32
        %add3A_332 = arith.addi %mul3A_191, %add3A_331 : i32
        %swap3A_333 = arith.index_cast %add3A_332 : i32 to index
        %swap3A_334 = arith.constant 48 : index
        %swap3A_335 = tpu.vector_load %arg11[%swap3A_333, %swap3A_334] {strides = array<i32>} : memref<128x64xf32, #tpu.memory_space<vmem>>, vector<16xf32>,
        tpu.vector_store %arg11[%swap3A_333, %swap3A_334], %mul3A_330 {strides = array<i32>} : memref<128x64xf32, #tpu.memory_space<vmem>>, vector<16xf32>,
        %add3A_336 = arith.constant 3 : i32
        %add3A_337 = arith.addi %mul3A_191, %add3A_336 : i32
        %add3A_338 = vector.broadcast %add3A_337 : i32 to vector<16xi32>
        %add3A_339 = arith.addi %broadcast_in_dim3A_140, %add3A_338 : vector<16xi32>
        %gather3A_340 = tpu.vector_load_idx %arg9[%add3A_339] : memref<9728xf32, #tpu.memory_space<vmem>>[vector<16xi32>], vector<16xf32>,
        %add3A_341 = arith.constant 3 : i32
        %add3A_342 = arith.addi %mul3A_191, %add3A_341 : i32
        %get3A_343 = arith.index_cast %add3A_342 : i32 to index
        %get3A_344 = arith.constant 0 : index
        %get3A_345 = tpu.vector_load %arg11[%get3A_343, %get3A_344] {strides = array<i32>} : memref<128x64xf32, #tpu.memory_space<vmem>>, vector<16xf32>,
        %mul3A_346 = arith.mulf %get3A_345, %gather3A_340 : vector<16xf32>
        %add3A_347 = arith.constant 3 : i32
        %add3A_348 = arith.addi %mul3A_191, %add3A_347 : i32
        %swap3A_349 = arith.index_cast %add3A_348 : i32 to index
        %swap3A_350 = arith.constant 0 : index
        %swap3A_351 = tpu.vector_load %arg11[%swap3A_349, %swap3A_350] {strides = array<i32>} : memref<128x64xf32, #tpu.memory_space<vmem>>, vector<16xf32>,
        tpu.vector_store %arg11[%swap3A_349, %swap3A_350], %mul3A_346 {strides = array<i32>} : memref<128x64xf32, #tpu.memory_space<vmem>>, vector<16xf32>,
        %add3A_352 = arith.constant 3 : i32
        %add3A_353 = arith.addi %mul3A_191, %add3A_352 : i32
        %get3A_354 = arith.index_cast %add3A_353 : i32 to index
        %get3A_355 = arith.constant 16 : index
        %get3A_356 = tpu.vector_load %arg11[%get3A_354, %get3A_355] {strides = array<i32>} : memref<128x64xf32, #tpu.memory_space<vmem>>, vector<16xf32>,
        %mul3A_357 = arith.mulf %get3A_356, %gather3A_340 : vector<16xf32>
        %add3A_358 = arith.constant 3 : i32
        %add3A_359 = arith.addi %mul3A_191, %add3A_358 : i32
        %swap3A_360 = arith.index_cast %add3A_359 : i32 to index
        %swap3A_361 = arith.constant 16 : index
        %swap3A_362 = tpu.vector_load %arg11[%swap3A_360, %swap3A_361] {strides = array<i32>} : memref<128x64xf32, #tpu.memory_space<vmem>>, vector<16xf32>,
        tpu.vector_store %arg11[%swap3A_360, %swap3A_361], %mul3A_357 {strides = array<i32>} : memref<128x64xf32, #tpu.memory_space<vmem>>, vector<16xf32>,
        %add3A_363 = arith.constant 3 : i32
        %add3A_364 = arith.addi %mul3A_191, %add3A_363 : i32
        %get3A_365 = arith.index_cast %add3A_364 : i32 to index
        %get3A_366 = arith.constant 32 : index
        %get3A_367 = tpu.vector_load %arg11[%get3A_365, %get3A_366] {strides = array<i32>} : memref<128x64xf32, #tpu.memory_space<vmem>>, vector<16xf32>,
        %mul3A_368 = arith.mulf %get3A_367, %gather3A_340 : vector<16xf32>
        %add3A_369 = arith.constant 3 : i32
        %add3A_370 = arith.addi %mul3A_191, %add3A_369 : i32
        %swap3A_371 = arith.index_cast %add3A_370 : i32 to index
        %swap3A_372 = arith.constant 32 : index
        %swap3A_373 = tpu.vector_load %arg11[%swap3A_371, %swap3A_372] {strides = array<i32>} : memref<128x64xf32, #tpu.memory_space<vmem>>, vector<16xf32>,
        tpu.vector_store %arg11[%swap3A_371, %swap3A_372], %mul3A_368 {strides = array<i32>} : memref<128x64xf32, #tpu.memory_space<vmem>>, vector<16xf32>,
        %add3A_374 = arith.constant 3 : i32
        %add3A_375 = arith.addi %mul3A_191, %add3A_374 : i32
        %get3A_376 = arith.index_cast %add3A_375 : i32 to index
        %get3A_377 = arith.constant 48 : index
        %get3A_378 = tpu.vector_load %arg11[%get3A_376, %get3A_377] {strides = array<i32>} : memref<128x64xf32, #tpu.memory_space<vmem>>, vector<16xf32>,
        %mul3A_379 = arith.mulf %get3A_378, %gather3A_340 : vector<16xf32>
        %add3A_380 = arith.constant 3 : i32
        %add3A_381 = arith.addi %mul3A_191, %add3A_380 : i32
        %swap3A_382 = arith.index_cast %add3A_381 : i32 to index
        %swap3A_383 = arith.constant 48 : index
        %swap3A_384 = tpu.vector_load %arg11[%swap3A_382, %swap3A_383] {strides = array<i32>} : memref<128x64xf32, #tpu.memory_space<vmem>>, vector<16xf32>,
        tpu.vector_store %arg11[%swap3A_382, %swap3A_383], %mul3A_379 {strides = array<i32>} : memref<128x64xf32, #tpu.memory_space<vmem>>, vector<16xf32>,
        %add3A_385 = arith.constant 4 : i32
        %add3A_386 = arith.addi %mul3A_191, %add3A_385 : i32
        %add3A_387 = vector.broadcast %add3A_386 : i32 to vector<16xi32>
        %add3A_388 = arith.addi %broadcast_in_dim3A_140, %add3A_387 : vector<16xi32>
        %gather3A_389 = tpu.vector_load_idx %arg9[%add3A_388] : memref<9728xf32, #tpu.memory_space<vmem>>[vector<16xi32>], vector<16xf32>,
        %add3A_390 = arith.constant 4 : i32
        %add3A_391 = arith.addi %mul3A_191, %add3A_390 : i32
        %get3A_392 = arith.index_cast %add3A_391 : i32 to index
        %get3A_393 = arith.constant 0 : index
        %get3A_394 = tpu.vector_load %arg11[%get3A_392, %get3A_393] {strides = array<i32>} : memref<128x64xf32, #tpu.memory_space<vmem>>, vector<16xf32>,
        %mul3A_395 = arith.mulf %get3A_394, %gather3A_389 : vector<16xf32>
        %add3A_396 = arith.constant 4 : i32
        %add3A_397 = arith.addi %mul3A_191, %add3A_396 : i32
        %swap3A_398 = arith.index_cast %add3A_397 : i32 to index
        %swap3A_399 = arith.constant 0 : index
        %swap3A_400 = tpu.vector_load %arg11[%swap3A_398, %swap3A_399] {strides = array<i32>} : memref<128x64xf32, #tpu.memory_space<vmem>>, vector<16xf32>,
        tpu.vector_store %arg11[%swap3A_398, %swap3A_399], %mul3A_395 {strides = array<i32>} : memref<128x64xf32, #tpu.memory_space<vmem>>, vector<16xf32>,
        %add3A_401 = arith.constant 4 : i32
        %add3A_402 = arith.addi %mul3A_191, %add3A_401 : i32
        %get3A_403 = arith.index_cast %add3A_402 : i32 to index
        %get3A_404 = arith.constant 16 : index
        %get3A_405 = tpu.vector_load %arg11[%get3A_403, %get3A_404] {strides = array<i32>} : memref<128x64xf32, #tpu.memory_space<vmem>>, vector<16xf32>,
        %mul3A_406 = arith.mulf %get3A_405, %gather3A_389 : vector<16xf32>
        %add3A_407 = arith.constant 4 : i32
        %add3A_408 = arith.addi %mul3A_191, %add3A_407 : i32
        %swap3A_409 = arith.index_cast %add3A_408 : i32 to index
        %swap3A_410 = arith.constant 16 : index
        %swap3A_411 = tpu.vector_load %arg11[%swap3A_409, %swap3A_410] {strides = array<i32>} : memref<128x64xf32, #tpu.memory_space<vmem>>, vector<16xf32>,
        tpu.vector_store %arg11[%swap3A_409, %swap3A_410], %mul3A_406 {strides = array<i32>} : memref<128x64xf32, #tpu.memory_space<vmem>>, vector<16xf32>,
        %add3A_412 = arith.constant 4 : i32
        %add3A_413 = arith.addi %mul3A_191, %add3A_412 : i32
        %get3A_414 = arith.index_cast %add3A_413 : i32 to index
        %get3A_415 = arith.constant 32 : index
        %get3A_416 = tpu.vector_load %arg11[%get3A_414, %get3A_415] {strides = array<i32>} : memref<128x64xf32, #tpu.memory_space<vmem>>, vector<16xf32>,
        %mul3A_417 = arith.mulf %get3A_416, %gather3A_389 : vector<16xf32>
        %add3A_418 = arith.constant 4 : i32
        %add3A_419 = arith.addi %mul3A_191, %add3A_418 : i32
        %swap3A_420 = arith.index_cast %add3A_419 : i32 to index
        %swap3A_421 = arith.constant 32 : index
        %swap3A_422 = tpu.vector_load %arg11[%swap3A_420, %swap3A_421] {strides = array<i32>} : memref<128x64xf32, #tpu.memory_space<vmem>>, vector<16xf32>,
        tpu.vector_store %arg11[%swap3A_420, %swap3A_421], %mul3A_417 {strides = array<i32>} : memref<128x64xf32, #tpu.memory_space<vmem>>, vector<16xf32>,
        %add3A_423 = arith.constant 4 : i32
        %add3A_424 = arith.addi %mul3A_191, %add3A_423 : i32
        %get3A_425 = arith.index_cast %add3A_424 : i32 to index
        %get3A_426 = arith.constant 48 : index
        %get3A_427 = tpu.vector_load %arg11[%get3A_425, %get3A_426] {strides = array<i32>} : memref<128x64xf32, #tpu.memory_space<vmem>>, vector<16xf32>,
        %mul3A_428 = arith.mulf %get3A_427, %gather3A_389 : vector<16xf32>
        %add3A_429 = arith.constant 4 : i32
        %add3A_430 = arith.addi %mul3A_191, %add3A_429 : i32
        %swap3A_431 = arith.index_cast %add3A_430 : i32 to index
        %swap3A_432 = arith.constant 48 : index
        %swap3A_433 = tpu.vector_load %arg11[%swap3A_431, %swap3A_432] {strides = array<i32>} : memref<128x64xf32, #tpu.memory_space<vmem>>, vector<16xf32>,
        tpu.vector_store %arg11[%swap3A_431, %swap3A_432], %mul3A_428 {strides = array<i32>} : memref<128x64xf32, #tpu.memory_space<vmem>>, vector<16xf32>,
        %add3A_434 = arith.constant 5 : i32
        %add3A_435 = arith.addi %mul3A_191, %add3A_434 : i32
        %add3A_436 = vector.broadcast %add3A_435 : i32 to vector<16xi32>
        %add3A_437 = arith.addi %broadcast_in_dim3A_140, %add3A_436 : vector<16xi32>
        %gather3A_438 = tpu.vector_load_idx %arg9[%add3A_437] : memref<9728xf32, #tpu.memory_space<vmem>>[vector<16xi32>], vector<16xf32>,
        %add3A_439 = arith.constant 5 : i32
        %add3A_440 = arith.addi %mul3A_191, %add3A_439 : i32
        %get3A_441 = arith.index_cast %add3A_440 : i32 to index
        %get3A_442 = arith.constant 0 : index
        %get3A_443 = tpu.vector_load %arg11[%get3A_441, %get3A_442] {strides = array<i32>} : memref<128x64xf32, #tpu.memory_space<vmem>>, vector<16xf32>,
        %mul3A_444 = arith.mulf %get3A_443, %gather3A_438 : vector<16xf32>
        %add3A_445 = arith.constant 5 : i32
        %add3A_446 = arith.addi %mul3A_191, %add3A_445 : i32
        %swap3A_447 = arith.index_cast %add3A_446 : i32 to index
        %swap3A_448 = arith.constant 0 : index
        %swap3A_449 = tpu.vector_load %arg11[%swap3A_447, %swap3A_448] {strides = array<i32>} : memref<128x64xf32, #tpu.memory_space<vmem>>, vector<16xf32>,
        tpu.vector_store %arg11[%swap3A_447, %swap3A_448], %mul3A_444 {strides = array<i32>} : memref<128x64xf32, #tpu.memory_space<vmem>>, vector<16xf32>,
        %add3A_450 = arith.constant 5 : i32
        %add3A_451 = arith.addi %mul3A_191, %add3A_450 : i32
        %get3A_452 = arith.index_cast %add3A_451 : i32 to index
        %get3A_453 = arith.constant 16 : index
        %get3A_454 = tpu.vector_load %arg11[%get3A_452, %get3A_453] {strides = array<i32>} : memref<128x64xf32, #tpu.memory_space<vmem>>, vector<16xf32>,
        %mul3A_455 = arith.mulf %get3A_454, %gather3A_438 : vector<16xf32>
        %add3A_456 = arith.constant 5 : i32
        %add3A_457 = arith.addi %mul3A_191, %add3A_456 : i32
        %swap3A_458 = arith.index_cast %add3A_457 : i32 to index
        %swap3A_459 = arith.constant 16 : index
        %swap3A_460 = tpu.vector_load %arg11[%swap3A_458, %swap3A_459] {strides = array<i32>} : memref<128x64xf32, #tpu.memory_space<vmem>>, vector<16xf32>,
        tpu.vector_store %arg11[%swap3A_458, %swap3A_459], %mul3A_455 {strides = array<i32>} : memref<128x64xf32, #tpu.memory_space<vmem>>, vector<16xf32>,
        %add3A_461 = arith.constant 5 : i32
        %add3A_462 = arith.addi %mul3A_191, %add3A_461 : i32
        %get3A_463 = arith.index_cast %add3A_462 : i32 to index
        %get3A_464 = arith.constant 32 : index
        %get3A_465 = tpu.vector_load %arg11[%get3A_463, %get3A_464] {strides = array<i32>} : memref<128x64xf32, #tpu.memory_space<vmem>>, vector<16xf32>,
        %mul3A_466 = arith.mulf %get3A_465, %gather3A_438 : vector<16xf32>
        %add3A_467 = arith.constant 5 : i32
        %add3A_468 = arith.addi %mul3A_191, %add3A_467 : i32
        %swap3A_469 = arith.index_cast %add3A_468 : i32 to index
        %swap3A_470 = arith.constant 32 : index
        %swap3A_471 = tpu.vector_load %arg11[%swap3A_469, %swap3A_470] {strides = array<i32>} : memref<128x64xf32, #tpu.memory_space<vmem>>, vector<16xf32>,
        tpu.vector_store %arg11[%swap3A_469, %swap3A_470], %mul3A_466 {strides = array<i32>} : memref<128x64xf32, #tpu.memory_space<vmem>>, vector<16xf32>,
        %add3A_472 = arith.constant 5 : i32
        %add3A_473 = arith.addi %mul3A_191, %add3A_472 : i32
        %get3A_474 = arith.index_cast %add3A_473 : i32 to index
        %get3A_475 = arith.constant 48 : index
        %get3A_476 = tpu.vector_load %arg11[%get3A_474, %get3A_475] {strides = array<i32>} : memref<128x64xf32, #tpu.memory_space<vmem>>, vector<16xf32>,
        %mul3A_477 = arith.mulf %get3A_476, %gather3A_438 : vector<16xf32>
        %add3A_478 = arith.constant 5 : i32
        %add3A_479 = arith.addi %mul3A_191, %add3A_478 : i32
        %swap3A_480 = arith.index_cast %add3A_479 : i32 to index
        %swap3A_481 = arith.constant 48 : index
        %swap3A_482 = tpu.vector_load %arg11[%swap3A_480, %swap3A_481] {strides = array<i32>} : memref<128x64xf32, #tpu.memory_space<vmem>>, vector<16xf32>,
        tpu.vector_store %arg11[%swap3A_480, %swap3A_481], %mul3A_477 {strides = array<i32>} : memref<128x64xf32, #tpu.memory_space<vmem>>, vector<16xf32>,
        %add3A_483 = arith.constant 6 : i32
        %add3A_484 = arith.addi %mul3A_191, %add3A_483 : i32
        %add3A_485 = vector.broadcast %add3A_484 : i32 to vector<16xi32>
        %add3A_486 = arith.addi %broadcast_in_dim3A_140, %add3A_485 : vector<16xi32>
        %gather3A_487 = tpu.vector_load_idx %arg9[%add3A_486] : memref<9728xf32, #tpu.memory_space<vmem>>[vector<16xi32>], vector<16xf32>,
        %add3A_488 = arith.constant 6 : i32
        %add3A_489 = arith.addi %mul3A_191, %add3A_488 : i32
        %get3A_490 = arith.index_cast %add3A_489 : i32 to index
        %get3A_491 = arith.constant 0 : index
        %get3A_492 = tpu.vector_load %arg11[%get3A_490, %get3A_491] {strides = array<i32>} : memref<128x64xf32, #tpu.memory_space<vmem>>, vector<16xf32>,
        %mul3A_493 = arith.mulf %get3A_492, %gather3A_487 : vector<16xf32>
        %add3A_494 = arith.constant 6 : i32
        %add3A_495 = arith.addi %mul3A_191, %add3A_494 : i32
        %swap3A_496 = arith.index_cast %add3A_495 : i32 to index
        %swap3A_497 = arith.constant 0 : index
        %swap3A_498 = tpu.vector_load %arg11[%swap3A_496, %swap3A_497] {strides = array<i32>} : memref<128x64xf32, #tpu.memory_space<vmem>>, vector<16xf32>,
        tpu.vector_store %arg11[%swap3A_496, %swap3A_497], %mul3A_493 {strides = array<i32>} : memref<128x64xf32, #tpu.memory_space<vmem>>, vector<16xf32>,
        %add3A_499 = arith.constant 6 : i32
        %add3A_500 = arith.addi %mul3A_191, %add3A_499 : i32
        %get3A_501 = arith.index_cast %add3A_500 : i32 to index
        %get3A_502 = arith.constant 16 : index
        %get3A_503 = tpu.vector_load %arg11[%get3A_501, %get3A_502] {strides = array<i32>} : memref<128x64xf32, #tpu.memory_space<vmem>>, vector<16xf32>,
        %mul3A_504 = arith.mulf %get3A_503, %gather3A_487 : vector<16xf32>
        %add3A_505 = arith.constant 6 : i32
        %add3A_506 = arith.addi %mul3A_191, %add3A_505 : i32
        %swap3A_507 = arith.index_cast %add3A_506 : i32 to index
        %swap3A_508 = arith.constant 16 : index
        %swap3A_509 = tpu.vector_load %arg11[%swap3A_507, %swap3A_508] {strides = array<i32>} : memref<128x64xf32, #tpu.memory_space<vmem>>, vector<16xf32>,
        tpu.vector_store %arg11[%swap3A_507, %swap3A_508], %mul3A_504 {strides = array<i32>} : memref<128x64xf32, #tpu.memory_space<vmem>>, vector<16xf32>,
        %add3A_510 = arith.constant 6 : i32
        %add3A_511 = arith.addi %mul3A_191, %add3A_510 : i32
        %get3A_512 = arith.index_cast %add3A_511 : i32 to index
        %get3A_513 = arith.constant 32 : index
        %get3A_514 = tpu.vector_load %arg11[%get3A_512, %get3A_513] {strides = array<i32>} : memref<128x64xf32, #tpu.memory_space<vmem>>, vector<16xf32>,
        %mul3A_515 = arith.mulf %get3A_514, %gather3A_487 : vector<16xf32>
        %add3A_516 = arith.constant 6 : i32
        %add3A_517 = arith.addi %mul3A_191, %add3A_516 : i32
        %swap3A_518 = arith.index_cast %add3A_517 : i32 to index
        %swap3A_519 = arith.constant 32 : index
        %swap3A_520 = tpu.vector_load %arg11[%swap3A_518, %swap3A_519] {strides = array<i32>} : memref<128x64xf32, #tpu.memory_space<vmem>>, vector<16xf32>,
        tpu.vector_store %arg11[%swap3A_518, %swap3A_519], %mul3A_515 {strides = array<i32>} : memref<128x64xf32, #tpu.memory_space<vmem>>, vector<16xf32>,
        %add3A_521 = arith.constant 6 : i32
        %add3A_522 = arith.addi %mul3A_191, %add3A_521 : i32
        %get3A_523 = arith.index_cast %add3A_522 : i32 to index
        %get3A_524 = arith.constant 48 : index
        %get3A_525 = tpu.vector_load %arg11[%get3A_523, %get3A_524] {strides = array<i32>} : memref<128x64xf32, #tpu.memory_space<vmem>>, vector<16xf32>,
        %mul3A_526 = arith.mulf %get3A_525, %gather3A_487 : vector<16xf32>
        %add3A_527 = arith.constant 6 : i32
        %add3A_528 = arith.addi %mul3A_191, %add3A_527 : i32
        %swap3A_529 = arith.index_cast %add3A_528 : i32 to index
        %swap3A_530 = arith.constant 48 : index
        %swap3A_531 = tpu.vector_load %arg11[%swap3A_529, %swap3A_530] {strides = array<i32>} : memref<128x64xf32, #tpu.memory_space<vmem>>, vector<16xf32>,
        tpu.vector_store %arg11[%swap3A_529, %swap3A_530], %mul3A_526 {strides = array<i32>} : memref<128x64xf32, #tpu.memory_space<vmem>>, vector<16xf32>,
        %add3A_532 = arith.constant 7 : i32
        %add3A_533 = arith.addi %mul3A_191, %add3A_532 : i32
        %add3A_534 = vector.broadcast %add3A_533 : i32 to vector<16xi32>
        %add3A_535 = arith.addi %broadcast_in_dim3A_140, %add3A_534 : vector<16xi32>
        %gather3A_536 = tpu.vector_load_idx %arg9[%add3A_535] : memref<9728xf32, #tpu.memory_space<vmem>>[vector<16xi32>], vector<16xf32>,
        %add3A_537 = arith.constant 7 : i32
        %add3A_538 = arith.addi %mul3A_191, %add3A_537 : i32
        %get3A_539 = arith.index_cast %add3A_538 : i32 to index
        %get3A_540 = arith.constant 0 : index
        %get3A_541 = tpu.vector_load %arg11[%get3A_539, %get3A_540] {strides = array<i32>} : memref<128x64xf32, #tpu.memory_space<vmem>>, vector<16xf32>,
        %mul3A_542 = arith.mulf %get3A_541, %gather3A_536 : vector<16xf32>
        %add3A_543 = arith.constant 7 : i32
        %add3A_544 = arith.addi %mul3A_191, %add3A_543 : i32
        %swap3A_545 = arith.index_cast %add3A_544 : i32 to index
        %swap3A_546 = arith.constant 0 : index
        %swap3A_547 = tpu.vector_load %arg11[%swap3A_545, %swap3A_546] {strides = array<i32>} : memref<128x64xf32, #tpu.memory_space<vmem>>, vector<16xf32>,
        tpu.vector_store %arg11[%swap3A_545, %swap3A_546], %mul3A_542 {strides = array<i32>} : memref<128x64xf32, #tpu.memory_space<vmem>>, vector<16xf32>,
        %add3A_548 = arith.constant 7 : i32
        %add3A_549 = arith.addi %mul3A_191, %add3A_548 : i32
        %get3A_550 = arith.index_cast %add3A_549 : i32 to index
        %get3A_551 = arith.constant 16 : index
        %get3A_552 = tpu.vector_load %arg11[%get3A_550, %get3A_551] {strides = array<i32>} : memref<128x64xf32, #tpu.memory_space<vmem>>, vector<16xf32>,
        %mul3A_553 = arith.mulf %get3A_552, %gather3A_536 : vector<16xf32>
        %add3A_554 = arith.constant 7 : i32
        %add3A_555 = arith.addi %mul3A_191, %add3A_554 : i32
        %swap3A_556 = arith.index_cast %add3A_555 : i32 to index
        %swap3A_557 = arith.constant 16 : index
        %swap3A_558 = tpu.vector_load %arg11[%swap3A_556, %swap3A_557] {strides = array<i32>} : memref<128x64xf32, #tpu.memory_space<vmem>>, vector<16xf32>,
        tpu.vector_store %arg11[%swap3A_556, %swap3A_557], %mul3A_553 {strides = array<i32>} : memref<128x64xf32, #tpu.memory_space<vmem>>, vector<16xf32>,
        %add3A_559 = arith.constant 7 : i32
        %add3A_560 = arith.addi %mul3A_191, %add3A_559 : i32
        %get3A_561 = arith.index_cast %add3A_560 : i32 to index
        %get3A_562 = arith.constant 32 : index
        %get3A_563 = tpu.vector_load %arg11[%get3A_561, %get3A_562] {strides = array<i32>} : memref<128x64xf32, #tpu.memory_space<vmem>>, vector<16xf32>,
        %mul3A_564 = arith.mulf %get3A_563, %gather3A_536 : vector<16xf32>
        %add3A_565 = arith.constant 7 : i32
        %add3A_566 = arith.addi %mul3A_191, %add3A_565 : i32
        %swap3A_567 = arith.index_cast %add3A_566 : i32 to index
        %swap3A_568 = arith.constant 32 : index
        %swap3A_569 = tpu.vector_load %arg11[%swap3A_567, %swap3A_568] {strides = array<i32>} : memref<128x64xf32, #tpu.memory_space<vmem>>, vector<16xf32>,
        tpu.vector_store %arg11[%swap3A_567, %swap3A_568], %mul3A_564 {strides = array<i32>} : memref<128x64xf32, #tpu.memory_space<vmem>>, vector<16xf32>,
        %add3A_570 = arith.constant 7 : i32
        %add3A_571 = arith.addi %mul3A_191, %add3A_570 : i32
        %get3A_572 = arith.index_cast %add3A_571 : i32 to index
        %get3A_573 = arith.constant 48 : index
        %get3A_574 = tpu.vector_load %arg11[%get3A_572, %get3A_573] {strides = array<i32>} : memref<128x64xf32, #tpu.memory_space<vmem>>, vector<16xf32>,
        %mul3A_575 = arith.mulf %get3A_574, %gather3A_536 : vector<16xf32>
        %add3A_576 = arith.constant 7 : i32
        %add3A_577 = arith.addi %mul3A_191, %add3A_576 : i32
        %swap3A_578 = arith.index_cast %add3A_577 : i32 to index
        %swap3A_579 = arith.constant 48 : index
        %swap3A_580 = tpu.vector_load %arg11[%swap3A_578, %swap3A_579] {strides = array<i32>} : memref<128x64xf32, #tpu.memory_space<vmem>>, vector<16xf32>,
        tpu.vector_store %arg11[%swap3A_578, %swap3A_579], %mul3A_575 {strides = array<i32>} : memref<128x64xf32, #tpu.memory_space<vmem>>, vector<16xf32>,
        %scan3A_581 = arith.constant 0 : i32
        scf.yield %scan3A_581 : i32
      }
      %scan3A_147 = arith.constant 16 : i32
      %dma_start3A_148 = arith.constant 0 : i32
      %dma_start3A_149 = tpu.memref_slice %arg8[%add3A_131, %dma_start3A_148] : memref<76x128xi32, #tpu.memory_space<vmem>> -> memref<1x128xi32, #tpu.memory_space<vmem>>
      %dma_start3A_150 = tpu.memref_squeeze %dma_start3A_149 : memref<1x128xi32, #tpu.memory_space<vmem>> -> memref<128xi32, #tpu.memory_space<vmem>>
      %dma_start3A_151 = arith.constant 0 : i32
      %dma_start3A_152 = arith.constant 0 : i32
      %dma_start3A_153 = tpu.memref_slice %arg12[%dma_start3A_151, %dma_start3A_152] : memref<16384x64xf32, #tpu.memory_space<vmem_shared>> -> memref<16384x64xf32, #tpu.memory_space<vmem_shared>>
      tpu.enqueue_indirect_dma source(%arg11 : memref<128x64xf32, #tpu.memory_space<vmem>>) target(%dma_start3A_153 : memref<16384x64xf32, #tpu.memory_space<vmem_shared>>) offsets(%dma_start3A_150 : memref<128xi32, #tpu.memory_space<vmem>>) semaphore(%arg16 : memref<!tpu.dma_semaphore, #tpu.memory_space<semaphore_mem>>) {add = true}
      %add3A_154 = arith.constant 0 : i32
      %add3A_155 = arith.addi %mul3A_105, %add3A_154 : i32
      %dma_wait3A_156 = arith.constant 0 : i32
      %dma_wait3A_157 = tpu.memref_slice %arg8[%add3A_155, %dma_wait3A_156] : memref<76x128xi32, #tpu.memory_space<vmem>> -> memref<1x128xi32, #tpu.memory_space<vmem>>
      %dma_wait3A_158 = tpu.memref_squeeze %dma_wait3A_157 : memref<1x128xi32, #tpu.memory_space<vmem>> -> memref<128xi32, #tpu.memory_space<vmem>>
      %dma_wait3A_159 = arith.constant 0 : i32
      %dma_wait3A_160 = arith.constant 0 : i32
      %dma_wait3A_161 = tpu.memref_slice %arg12[%dma_wait3A_159, %dma_wait3A_160] : memref<16384x64xf32, #tpu.memory_space<vmem_shared>> -> memref<16384x64xf32, #tpu.memory_space<vmem_shared>>
      tpu.wait_indirect_dma semaphore(%arg15 : memref<!tpu.dma_semaphore, #tpu.memory_space<semaphore_mem>>) src(%arg10 : memref<128x64xf32, #tpu.memory_space<vmem>>) dst(%dma_wait3A_161 : memref<16384x64xf32, #tpu.memory_space<vmem_shared>>)
      %add3A_162 = arith.constant 2 : i32
      %add3A_163 = arith.addi %add3A_155, %add3A_162 : i32
      %min3A = arith.minsi %add3A_163, %sub3A_55 : i32
      %dma_start3A_164 = arith.constant 0 : i32
      %dma_start3A_165 = tpu.memref_slice %arg7[%min3A, %dma_start3A_164] : memref<76x128xi32, #tpu.memory_space<vmem>> -> memref<1x128xi32, #tpu.memory_space<vmem>>
      %dma_start3A_166 = tpu.memref_squeeze %dma_start3A_165 : memref<1x128xi32, #tpu.memory_space<vmem>> -> memref<128xi32, #tpu.memory_space<vmem>>
      %dma_start3A_167 = arith.constant 0 : i32
      %dma_start3A_168 = arith.constant 0 : i32
      %dma_start3A_169 = tpu.memref_slice %arg2[%dma_start3A_167, %dma_start3A_168] : memref<16384x64xf32, #tpu.memory_space<hbm>> -> memref<16384x64xf32, #tpu.memory_space<hbm>>
      tpu.enqueue_indirect_dma source(%dma_start3A_169 : memref<16384x64xf32, #tpu.memory_space<hbm>>) target(%arg10 : memref<128x64xf32, #tpu.memory_space<vmem>>) offsets(%dma_start3A_166 : memref<128xi32, #tpu.memory_space<vmem>>) semaphore(%arg13 : memref<!tpu.dma_semaphore, #tpu.memory_space<semaphore_mem>>)
      %add3A_170 = arith.constant 1 : i32
      %add3A_171 = arith.addi %mul3A_105, %add3A_170 : i32
      %dma_wait3A_172 = arith.constant 0 : i32
      %dma_wait3A_173 = tpu.memref_slice %arg8[%add3A_171, %dma_wait3A_172] : memref<76x128xi32, #tpu.memory_space<vmem>> -> memref<1x128xi32, #tpu.memory_space<vmem>>
      %dma_wait3A_174 = tpu.memref_squeeze %dma_wait3A_173 : memref<1x128xi32, #tpu.memory_space<vmem>> -> memref<128xi32, #tpu.memory_space<vmem>>
      %dma_wait3A_175 = arith.constant 0 : i32
      %dma_wait3A_176 = arith.constant 0 : i32
      %dma_wait3A_177 = tpu.memref_slice %arg12[%dma_wait3A_175, %dma_wait3A_176] : memref<16384x64xf32, #tpu.memory_space<vmem_shared>> -> memref<16384x64xf32, #tpu.memory_space<vmem_shared>>
      tpu.wait_indirect_dma semaphore(%arg16 : memref<!tpu.dma_semaphore, #tpu.memory_space<semaphore_mem>>) src(%arg11 : memref<128x64xf32, #tpu.memory_space<vmem>>) dst(%dma_wait3A_177 : memref<16384x64xf32, #tpu.memory_space<vmem_shared>>)
      %add3A_178 = arith.constant 2 : i32
      %add3A_179 = arith.addi %add3A_171, %add3A_178 : i32
      %min3A_180 = arith.minsi %add3A_179, %sub3A_55 : i32
      %dma_start3A_181 = arith.constant 0 : i32
      %dma_start3A_182 = tpu.memref_slice %arg7[%min3A_180, %dma_start3A_181] : memref<76x128xi32, #tpu.memory_space<vmem>> -> memref<1x128xi32, #tpu.memory_space<vmem>>
      %dma_start3A_183 = tpu.memref_squeeze %dma_start3A_182 : memref<1x128xi32, #tpu.memory_space<vmem>> -> memref<128xi32, #tpu.memory_space<vmem>>
      %dma_start3A_184 = arith.constant 0 : i32
      %dma_start3A_185 = arith.constant 0 : i32
      %dma_start3A_186 = tpu.memref_slice %arg2[%dma_start3A_184, %dma_start3A_185] : memref<16384x64xf32, #tpu.memory_space<hbm>> -> memref<16384x64xf32, #tpu.memory_space<hbm>>
      tpu.enqueue_indirect_dma source(%dma_start3A_186 : memref<16384x64xf32, #tpu.memory_space<hbm>>) target(%arg11 : memref<128x64xf32, #tpu.memory_space<vmem>>) offsets(%dma_start3A_183 : memref<128xi32, #tpu.memory_space<vmem>>) semaphore(%arg14 : memref<!tpu.dma_semaphore, #tpu.memory_space<semaphore_mem>>)
      %while3A_187 = arith.constant 0 : i32
      scf.yield %while3A_187 : i32
    }
    %dma_wait3A = arith.constant 0 : i32
    %dma_wait3A_86 = tpu.memref_slice %arg7[%sub3A_55, %dma_wait3A] : memref<76x128xi32, #tpu.memory_space<vmem>> -> memref<1x128xi32, #tpu.memory_space<vmem>>
    %dma_wait3A_87 = tpu.memref_squeeze %dma_wait3A_86 : memref<1x128xi32, #tpu.memory_space<vmem>> -> memref<128xi32, #tpu.memory_space<vmem>>
    %dma_wait3A_88 = arith.constant 0 : i32
    %dma_wait3A_89 = arith.constant 0 : i32
    %dma_wait3A_90 = tpu.memref_slice %arg2[%dma_wait3A_88, %dma_wait3A_89] : memref<16384x64xf32, #tpu.memory_space<hbm>> -> memref<16384x64xf32, #tpu.memory_space<hbm>>
    tpu.wait_indirect_dma semaphore(%arg13 : memref<!tpu.dma_semaphore, #tpu.memory_space<semaphore_mem>>) src(%dma_wait3A_90 : memref<16384x64xf32, #tpu.memory_space<hbm>>) dst(%arg10 : memref<128x64xf32, #tpu.memory_space<vmem>>)
    %dma_wait3A_91 = arith.constant 0 : i32
    %dma_wait3A_92 = tpu.memref_slice %arg7[%sub3A_55, %dma_wait3A_91] : memref<76x128xi32, #tpu.memory_space<vmem>> -> memref<1x128xi32, #tpu.memory_space<vmem>>
    %dma_wait3A_93 = tpu.memref_squeeze %dma_wait3A_92 : memref<1x128xi32, #tpu.memory_space<vmem>> -> memref<128xi32, #tpu.memory_space<vmem>>
    %dma_wait3A_94 = arith.constant 0 : i32
    %dma_wait3A_95 = arith.constant 0 : i32
    %dma_wait3A_96 = tpu.memref_slice %arg2[%dma_wait3A_94, %dma_wait3A_95] : memref<16384x64xf32, #tpu.memory_space<hbm>> -> memref<16384x64xf32, #tpu.memory_space<hbm>>
    tpu.wait_indirect_dma semaphore(%arg14 : memref<!tpu.dma_semaphore, #tpu.memory_space<semaphore_mem>>) src(%dma_wait3A_96 : memref<16384x64xf32, #tpu.memory_space<hbm>>) dst(%arg11 : memref<128x64xf32, #tpu.memory_space<vmem>>)
    %barrier3A_97 = arith.constant 0 : index
    tpu.barrier barrier_id(%barrier3A_97)
    %mul3A_98 = arith.constant 1024 : i32
    %mul3A_99 = arith.muli %arg1, %mul3A_98 : i32
    %mul3A_100 = arith.constant 1024 : i32
    %mul3A_101 = arith.muli %arg1, %mul3A_100 : i32
    "tpu.region"() ({
      %run_scoped3A = tpu.sem_alloc : memref<!tpu.dma_semaphore, #tpu.memory_space<semaphore_mem>>
      %dma_start3A_102 = arith.constant 0 : i32
      %dma_start3A_103 = arith.constant 0 : i32
      %dma_start3A_104 = tpu.memref_slice %arg6[%arg0, %dma_start3A_102, %dma_start3A_103] : memref<2x16384x64xf32, #tpu.memory_space<hbm>> -> memref<1x16384x64xf32, #tpu.memory_space<hbm>>
      %dma_start3A_105 = tpu.memref_squeeze %dma_start3A_104 : memref<1x16384x64xf32, #tpu.memory_space<hbm>> -> memref<16384x64xf32, #tpu.memory_space<hbm>>
      %dma_start3A_106 = arith.constant 0 : i32
      %dma_start3A_107 = tpu.memref_slice %dma_start3A_105[%mul3A_101, %dma_start3A_106] : memref<16384x64xf32, #tpu.memory_space<hbm>> -> memref<1024x64xf32, #tpu.memory_space<hbm>>
      %dma_start3A_108 = arith.constant 0 : i32
      %dma_start3A_109 = tpu.memref_slice %arg12[%mul3A_99, %dma_start3A_108] : memref<16384x64xf32, #tpu.memory_space<vmem_shared>> -> memref<1024x64xf32, #tpu.memory_space<vmem_shared>>
      tpu.enqueue_dma source(%dma_start3A_109 : memref<1024x64xf32, #tpu.memory_space<vmem_shared>>) target(%dma_start3A_107 : memref<1024x64xf32, #tpu.memory_space<hbm>>) target_semaphore(%run_scoped3A : memref<!tpu.dma_semaphore, #tpu.memory_space<semaphore_mem>>)
      %dma_wait3A_110 = arith.constant 0 : i32
      %dma_wait3A_111 = arith.constant 0 : i32
      %dma_wait3A_112 = tpu.memref_slice %arg6[%arg0, %dma_wait3A_110, %dma_wait3A_111] : memref<2x16384x64xf32, #tpu.memory_space<hbm>> -> memref<1x16384x64xf32, #tpu.memory_space<hbm>>
      %dma_wait3A_113 = tpu.memref_squeeze %dma_wait3A_112 : memref<1x16384x64xf32, #tpu.memory_space<hbm>> -> memref<16384x64xf32, #tpu.memory_space<hbm>>
      %dma_wait3A_114 = arith.constant 0 : i32
      %dma_wait3A_115 = tpu.memref_slice %dma_wait3A_113[%mul3A_101, %dma_wait3A_114] : memref<16384x64xf32, #tpu.memory_space<hbm>> -> memref<1024x64xf32, #tpu.memory_space<hbm>>
      %dma_wait3A_116 = arith.constant 0 : i32
      %dma_wait3A_117 = tpu.memref_slice %arg12[%mul3A_99, %dma_wait3A_116] : memref<16384x64xf32, #tpu.memory_space<vmem_shared>> -> memref<1024x64xf32, #tpu.memory_space<vmem_shared>>
      tpu.wait_dma2 semaphore(%run_scoped3A : memref<!tpu.dma_semaphore, #tpu.memory_space<semaphore_mem>>) src(%dma_wait3A_117 : memref<1024x64xf32, #tpu.memory_space<vmem_shared>>) dst(%dma_wait3A_115 : memref<1024x64xf32, #tpu.memory_space<hbm>>)
      tpu.yield
    }) : () -> ()
    return
  }
}

module attributes {stable_mosaic.version = 14 : i64} {
  func.func @_merge_body(%arg0: i32, %arg1: memref<2x2048x64xf32, #tpu.memory_space<vmem>>, %arg2: memref<64x2048xf32, #tpu.memory_space<vmem>>) attributes {dimension_semantics = [#tpu.dimension_semantics<arbitrary>], iteration_bounds = array<i64: 8>, scalar_prefetch = 0 : i64, scratch_operands = 0 : i64, tpu.core_type = #tpu.core_type<tc>, window_params = [{transform_indices = @transform_0, window_bounds = array<i64: 2, 2048, 64>}, {transform_indices = @transform_1, window_bounds = array<i64: 64, 2048>}]} {
    %get3A = arith.constant 0 : index
    %get3A_0 = arith.constant 0 : index
    %get3A_1 = arith.constant 0 : index
    %get3A_2 = vector.load %arg1[%get3A, %get3A_0, %get3A_1] : memref<2x2048x64xf32, #tpu.memory_space<vmem>>, vector<1x2048x64xf32>
    %get3A_3 = vector.shape_cast %get3A_2 : vector<1x2048x64xf32> to vector<2048x64xf32>
    %get3A_4 = arith.constant 1 : index
    %get3A_5 = arith.constant 0 : index
    %get3A_6 = arith.constant 0 : index
    %get3A_7 = vector.load %arg1[%get3A_4, %get3A_5, %get3A_6] : memref<2x2048x64xf32, #tpu.memory_space<vmem>>, vector<1x2048x64xf32>
    %get3A_8 = vector.shape_cast %get3A_7 : vector<1x2048x64xf32> to vector<2048x64xf32>
    %add3A = arith.addf %get3A_3, %get3A_8 : vector<2048x64xf32>
    %transpose3A = tpu.transpose %add3A, [1, 0] : vector<2048x64xf32> -> vector<64x2048xf32>
    %swap3A = arith.constant 0 : index
    %swap3A_9 = arith.constant 0 : index
    %swap3A_10 = vector.load %arg2[%swap3A, %swap3A_9] : memref<64x2048xf32, #tpu.memory_space<vmem>>, vector<64x2048xf32>
    tpu.vector_store %arg2[%swap3A, %swap3A_9], %transpose3A {strides = array<i32>} : memref<64x2048xf32, #tpu.memory_space<vmem>>, vector<64x2048xf32>,
    return
  }
  func.func @transform_0(%arg0: i32) -> (i32, i32, i32) {
    %c0_i32 = arith.constant 0 : i32
    %c0_i32_0 = arith.constant 0 : i32
    %c0_i32_1 = arith.constant 0 : i32
    return %c0_i32, %arg0, %c0_i32_0 : i32, i32, i32
  }
  func.func @transform_1(%arg0: i32) -> (i32, i32) {
    %c0_i32 = arith.constant 0 : i32
    %c0_i32_0 = arith.constant 0 : i32
    return %c0_i32, %arg0 : i32, i32
  }
}

</mosaic_0001>

<sc_bundles>
// kernel: kernel.4.cloned.1.call-start
scs
__scs_entry_jumppad:
0x0: {  	(pc) =	sbr.rel $0x88, $3  }
0x1: {  	(tag) =	ssettag $0x0;
	lr =	simm.s32 $0x1  }
0x2: {  	[smem:$0x3F9E] =	sst lr;
	_ =	strace $0xD0000000  }
0x3: {  	_ = 	snop  }
0x4: {  	_ = 	snop  }
0x5: {  	_ = 	snop  }
0x6: {  	_ = 	snop  }
0x7: {  	_ = 	snop  }
__scs_overlays_trampoline_lowered:
0x8: {  	[smem:$0x3FAD] =	sst s0  }
0x9: {  	[smem:$0x3FAE] =	sst s1  }
0xa: {  	[smem:$0x3FAF] =	sst s2  }
0xb: {  	[smem:$0x3FB0] =	sst s3  }
0xc: {  	[smem:$0x3FB1] =	sst s4  }
0xd: {  	[smem:$0x3FB2] =	sst s5  }
0xe: {  	[smem:$0x3FB3] =	sst s6  }
0xf: {  	[smem:$0x3FB4] =	sst s7  }
0x10: {  	[smem:$0x3FB5] =	sst s8  }
0x11: {  	[smem:$0x3FB6] =	sst s9;
	s0 =	simm.s32 @!p0 $0x0  }
0x12: {  	s1 =	sld [smem:$0x3F9C];
	s0 =	simm.s32 @p0 $0x1  }
0x13: {  	[smem:$0x3FB7] =	sst s0;
	s0 =	simm.s32 @!p1 $0x0  }
0x14: {  	s2 =	sld [smem:$0x3F9B];
	s0 =	simm.s32 @p1 $0x1  }
0x15: {  	[smem:$0x3FB8] =	sst s0;
	s0 =	simm.s32 @!p2 $0x0  }
0x16: {  	s3 =	sld [smem:$0x3FDB];
	s0 =	simm.s32 @p2 $0x1  }
0x17: {  	s4 =	simm.s32 $0x1BF5;
	[smem:$0x3FBA] =	sst s0  }
0x18: {  	s0 =	sld [smem:$0x3F9D];
	_ =	swait.ge [sflag:s4], $0x0  }
0x19: {  	s7 =	sld [smem:$0x3F9E]  }
0x1a: {  	s8 =	sadd.s32 $0xFFFFE003, lr  }
0x1b: {  	s9 =	sadd.s32 $0xFFFFFEF7, lr;
	s5 =	simm.s32 $0xFFFFFFFF;
	p2 =	slt.u32 s8, $0xFFFFF086  }
0x1c: {  	p1 =	slt.u32 s9, $0xF7A;
	s5 =	simm.s32 @!p2 $0x0  }
0x1d: {  	s5 =	simm.s32 @p1 $0x1;
	p0 =	seq.s32 s7, s2  }
0x1e: {  	s7 =	smul.u32 @!p0 $0xF7A, s2;
	p2 =	seq.s32 @!p0 s5, $0x0  }
0x1f: {  	s9 =	smul.u32 $0xF7A, s1;
	s8 =	simm.s32 @!p0 $0x1BF5;
	p2 =	por !p2, p0  }
0x20: {  	[sflag:s8] =	ssyncset.s32 @!p0 $0xFFFFF086;
	s6 =	sadd.s32 @!p0 s3, s7;
	s7 =	simm.s32 @!p0 $0x108  }
0x21: {  	s3 =	sadd.s32 s3, s9;
	s6 =	sadd.s32 @!p0 $0x88, s6;
	s7 =	simm.s32 @p2 $0x1082  }
0x22: {  	[simem:s7], [sflag:s8] =	dma.local @!p0 [hbm:s6], $0xF7A  }
0x23: {  	s9 =	sor.u32 $0xD0000000, s2;
	s6 =	simm.s32 $0x108;
	_ =	swait.ge @!p0 [sflag:s8], $0x0  }
0x24: {  	s3 =	sadd.s32 $0x88, s3;
	s6 =	simm.s32 @!p1 $0x1082;
	[sflag:s4] =	ssyncset.s32 $0xFFFFF086  }
0x25: {  	[simem:s6], [sflag:s4] =	dma.local [hbm:s3], $0xF7A  }
0x26: {  	[smem:$0x3F9E] =	sst s1;
	(tag) =	ssettag s2;
	_ =	strace s9  }
0x27: {  	s1 =	sld [smem:$0x3FAE]  }
0x28: {  	s2 =	sld [smem:$0x3FAF]  }
0x29: {  	s4 =	sld [smem:$0x3FB1]  }
0x2a: {  	p0 =	seq.s32 s5, $0x0;
	s5 =	sld [smem:$0x3FB2]  }
0x2b: {  	s6 =	sld [smem:$0x3FB3]  }
0x2c: {  	s7 =	sld [smem:$0x3FB4]  }
0x2d: {  	s3 =	simm.s32 $0x108;
	s8 =	sld [smem:$0x3FB5]  }
0x2e: {  	s3 =	simm.s32 @!p0 $0x1082;
	s9 =	sld [smem:$0x3FB6]  }
0x2f: {  	lr =	sadd.s32 s0, s3;
	s0 =	sld [smem:$0x3FAD]  }
0x30: {  	s3 =	sld [smem:$0x3FB0]  }
0x31: {  	[smem:$0x3FB9] =	sst s10  }
0x32: {  	s10 =	sld [smem:$0x3FB7];
	_ =	sdelay $0x3  }
0x33: {  	p0 =	seq.s32 s10, $0x1;
	s10 =	sld [smem:$0x3FB9];
	_ =	sdelay $0x3  }
0x34: {  	[smem:$0x3FB9] =	sst s10  }
0x35: {  	s10 =	sld [smem:$0x3FB8];
	_ =	sdelay $0x3  }
0x36: {  	p1 =	seq.s32 s10, $0x1;
	s10 =	sld [smem:$0x3FB9];
	_ =	sdelay $0x3  }
0x37: {  	[smem:$0x3FB9] =	sst s10  }
0x38: {  	s10 =	sld [smem:$0x3FBA]  }
0x39: {  	_ = 	snop;
	(pc) =	sbr.ind lr, $3  }
0x3a: {  	_ = 	snop  }
0x3b: {  	_ = 	snop  }
0x3c: {  	p2 =	seq.s32 s10, $0x1;
	s10 =	sld [smem:$0x3FB9]  }
0x3d: {  	_ =	shalt  }
0x3e: {  	_ =	shalt  }
0x3f: {  	_ =	shalt  }
0x40: {  	_ =	shalt  }
0x41: {  	_ =	shalt  }
0x42: {  	_ =	shalt  }
0x43: {  	_ =	shalt  }
0x44: {  	_ =	shalt  }
0x45: {  	_ =	shalt  }
0x46: {  	_ =	shalt  }
0x47: {  	_ =	shalt  }
0x48: {  	_ =	shalt  }
0x49: {  	_ =	shalt  }
0x4a: {  	_ =	shalt  }
0x4b: {  	_ =	shalt  }
0x4c: {  	_ =	shalt  }
0x4d: {  	_ =	shalt  }
0x4e: {  	_ =	shalt  }
0x4f: {  	_ =	shalt  }
0x50: {  	_ =	shalt  }
0x51: {  	_ =	shalt  }
0x52: {  	_ =	shalt  }
0x53: {  	_ =	shalt  }
0x54: {  	_ =	shalt  }
0x55: {  	_ =	shalt  }
0x56: {  	_ =	shalt  }
0x57: {  	_ =	shalt  }
0x58: {  	_ =	shalt  }
0x59: {  	_ =	shalt  }
0x5a: {  	_ =	shalt  }
0x5b: {  	_ =	shalt  }
0x5c: {  	_ =	shalt  }
0x5d: {  	_ =	shalt  }
0x5e: {  	_ =	shalt  }
0x5f: {  	_ =	shalt  }
0x60: {  	_ =	shalt  }
0x61: {  	_ =	shalt  }
0x62: {  	_ =	shalt  }
0x63: {  	_ =	shalt  }
0x64: {  	_ =	shalt  }
0x65: {  	_ =	shalt  }
0x66: {  	_ =	shalt  }
0x67: {  	_ =	shalt  }
0x68: {  	_ =	shalt  }
0x69: {  	_ =	shalt  }
0x6a: {  	_ =	shalt  }
0x6b: {  	_ =	shalt  }
0x6c: {  	_ =	shalt  }
0x6d: {  	_ =	shalt  }
0x6e: {  	_ =	shalt  }
0x6f: {  	_ =	shalt  }
0x70: {  	_ =	shalt  }
0x71: {  	_ =	shalt  }
0x72: {  	_ =	shalt  }
0x73: {  	_ =	shalt  }
0x74: {  	_ =	shalt  }
0x75: {  	_ =	shalt  }
0x76: {  	_ =	shalt  }
0x77: {  	_ =	shalt  }
0x78: {  	_ =	shalt  }
0x79: {  	_ =	shalt  }
0x7a: {  	_ =	shalt  }
0x7b: {  	_ =	shalt  }
0x7c: {  	_ =	shalt  }
0x7d: {  	_ =	shalt  }
0x7e: {  	_ =	shalt  }
0x7f: {  	_ =	shalt  }
0x80: {  	_ =	shalt  }
0x81: {  	_ =	shalt  }
0x82: {  	_ =	shalt  }
0x83: {  	_ =	shalt  }
0x84: {  	_ =	shalt  }
0x85: {  	_ =	shalt  }
0x86: {  	_ =	shalt  }
0x87: {  	_ =	shalt  }
.Lfunc_end0:
.L_simem_size_0:
called_computation_lowered:
.L_overlay_start_0:
0x88: {  	s2 =	sld [smem:$0x3FD9]  }
0x89: {  	s3 =	sld [smem:$0x3FFE];
	_ =	sdelay $0x1  }
0x8a: {  	s1 =	srdreg.scid  }
0x8b: {  	s0 =	sand.u32 $0x1, s1  }
0x8c: {  	s17 =	sshll.u32 s0, $0xA;
	s2 =	sadd.s32 s3, s2  }
0x8d: {  	s2 =	sadd.s32 s2, s17  }
0x8e: {  	[smem:$0x3FC5] =	sst s2  }
0x8f: {  	_ = 	snop  }
0x90: {  	s2 =	sld [smem:$0x3FD0];
	(tm) =	ssettm $0x1  }
0x91: {  	s18 =	sld [smem:$0x3FFB];
	_ =	sdelay $0x3  }
0x92: {  	_ =	strace s18  }
0x93: {  	s3 =	sld [smem:$0x3FFC];
	_ =	sdelay $0x3  }
0x94: {  	_ =	strace s3  }
0x95: {  	s3 =	sld [smem:$0x3FFD];
	_ =	sdelay $0x3  }
0x96: {  	_ =	strace s3  }
0x97: {  	_ =	strace $0x8FFFFFFF  }
0x98: {  	s19 =	sld [smem:$0x3FDB];
	_ =	sdelay $0x1  }
0x99: {  	s4 =	simm.s32 $_scs_section_size  }
0x9a: {  	s5 =	simm.s32 $_size__tile_overlayer_lowered;
	s6 =	simm.s32 $_tile_overlayer_lowered  }
0x9b: {  	s22 =	simm.s32 $0x1BFF;
	s21 =	sshll.u32 s6, $0x1;
	s3 =	sadd.s32 s4, s19  }
0x9c: {  	s7 =	simm.s32 $0x0;
	s20 =	sshll.u32 s5, $0x1;
	s5 =	sadd.s32 s21, s3  }
0x9d: {  	[timem:s7], [sflag:s22] =	dma.local [hbm:s5], s20  }
0x9e: {  	_ =	swait.ge [sflag:s22], s20  }
0x9f: {  	s4 =	ssub.s32 $0x0, s20;
	[sflag:s22] =	ssyncset.done $0x0  }
0xa0: {  	[sflag:s22] =	ssyncadd.s32 s4;
	_ =	sdelay $0x1  }
0xa1: {  	s23 =	simm.s32 $0x1B8B  }
0xa2: {  	_ =	swait.ge [sflag:s23], $0x1  }
0xa3: {  	[sflag:s23] =	ssyncset.done $0x0  }
0xa4: {  	s25 =	simm.s32 $0x1B8E;
	s24 =	sld [smem:$0x3FFE];
	[sflag:s23] =	ssyncadd.s32 $0xFFFFFFFF  }
0xa5: {  	s26 =	simm.s32 $execute0_lowered;
	[smem:$0x3FD2] =	sst s25  }
0xa6: {  	s5 =	sshll.u32 s26, $0x1;
	_ =	strace $0x80000046;
	[dreg:$0x1] =	wrdreg $0xFFFFFFFF  }
0xa7: {  	s28 =	simm.s32 $_size_execute0_lowered;
	s3 =	sadd.s32 s3, s5;
	[dreg:$0x0] =	wrdreg $0x0  }
0xa8: {  	s5 =	sshll.u32 s28, $0x1;
	[dreg:$0x2] =	wrdreg s3  }
0xa9: {  	[dreg:$0x3] =	wrdreg s5  }
0xaa: {  	[dreg:$0x4] =	wrdreg $0xC0  }
0xab: {  	_ =	task [dreg:s7], $0x5FFFF  }
0xac: {  	[dreg:$0x1] =	wrdreg $0xFFFFFFFF  }
0xad: {  	[dreg:$0x0] =	wrdreg $0x60  }
0xae: {  	[dreg:$0x2] =	wrdreg s2  }
0xaf: {  	[dreg:$0x3] =	wrdreg s24  }
0xb0: {  	[dreg:$0x4] =	wrdreg $0xB2000  }
0xb1: {  	[dreg:$0x5] =	wrdreg $0x9  }
0xb2: {  	_ =	task.clear_ibuf [dreg:s7], $0x6FFFF;
	_ =	strace $0x90000046  }
0xb3: {  	s29 =	simm.s32 $0x9;
	_ =	strace $0x80000048  }
0xb4: {  	_ =	swait.ge [sflag:s29], $0x1  }
0xb5: {  	[sflag:s29] =	ssyncadd.s32 $0xFFFFFFFF  }
0xb6: {  	_ =	strace $0x90000048  }
0xb7: {  	_ =	sfence  }
0xb8: {  	s30 =	sld [smem:$0x0];
	_ =	sdelay $0x2  }
0xb9: {  	s31 =	sshll.u32 s1, $0xD;
	s1 =	sshrl.u32 s1, $0x2  }
0xba: {  	s3 =	sand.u32 $0x4000, s31;
	s1 =	sadd.s32 s1, s30  }
0xbb: {  	s0 =	sor.u32 s3, s0;
	s1 =	sshll.u32 s1, $0x11  }
0xbc: {  	s0 =	sor.u32 s1, s0  }
0xbd: {  	s0 =	sadd.s32 $0x8F2B, s0  }
0xbe: {  	[sflag:s0] =	ssyncadd.remote.s32 $0x1  }
0xbf: {  	_ =	sfence.sel $0xFFFF  }
0xc0: {  	[dreg:$0x0] =	wrdreg $0xFFFFFFFF;
	(pc) =	sbr.abs _section_cstart, $3  }
0xc1: {  	[dreg:$0x1] =	wrdreg $0xFFFFFFFF  }
0xc2: {  	_ =	task.clear_ibuf [dreg:s7], $0x2FFFF;
	_ =	strace $0x9FFFFFFF  }
0xc3: {  	(tm) =	ssettm $0x7FFFFFFF  }
tec
execute0_lowered:
.L_overlay_start_1:
0x0: {  	(tag) =	ssettag $0x1  }
0x1: {  	s1 =	rddreg [dreg:$0x0]  }
0x2: {  	s0 =	rddreg [dreg:$0x1]  }
0x3: {  	s2 =	rddreg [dreg:$0x2];
	s4 =	srdreg.scid  }
0x4: {  	s3 =	simm.s32 $0x0;
	s9 =	stileid.u32;
	s19 =	simm.s32 $0x7200  }
0x5: {  	s28 =	simm.s32 $0x2;
	s29 =	simm.s32 $0x3;
	s30 =	simm.s32 $0x4  }
0x6: {  	s4 =	sand.u32 $0x1, s4;
	[smem:$0x7FF] =	sst s3;
	s7 =	sshll.u32 s9, $0x10  }
0x7: {  	s31 =	sshll.u32 s9, $0xD;
	s5 =	sshll.u32 s4, $0x11;
	s6 =	ssub.s32 $0x2, s4  }
0x8: {  	_ =	strace $0x80000047;
	s21 =	sshll.u32 s4, $0x4;
	p0 =	seq.s32 s4, $0x0  }
0x9: {  	s4 =	simm.s32 $0x4C;
	s18 =	sadd.s32 s5, s0;
	s20 =	sshrl.u32 s6, $0x1  }
0xa: {  	s8 =	sor.u32 s9, s21;
	s4 =	simm.s32 @!p0 $0x38;
	s5 =	sadd.s32 s7, s2  }
0xb: {  	s6 =	ssub.s32 s6, s20;
	s7 =	sadd.s32 $0x2000, s5;
	s22 =	sadd.s32 $0x4000, s5  }
0xc: {  	s13 =	smul.u32 $0x4C0, s8;
	s23 =	sadd.s32 $0x6000, s5;
	[dreg:$0x4] =	wrdreg s7  }
0xd: {  	s24 =	sadd.s32 $0x8000, s5;
	s25 =	sadd.s32 $0xA000, s5;
	[dreg:$0x5] =	wrdreg s22  }
0xe: {  	s11 =	sadd.s32 $0xC000, s5;
	s12 =	sadd.s32 $0xE000, s5;
	[dreg:$0x6] =	wrdreg s23  }
0xf: {  	s16 =	sadd.s32 $0xFFFFFFFF, s4;
	s17 =	sshrl.u32 s4, $0x1;
	[dreg:$0x7] =	wrdreg s24  }
0x10: {  	s26 =	sadd.s32 $0x1C800, s18;
	s20 =	simm.s32 $0x5;
	[dreg:$0x8] =	wrdreg s25  }
0x11: {  	s18 =	smax.u32 s6, $0x1;
	s22 =	simm.s32 $0x4C00;
	s23 =	simm.s32 $0x80  }
0x12: {  	v1 =	vimm.s32 $0x0;
	vm0 =	vcmask $0x300;
	s24 =	sadd.s32 s31, s26;
	s25 =	simm.s32 $0x9200;
	s13 =	sadd.s32 s0, s13  }
0x13: {  	v0 =	vimm.f32 $0.0e+00;
	v1 =	vsel vm0, $0x3, v1;
	s26 =	simm.s32 $0x1;
	s14 =	sadd.s32 $0x13000, s13;
	s15 =	sadd.s32 $0x9800, s13  }
.LBB2_1:
0x14: {  	s4 =	simm.s32 $0x100;
	s0 =	simm.s32 $0x0  }
.LBB2_2:
0x15: {  	p0 =	sne.s32 s4, $0x7F00;
	[tilespmem:s0+$0x7230] =	vst v0;
	s6 =	smov.u32 s4;
	s4 =	sadd.s32 $0x100, s4  }
.Ltmp0:
0x16: {  	[tilespmem:s0+$0x7220] =	vst v0;
	(pc) =	sbr.rel @p0 .LBB2_2-.Ltmp0, $3  }
0x17: {  	[tilespmem:s0+$0x7200] =	vst v0  }
0x18: {  	[tilespmem:s0+$0x7210] =	vst v0;
	_ =	sdelay $0x1  }
0x19: {  	s0 =	sshra.s32 s6, $0x2  }
0x1a: {  	[tilespmem:s0+$0x7230] =	vst v0  }
0x1b: {  	[tilespmem:s0+$0x7220] =	vst v0  }
0x1c: {  	[tilespmem:s0+$0x7200] =	vst v0  }
0x1d: {  	[tilespmem:s0+$0x7210] =	vst v0  }
0x1e: {  	[spmem:s5] =	stream.linear.scatter [tilespmem:s19], [sflag:$0x5], $0x2000, $0x38;
	[tilespmem:$0x1B200] =	vst v63  }
0x1f: {  	_ =	swait.ge [sflag:s20], $0x2000  }
0x20: {  	[sflag:s20] =	ssyncset.done $0x0  }
0x21: {  	s6 =	rddreg [dreg:$0x4];
	[sflag:s20] =	ssyncadd.s32 $0xFFFFE000  }
0x22: {  	[spmem:s6] =	stream.linear.scatter [tilespmem:s19], [sflag:$0x5], $0x2000, $0x38;
	[tilespmem:$0x1B200] =	vst v63  }
0x23: {  	_ =	swait.ge [sflag:s20], $0x2000  }
0x24: {  	[sflag:s20] =	ssyncset.done $0x0  }
0x25: {  	s7 =	rddreg [dreg:$0x5];
	[sflag:s20] =	ssyncadd.s32 $0xFFFFE000  }
0x26: {  	[spmem:s7] =	stream.linear.scatter [tilespmem:s19], [sflag:$0x5], $0x2000, $0x38;
	[tilespmem:$0x1B200] =	vst v63  }
0x27: {  	_ =	swait.ge [sflag:s20], $0x2000  }
0x28: {  	[sflag:s20] =	ssyncset.done $0x0  }
0x29: {  	s8 =	rddreg [dreg:$0x6];
	[sflag:s20] =	ssyncadd.s32 $0xFFFFE000  }
0x2a: {  	[spmem:s8] =	stream.linear.scatter [tilespmem:s19], [sflag:$0x5], $0x2000, $0x38;
	[tilespmem:$0x1B200] =	vst v63  }
0x2b: {  	_ =	swait.ge [sflag:s20], $0x2000  }
0x2c: {  	[sflag:s20] =	ssyncset.done $0x0  }
0x2d: {  	s9 =	rddreg [dreg:$0x7];
	[sflag:s20] =	ssyncadd.s32 $0xFFFFE000  }
0x2e: {  	[spmem:s9] =	stream.linear.scatter [tilespmem:s19], [sflag:$0x5], $0x2000, $0x38;
	[tilespmem:$0x1B200] =	vst v63  }
0x2f: {  	_ =	swait.ge [sflag:s20], $0x2000  }
0x30: {  	[sflag:s20] =	ssyncset.done $0x0  }
0x31: {  	s10 =	rddreg [dreg:$0x8];
	[sflag:s20] =	ssyncadd.s32 $0xFFFFE000  }
0x32: {  	[spmem:s10] =	stream.linear.scatter [tilespmem:s19], [sflag:$0x5], $0x2000, $0x38;
	[tilespmem:$0x1B200] =	vst v63  }
0x33: {  	_ =	swait.ge [sflag:s20], $0x2000  }
0x34: {  	[sflag:s20] =	ssyncset.done $0x0  }
0x35: {  	[sflag:s20] =	ssyncadd.s32 $0xFFFFE000  }
0x36: {  	[spmem:s11] =	stream.linear.scatter [tilespmem:s19], [sflag:$0x5], $0x2000, $0x38;
	[tilespmem:$0x1B200] =	vst v63  }
0x37: {  	_ =	swait.ge [sflag:s20], $0x2000  }
0x38: {  	[sflag:s20] =	ssyncset.done $0x0  }
0x39: {  	[sflag:s20] =	ssyncadd.s32 $0xFFFFE000  }
0x3a: {  	[spmem:s12] =	stream.linear.scatter [tilespmem:s19], [sflag:$0x5], $0x2000, $0x38;
	[tilespmem:$0x1B200] =	vst v63  }
0x3b: {  	_ =	swait.ge [sflag:s20], $0x2000  }
0x3c: {  	[sflag:s20] =	ssyncset.done $0x0  }
0x3d: {  	[sflag:s20] =	ssyncadd.s32 $0xFFFFE000  }
0x3e: {  	s31 =	simm.s32 $0x0;
	[bflag:$0x0] =	sbarrier.arrive $0xFFFF  }
0x3f: {  	[tilespmem:s31], [sflag:$0x5] =	stream.linear.gather [hbm4b:s14+s31], $0x2600, $0x38;
	[tilespmem:$0x1B200] =	vst v63  }
0x40: {  	_ =	swait.ge [sflag:s20], $0x2600  }
0x41: {  	[sflag:s20] =	ssyncset.done $0x0  }
0x42: {  	s21 =	simm.s32 $0x2600;
	[sflag:s20] =	ssyncadd.s32 $0xFFFFDA00  }
0x43: {  	[tilespmem:s21], [sflag:$0x5] =	stream.linear.gather [hbm4b:s15+s31], $0x2600, $0x38;
	[tilespmem:$0x1B200] =	vst v63  }
0x44: {  	_ =	swait.ge [sflag:s20], $0x2600  }
0x45: {  	[sflag:s20] =	ssyncset.done $0x0  }
0x46: {  	[sflag:s20] =	ssyncadd.s32 $0xFFFFDA00  }
0x47: {  	[tilespmem:s22], [sflag:$0x5] =	stream.linear.gather [hbm4b:s13+s31], $0x2600, $0x38;
	[tilespmem:$0x1B200] =	vst v63  }
0x48: {  	_ =	swait.ge [sflag:s20], $0x2600  }
0x49: {  	[sflag:s20] =	ssyncset.done $0x0  }
0x4a: {  	[sflag:s20] =	ssyncadd.s32 $0xFFFFDA00  }
0x4b: {  	[tilespmem:s19], [sflag:$0x1] =	stream.indirect.gather [hbm4b:s1+s23], $0x40, s31, s23, $0xb8;
	[tilespmem:$0x1B200] =	vst v63  }
0x4c: {  	_ = 	snop  }
0x4d: {  	[tilespmem:s25], [sflag:$0x2] =	stream.indirect.gather [hbm4b:s1+s23], $0x40, s23, s23, $0xb8;
	[tilespmem:$0x1B200] =	vst v63  }
.LBB2_4:
0x4e: {  	s0 =	sshll.u32 s31, $0x8  }
0x4f: {  	s4 =	sadd.s32 $0x7, s0  }
0x50: {  	s6 =	sadd.s32 $0xFFFFFFF9, s4  }
0x51: {  	v2 =	vmov s6  }
0x52: {  	v2 =	vshrl.u32 v2, $0x3  }
0x53: {  	v2 =	vshll.u32 v2, v1  }
0x54: {  	v2 =	vbroadcast v2, $0x0;
	_ =	sdelay $0x1  }
0x55: {  	_ =	swait.ge [sflag:s26], $0x2000  }
0x56: {  	[sflag:s26] =	ssyncset.done $0x0  }
0x57: {  	s21 =	simm.s32 $0x7300;
	[sflag:s26] =	ssyncadd.s32 $0xFFFFE000  }
0x58: {  	v3 =	vld [tilespmem:s21+$0xFFFFFF00]  }
0x59: {  	s9 =	sadd.s32 $0xFFFFFFFA, s4;
	v2 =	vld.idx.msk [tilespmem:v2+s22+$0x0], $0xffff  }
0x5a: {  	v4 =	vmov s9;
	v5 =	vld [tilespmem:s21+$0xFFFFFF10]  }
0x5b: {  	v6 =	vld [tilespmem:s21+$0xFFFFFF30];
	v4 =	vshrl.u32 v4, $0x3  }
0x5c: {  	v7 =	vld [tilespmem:s21+$0xFFFFFF20];
	v4 =	vshll.u32 v4, v1  }
0x5d: {  	v4 =	vadd.s32 $0x1, v4  }
0x5e: {  	v4 =	vbroadcast v4, $0x0;
	v3 =	vmul.f32 v3, v2  }
0x5f: {  	v5 =	vmul.f32 v5, v2  }
0x60: {  	v6 =	vmul.f32 v6, v2;
	[tilespmem:s21+$0xFFFFFF00] =	vst v3  }
0x61: {  	v2 =	vmul.f32 v7, v2;
	[tilespmem:s21+$0xFFFFFF10] =	vst v5  }
0x62: {  	[tilespmem:s21+$0xFFFFFF30] =	vst v6  }
0x63: {  	[tilespmem:s21+$0xFFFFFF20] =	vst v2;
	v3 =	vld [tilespmem:s21+$0xFFFFFF40]  }
0x64: {  	s10 =	sadd.s32 $0xFFFFFFFB, s4;
	v2 =	vld.idx.msk [tilespmem:v4+s22+$0x0], $0xffff  }
0x65: {  	v5 =	vld [tilespmem:s21+$0xFFFFFF50];
	v4 =	vmov s10  }
0x66: {  	v6 =	vld [tilespmem:s21+$0xFFFFFF60];
	v4 =	vshrl.u32 v4, $0x3  }
0x67: {  	v7 =	vld [tilespmem:s21+$0xFFFFFF70];
	v4 =	vshll.u32 v4, v1  }
0x68: {  	v4 =	vadd.s32 $0x2, v4  }
0x69: {  	v4 =	vbroadcast v4, $0x0;
	v3 =	vmul.f32 v3, v2  }
0x6a: {  	v5 =	vmul.f32 v5, v2  }
0x6b: {  	v6 =	vmul.f32 v6, v2;
	[tilespmem:s21+$0xFFFFFF40] =	vst v3  }
0x6c: {  	v2 =	vmul.f32 v7, v2;
	[tilespmem:s21+$0xFFFFFF50] =	vst v5  }
0x6d: {  	[tilespmem:s21+$0xFFFFFF60] =	vst v6  }
0x6e: {  	[tilespmem:s21+$0xFFFFFF70] =	vst v2;
	v3 =	vld [tilespmem:s21+$0xFFFFFF80]  }
0x6f: {  	s7 =	sadd.s32 $0xFFFFFFFC, s4;
	v2 =	vld.idx.msk [tilespmem:v4+s22+$0x0], $0xffff  }
0x70: {  	v5 =	vld [tilespmem:s21+$0xFFFFFFA0];
	v4 =	vmov s7  }
0x71: {  	v6 =	vld [tilespmem:s21+$0xFFFFFFB0];
	v4 =	vshrl.u32 v4, $0x3  }
0x72: {  	v7 =	vld [tilespmem:s21+$0xFFFFFF90];
	v4 =	vshll.u32 v4, v1  }
0x73: {  	v4 =	vadd.s32 $0x3, v4  }
0x74: {  	v4 =	vbroadcast v4, $0x0;
	v3 =	vmul.f32 v3, v2  }
0x75: {  	v5 =	vmul.f32 v5, v2  }
0x76: {  	v6 =	vmul.f32 v6, v2;
	[tilespmem:s21+$0xFFFFFF80] =	vst v3  }
0x77: {  	v2 =	vmul.f32 v7, v2;
	[tilespmem:s21+$0xFFFFFFA0] =	vst v5  }
0x78: {  	[tilespmem:s21+$0xFFFFFFB0] =	vst v6  }
0x79: {  	[tilespmem:s21+$0xFFFFFF90] =	vst v2;
	v3 =	vld [tilespmem:s21+$0xFFFFFFC0]  }
0x7a: {  	s8 =	sadd.s32 $0xFFFFFFFD, s4;
	v2 =	vld.idx.msk [tilespmem:v4+s22+$0x0], $0xffff  }
0x7b: {  	v5 =	vld [tilespmem:s21+$0xFFFFFFD0];
	v4 =	vmov s8  }
0x7c: {  	v6 =	vld [tilespmem:s21+$0xFFFFFFF0];
	v4 =	vshrl.u32 v4, $0x3  }
0x7d: {  	v7 =	vld [tilespmem:s21+$0xFFFFFFE0];
	v4 =	vshll.u32 v4, v1  }
0x7e: {  	v4 =	vadd.s32 $0x4, v4  }
0x7f: {  	v4 =	vbroadcast v4, $0x0;
	v3 =	vmul.f32 v3, v2  }
0x80: {  	v5 =	vmul.f32 v5, v2  }
0x81: {  	v6 =	vmul.f32 v6, v2;
	[tilespmem:s21+$0xFFFFFFC0] =	vst v3  }
0x82: {  	v2 =	vmul.f32 v7, v2;
	[tilespmem:s21+$0xFFFFFFD0] =	vst v5  }
0x83: {  	[tilespmem:s21+$0xFFFFFFF0] =	vst v6  }
0x84: {  	[tilespmem:s21+$0xFFFFFFE0] =	vst v2;
	v3 =	vld [tilespmem:s21+$0x0]  }
0x85: {  	s9 =	sadd.s32 $0xFFFFFFFE, s4;
	v2 =	vld.idx.msk [tilespmem:v4+s22+$0x0], $0xffff  }
0x86: {  	v5 =	vmov s9;
	v4 =	vld [tilespmem:s21+$0x10]  }
0x87: {  	v6 =	vld [tilespmem:s21+$0x30];
	v5 =	vshrl.u32 v5, $0x3  }
0x88: {  	v7 =	vld [tilespmem:s21+$0x20];
	v5 =	vshll.u32 v5, v1  }
0x89: {  	v5 =	vadd.s32 $0x5, v5  }
0x8a: {  	v5 =	vbroadcast v5, $0x0;
	v3 =	vmul.f32 v3, v2  }
0x8b: {  	v4 =	vmul.f32 v4, v2  }
0x8c: {  	v6 =	vmul.f32 v6, v2;
	[tilespmem:s21+$0x0] =	vst v3  }
0x8d: {  	v2 =	vmul.f32 v7, v2;
	[tilespmem:s21+$0x10] =	vst v4  }
0x8e: {  	v8 =	vld [tilespmem:s21+$0x60];
	[tilespmem:s21+$0x30] =	vst v6  }
0x8f: {  	v3 =	vld [tilespmem:s21+$0x40];
	[tilespmem:s21+$0x20] =	vst v2  }
0x90: {  	v7 =	vld.idx.msk [tilespmem:v5+s22+$0x0], $0xffff  }
0x91: {  	s10 =	sadd.s32 $0xFFFFFFFF, s4;
	v2 =	vld [tilespmem:s21+$0x50]  }
0x92: {  	v6 =	vld [tilespmem:s21+$0x70];
	v4 =	vmov s10  }
0x93: {  	v4 =	vshrl.u32 v4, $0x3  }
0x94: {  	v5 =	vmov s4;
	v4 =	vshll.u32 v4, v1  }
0x95: {  	v5 =	vshrl.u32 v5, $0x3;
	v4 =	vadd.s32 $0x6, v4;
	v9 =	vmul.f32 v3, v7  }
0x96: {  	v10 =	vshll.u32 v5, v1;
	v3 =	vbroadcast v4, $0x0;
	v5 =	vmul.f32 v2, v7  }
0x97: {  	s6 =	simm.s32 $0x7300;
	s4 =	simm.s32 $0xF;
	v2 =	vadd.s32 $0x7, v10;
	v4 =	vmul.f32 v8, v7;
	v6 =	vmul.f32 v6, v7;
	[tilespmem:s21+$0x40] =	vst v9  }
.LBB2_5:
0x98: {  	p0 =	sne.s32 s4, $0x7F  }
0x99: {  	[tilespmem:s21+$0x50] =	vst v5;
	s6 =	sadd.s32 $0x200, s6;
	s7 =	smov.u32 s4;
	s4 =	sadd.s32 $0x8, s4  }
0x9a: {  	[tilespmem:s21+$0x70] =	vst v6;
	v5 =	vld [tilespmem:s21+$0xB0]  }
0x9b: {  	[tilespmem:s21+$0x60] =	vst v4;
	v4 =	vld [tilespmem:s21+$0x90]  }
0x9c: {  	v3 =	vld.idx.msk [tilespmem:v3+s22+$0x0], $0xffff  }
0x9d: {  	v6 =	vld [tilespmem:s21+$0x80]  }
0x9e: {  	v7 =	vld [tilespmem:s21+$0xA0];
	_ =	sdelay $0x2  }
0x9f: {  	v2 =	vbroadcast v2, $0x0  }
0xa0: {  	v4 =	vmul.f32 v4, v3;
	v6 =	vmul.f32 v6, v3  }
0xa1: {  	v7 =	vmul.f32 v7, v3;
	v3 =	vmul.f32 v5, v3  }
0xa2: {  	[tilespmem:s21+$0x90] =	vst v4  }
0xa3: {  	[tilespmem:s21+$0xA0] =	vst v7  }
0xa4: {  	[tilespmem:s21+$0x80] =	vst v6;
	v4 =	vld [tilespmem:s21+$0xC0]  }
0xa5: {  	s7 =	sadd.s32 s0, s7;
	[tilespmem:s21+$0xB0] =	vst v3;
	v3 =	vld [tilespmem:s21+$0xF0]  }
0xa6: {  	s8 =	sadd.s32 $0xFFFFFFF9, s7;
	s9 =	sadd.s32 $0xFFFFFFFA, s7;
	s10 =	sadd.s32 $0xFFFFFFFB, s7;
	v5 =	vmov s7;
	v2 =	vld.idx.msk [tilespmem:v2+s22+$0x0], $0xffff  }
0xa7: {  	v8 =	vmov s10;
	s10 =	sadd.s32 $0xFFFFFFFE, s7;
	v7 =	vmov s9;
	s9 =	sadd.s32 $0xFFFFFFFD, s7;
	v6 =	vmov s8;
	s8 =	sadd.s32 $0xFFFFFFFC, s7;
	v9 =	vld [tilespmem:s21+$0xD0]  }
0xa8: {  	v8 =	vshrl.u32 v8, $0x3;
	v7 =	vshrl.u32 v7, $0x3;
	s7 =	sadd.s32 $0xFFFFFFFF, s7;
	v6 =	vshrl.u32 v6, $0x3;
	v10 =	vld [tilespmem:s21+$0xE0]  }
0xa9: {  	v8 =	vshll.u32 v8, v1;
	v7 =	vshll.u32 v7, v1;
	v6 =	vshll.u32 v6, v1  }
0xaa: {  	v8 =	vadd.s32 $0x2, v8;
	v7 =	vadd.s32 $0x1, v7;
	v6 =	vbroadcast v6, $0x0  }
0xab: {  	v13 =	vmov s10;
	v12 =	vmov s9;
	v11 =	vmov s8  }
0xac: {  	v11 =	vshrl.u32 v11, $0x3;
	v4 =	vmul.f32 v4, v2;
	v9 =	vmul.f32 v9, v2  }
0xad: {  	v11 =	vshll.u32 v11, v1;
	v10 =	vmul.f32 v10, v2;
	v2 =	vmul.f32 v3, v2  }
0xae: {  	v11 =	vadd.s32 $0x3, v11;
	v3 =	vshrl.u32 v12, $0x3;
	v12 =	vshrl.u32 v13, $0x3;
	[tilespmem:s21+$0xC0] =	vst v4  }
0xaf: {  	v3 =	vshll.u32 v3, v1;
	v4 =	vshll.u32 v12, v1;
	v12 =	vmov s7;
	[tilespmem:s21+$0xE0] =	vst v10  }
0xb0: {  	v13 =	vadd.s32 $0x4, v3;
	v4 =	vadd.s32 $0x5, v4;
	v3 =	vshrl.u32 v12, $0x3;
	v10 =	vld [tilespmem:s6+$0xFFFFFF30];
	[tilespmem:s21+$0xF0] =	vst v2  }
0xb1: {  	v5 =	vshrl.u32 v5, $0x3;
	v2 =	vshll.u32 v3, v1;
	v12 =	vld [tilespmem:s6+$0xFFFFFF10];
	[tilespmem:s21+$0xD0] =	vst v9;
	s21 =	smov.u32 s6  }
0xb2: {  	v3 =	vadd.s32 $0x6, v2;
	v2 =	vshll.u32 v5, v1;
	v6 =	vld.idx.msk [tilespmem:v6+s22+$0x0], $0xffff  }
0xb3: {  	v2 =	vadd.s32 $0x7, v2;
	v5 =	vld [tilespmem:s6+$0xFFFFFF00]  }
0xb4: {  	v9 =	vld [tilespmem:s6+$0xFFFFFF20]  }
0xb5: {  	v7 =	vbroadcast v7, $0x0;
	_ =	sdelay $0x2  }
0xb6: {  	v12 =	vmul.f32 v12, v6;
	v5 =	vmul.f32 v5, v6  }
0xb7: {  	v9 =	vmul.f32 v9, v6;
	v6 =	vmul.f32 v10, v6  }
0xb8: {  	[tilespmem:s6+$0xFFFFFF00] =	vst v5  }
0xb9: {  	[tilespmem:s6+$0xFFFFFF10] =	vst v12  }
0xba: {  	[tilespmem:s6+$0xFFFFFF30] =	vst v6;
	v5 =	vld [tilespmem:s6+$0xFFFFFF70]  }
0xbb: {  	[tilespmem:s6+$0xFFFFFF20] =	vst v9;
	v6 =	vld [tilespmem:s6+$0xFFFFFF50]  }
0xbc: {  	v7 =	vld.idx.msk [tilespmem:v7+s22+$0x0], $0xffff  }
0xbd: {  	v9 =	vld [tilespmem:s6+$0xFFFFFF40]  }
0xbe: {  	v10 =	vld [tilespmem:s6+$0xFFFFFF60];
	_ =	sdelay $0x2  }
0xbf: {  	v8 =	vbroadcast v8, $0x0  }
0xc0: {  	v6 =	vmul.f32 v6, v7;
	v9 =	vmul.f32 v9, v7  }
0xc1: {  	v5 =	vmul.f32 v5, v7;
	v10 =	vmul.f32 v10, v7  }
0xc2: {  	[tilespmem:s6+$0xFFFFFF40] =	vst v9  }
0xc3: {  	[tilespmem:s6+$0xFFFFFF50] =	vst v6  }
0xc4: {  	[tilespmem:s6+$0xFFFFFF60] =	vst v10;
	v6 =	vld [tilespmem:s6+$0xFFFFFFB0]  }
0xc5: {  	[tilespmem:s6+$0xFFFFFF70] =	vst v5;
	v5 =	vld [tilespmem:s6+$0xFFFFFF90]  }
0xc6: {  	v7 =	vld.idx.msk [tilespmem:v8+s22+$0x0], $0xffff  }
0xc7: {  	v8 =	vld [tilespmem:s6+$0xFFFFFF80]  }
0xc8: {  	v9 =	vld [tilespmem:s6+$0xFFFFFFA0];
	_ =	sdelay $0x2  }
0xc9: {  	v10 =	vbroadcast v11, $0x0  }
0xca: {  	v5 =	vmul.f32 v5, v7;
	v8 =	vmul.f32 v8, v7  }
0xcb: {  	v6 =	vmul.f32 v6, v7;
	v9 =	vmul.f32 v9, v7  }
0xcc: {  	[tilespmem:s6+$0xFFFFFF80] =	vst v8  }
0xcd: {  	[tilespmem:s6+$0xFFFFFFA0] =	vst v9  }
0xce: {  	[tilespmem:s6+$0xFFFFFFB0] =	vst v6;
	v6 =	vld [tilespmem:s6+$0xFFFFFFF0]  }
0xcf: {  	[tilespmem:s6+$0xFFFFFF90] =	vst v5;
	v5 =	vld [tilespmem:s6+$0xFFFFFFD0]  }
0xd0: {  	v7 =	vld.idx.msk [tilespmem:v10+s22+$0x0], $0xffff  }
0xd1: {  	v8 =	vld [tilespmem:s6+$0xFFFFFFC0]  }
0xd2: {  	v9 =	vld [tilespmem:s6+$0xFFFFFFE0];
	_ =	sdelay $0x2  }
0xd3: {  	v10 =	vbroadcast v13, $0x0  }
0xd4: {  	v5 =	vmul.f32 v5, v7;
	v8 =	vmul.f32 v8, v7  }
0xd5: {  	v6 =	vmul.f32 v6, v7;
	v9 =	vmul.f32 v9, v7  }
0xd6: {  	[tilespmem:s6+$0xFFFFFFC0] =	vst v8  }
0xd7: {  	[tilespmem:s6+$0xFFFFFFD0] =	vst v5  }
0xd8: {  	[tilespmem:s6+$0xFFFFFFF0] =	vst v6;
	v5 =	vld [tilespmem:s6+$0x30]  }
0xd9: {  	[tilespmem:s6+$0xFFFFFFE0] =	vst v9;
	v6 =	vld [tilespmem:s6+$0x10]  }
0xda: {  	v7 =	vld.idx.msk [tilespmem:v10+s22+$0x0], $0xffff  }
0xdb: {  	v8 =	vld [tilespmem:s6+$0x0]  }
0xdc: {  	v9 =	vld [tilespmem:s6+$0x20];
	_ =	sdelay $0x2  }
0xdd: {  	v4 =	vbroadcast v4, $0x0  }
0xde: {  	v6 =	vmul.f32 v6, v7;
	v8 =	vmul.f32 v8, v7  }
0xdf: {  	v5 =	vmul.f32 v5, v7;
	v9 =	vmul.f32 v9, v7  }
0xe0: {  	[tilespmem:s6+$0x0] =	vst v8  }
0xe1: {  	[tilespmem:s6+$0x10] =	vst v6  }
0xe2: {  	[tilespmem:s6+$0x30] =	vst v5;
	v5 =	vld [tilespmem:s6+$0x40]  }
0xe3: {  	[tilespmem:s6+$0x20] =	vst v9;
	v6 =	vld [tilespmem:s6+$0x70]  }
0xe4: {  	v7 =	vld.idx.msk [tilespmem:v4+s22+$0x0], $0xffff  }
0xe5: {  	v4 =	vld [tilespmem:s6+$0x50]  }
0xe6: {  	v8 =	vld [tilespmem:s6+$0x60];
	_ =	sdelay $0x1  }
.Ltmp1:
0xe7: {  	(pc) =	sbr.rel @p0 .LBB2_5-.Ltmp1, $4  }
0xe8: {  	v3 =	vbroadcast v3, $0x0  }
0xe9: {  	v9 =	vmul.f32 v5, v7;
	v5 =	vmul.f32 v4, v7  }
0xea: {  	v6 =	vmul.f32 v6, v7;
	v4 =	vmul.f32 v8, v7  }
0xeb: {  	[tilespmem:s6+$0x40] =	vst v9  }
0xec: {  	_ = 	snop  }
0xed: {  	[tilespmem:s21+$0x50] =	vst v5  }
0xee: {  	[tilespmem:s21+$0x70] =	vst v6  }
0xef: {  	[tilespmem:s21+$0x60] =	vst v4;
	v4 =	vld [tilespmem:s21+$0x90]  }
0xf0: {  	v3 =	vld.idx.msk [tilespmem:v3+s22+$0x0], $0xffff  }
0xf1: {  	v5 =	vld [tilespmem:s21+$0xA0]  }
0xf2: {  	v6 =	vld [tilespmem:s21+$0x80]  }
0xf3: {  	v7 =	vld [tilespmem:s21+$0xB0];
	_ =	sdelay $0x1  }
0xf4: {  	v2 =	vbroadcast v2, $0x0;
	v4 =	vmul.f32 v4, v3  }
0xf5: {  	v5 =	vmul.f32 v5, v3  }
0xf6: {  	v6 =	vmul.f32 v6, v3;
	[tilespmem:s21+$0x90] =	vst v4  }
0xf7: {  	v3 =	vmul.f32 v7, v3;
	[tilespmem:s21+$0xA0] =	vst v5  }
0xf8: {  	[tilespmem:s21+$0x80] =	vst v6  }
0xf9: {  	v4 =	vld [tilespmem:s21+$0xC0];
	[tilespmem:s21+$0xB0] =	vst v3  }
0xfa: {  	v2 =	vld.idx.msk [tilespmem:v2+s22+$0x0], $0xffff  }
0xfb: {  	v3 =	vld [tilespmem:s21+$0xE0]  }
0xfc: {  	v5 =	vld [tilespmem:s21+$0xF0]  }
0xfd: {  	s0 =	sor.u32 $0x80, s0;
	v6 =	vld [tilespmem:s21+$0xD0]  }
0xfe: {  	s4 =	sadd.s32 $0x7, s0  }
0xff: {  	s6 =	sadd.s32 $0xFFFFFFF9, s4;
	v4 =	vmul.f32 v4, v2  }
0x100: {  	v7 =	vmov s6;
	v3 =	vmul.f32 v3, v2  }
0x101: {  	v5 =	vmul.f32 v5, v2;
	[tilespmem:s21+$0xC0] =	vst v4;
	v4 =	vshrl.u32 v7, $0x3  }
0x102: {  	s8 =	sshll.u32 s31, $0xA;
	v2 =	vmul.f32 v6, v2;
	[tilespmem:s21+$0xE0] =	vst v3;
	v3 =	vshll.u32 v4, v1  }
0x103: {  	s6 =	sshra.s32 s8, $0x2;
	[tilespmem:s21+$0xF0] =	vst v5;
	v3 =	vbroadcast v3, $0x0  }
0x104: {  	s6 =	sadd.s32 $0x2600, s6;
	[tilespmem:s21+$0xD0] =	vst v2  }
0x105: {  	[spmem:s2] =	stream.indirect.scatter.add.f32 [tilespmem:s19], [sflag:$0x3], $0x40, s6, s23, $0xb8;
	[tilespmem:$0x1B200] =	vst v63  }
0x106: {  	_ =	swait.ge [sflag:s28], $0x2000  }
0x107: {  	[sflag:s28] =	ssyncset.done $0x0  }
0x108: {  	[sflag:s28] =	ssyncadd.s32 $0xFFFFE000  }
0x109: {  	s21 =	simm.s32 $0x9300;
	v2 =	vld.idx.msk [tilespmem:v3+s22+$0x0], $0xffff  }
0x10a: {  	s9 =	sadd.s32 $0xFFFFFFFA, s4;
	v3 =	vld [tilespmem:s21+$0xFFFFFF00]  }
0x10b: {  	v4 =	vmov s9;
	v5 =	vld [tilespmem:s21+$0xFFFFFF10]  }
0x10c: {  	v4 =	vshrl.u32 v4, $0x3;
	v6 =	vld [tilespmem:s21+$0xFFFFFF30]  }
0x10d: {  	v4 =	vshll.u32 v4, v1;
	v7 =	vld [tilespmem:s21+$0xFFFFFF20]  }
0x10e: {  	v4 =	vadd.s32 $0x1, v4  }
0x10f: {  	v4 =	vbroadcast v4, $0x0;
	v3 =	vmul.f32 v3, v2  }
0x110: {  	v5 =	vmul.f32 v5, v2  }
0x111: {  	v6 =	vmul.f32 v6, v2;
	[tilespmem:s21+$0xFFFFFF00] =	vst v3  }
0x112: {  	v2 =	vmul.f32 v7, v2;
	[tilespmem:s21+$0xFFFFFF10] =	vst v5  }
0x113: {  	[tilespmem:s21+$0xFFFFFF30] =	vst v6  }
0x114: {  	[tilespmem:s21+$0xFFFFFF20] =	vst v2;
	v3 =	vld [tilespmem:s21+$0xFFFFFF40]  }
0x115: {  	s10 =	sadd.s32 $0xFFFFFFFB, s4;
	v2 =	vld.idx.msk [tilespmem:v4+s22+$0x0], $0xffff  }
0x116: {  	v5 =	vld [tilespmem:s21+$0xFFFFFF50];
	v4 =	vmov s10  }
0x117: {  	v6 =	vld [tilespmem:s21+$0xFFFFFF60];
	v4 =	vshrl.u32 v4, $0x3  }
0x118: {  	v7 =	vld [tilespmem:s21+$0xFFFFFF70];
	v4 =	vshll.u32 v4, v1  }
0x119: {  	v4 =	vadd.s32 $0x2, v4  }
0x11a: {  	v4 =	vbroadcast v4, $0x0;
	v3 =	vmul.f32 v3, v2  }
0x11b: {  	v5 =	vmul.f32 v5, v2  }
0x11c: {  	v6 =	vmul.f32 v6, v2;
	[tilespmem:s21+$0xFFFFFF40] =	vst v3  }
0x11d: {  	v2 =	vmul.f32 v7, v2;
	[tilespmem:s21+$0xFFFFFF50] =	vst v5  }
0x11e: {  	[tilespmem:s21+$0xFFFFFF60] =	vst v6  }
0x11f: {  	[tilespmem:s21+$0xFFFFFF70] =	vst v2;
	v3 =	vld [tilespmem:s21+$0xFFFFFF80]  }
0x120: {  	s7 =	sadd.s32 $0xFFFFFFFC, s4;
	v2 =	vld.idx.msk [tilespmem:v4+s22+$0x0], $0xffff  }
0x121: {  	v5 =	vld [tilespmem:s21+$0xFFFFFFA0];
	v4 =	vmov s7  }
0x122: {  	v6 =	vld [tilespmem:s21+$0xFFFFFFB0];
	v4 =	vshrl.u32 v4, $0x3  }
0x123: {  	v7 =	vld [tilespmem:s21+$0xFFFFFF90];
	v4 =	vshll.u32 v4, v1  }
0x124: {  	v4 =	vadd.s32 $0x3, v4  }
0x125: {  	v4 =	vbroadcast v4, $0x0;
	v3 =	vmul.f32 v3, v2  }
0x126: {  	v5 =	vmul.f32 v5, v2  }
0x127: {  	v6 =	vmul.f32 v6, v2;
	[tilespmem:s21+$0xFFFFFF80] =	vst v3  }
0x128: {  	v2 =	vmul.f32 v7, v2;
	[tilespmem:s21+$0xFFFFFFA0] =	vst v5  }
0x129: {  	[tilespmem:s21+$0xFFFFFFB0] =	vst v6  }
0x12a: {  	[tilespmem:s21+$0xFFFFFF90] =	vst v2;
	v3 =	vld [tilespmem:s21+$0xFFFFFFC0]  }
0x12b: {  	s8 =	sadd.s32 $0xFFFFFFFD, s4;
	v2 =	vld.idx.msk [tilespmem:v4+s22+$0x0], $0xffff  }
0x12c: {  	v5 =	vld [tilespmem:s21+$0xFFFFFFD0];
	v4 =	vmov s8  }
0x12d: {  	v6 =	vld [tilespmem:s21+$0xFFFFFFF0];
	v4 =	vshrl.u32 v4, $0x3  }
0x12e: {  	v7 =	vld [tilespmem:s21+$0xFFFFFFE0];
	v4 =	vshll.u32 v4, v1  }
0x12f: {  	v4 =	vadd.s32 $0x4, v4  }
0x130: {  	v4 =	vbroadcast v4, $0x0;
	v3 =	vmul.f32 v3, v2  }
0x131: {  	v5 =	vmul.f32 v5, v2  }
0x132: {  	v6 =	vmul.f32 v6, v2;
	[tilespmem:s21+$0xFFFFFFC0] =	vst v3  }
0x133: {  	v2 =	vmul.f32 v7, v2;
	[tilespmem:s21+$0xFFFFFFD0] =	vst v5  }
0x134: {  	[tilespmem:s21+$0xFFFFFFF0] =	vst v6  }
0x135: {  	[tilespmem:s21+$0xFFFFFFE0] =	vst v2;
	v3 =	vld [tilespmem:s21+$0x0]  }
0x136: {  	s9 =	sadd.s32 $0xFFFFFFFE, s4;
	v2 =	vld.idx.msk [tilespmem:v4+s22+$0x0], $0xffff  }
0x137: {  	v5 =	vmov s9;
	v4 =	vld [tilespmem:s21+$0x10]  }
0x138: {  	v6 =	vld [tilespmem:s21+$0x30];
	v5 =	vshrl.u32 v5, $0x3  }
0x139: {  	v7 =	vld [tilespmem:s21+$0x20];
	v5 =	vshll.u32 v5, v1  }
0x13a: {  	v5 =	vadd.s32 $0x5, v5  }
0x13b: {  	v5 =	vbroadcast v5, $0x0;
	v3 =	vmul.f32 v3, v2  }
0x13c: {  	v4 =	vmul.f32 v4, v2  }
0x13d: {  	v6 =	vmul.f32 v6, v2;
	[tilespmem:s21+$0x0] =	vst v3  }
0x13e: {  	v2 =	vmul.f32 v7, v2;
	[tilespmem:s21+$0x10] =	vst v4  }
0x13f: {  	v8 =	vld [tilespmem:s21+$0x60];
	[tilespmem:s21+$0x30] =	vst v6  }
0x140: {  	v3 =	vld [tilespmem:s21+$0x40];
	[tilespmem:s21+$0x20] =	vst v2  }
0x141: {  	v7 =	vld.idx.msk [tilespmem:v5+s22+$0x0], $0xffff  }
0x142: {  	s10 =	sadd.s32 $0xFFFFFFFF, s4;
	v2 =	vld [tilespmem:s21+$0x50]  }
0x143: {  	v6 =	vld [tilespmem:s21+$0x70];
	v4 =	vmov s10  }
0x144: {  	v4 =	vshrl.u32 v4, $0x3  }
0x145: {  	v5 =	vmov s4;
	v4 =	vshll.u32 v4, v1  }
0x146: {  	v5 =	vshrl.u32 v5, $0x3;
	v4 =	vadd.s32 $0x6, v4;
	v9 =	vmul.f32 v3, v7  }
0x147: {  	v10 =	vshll.u32 v5, v1;
	v3 =	vbroadcast v4, $0x0;
	v5 =	vmul.f32 v2, v7  }
0x148: {  	s6 =	simm.s32 $0x9300;
	s4 =	simm.s32 $0xF;
	v2 =	vadd.s32 $0x7, v10;
	v4 =	vmul.f32 v8, v7;
	v6 =	vmul.f32 v6, v7;
	[tilespmem:s21+$0x40] =	vst v9  }
.LBB2_7:
0x149: {  	p0 =	sne.s32 s4, $0x7F  }
0x14a: {  	[tilespmem:s21+$0x50] =	vst v5;
	s6 =	sadd.s32 $0x200, s6;
	s7 =	smov.u32 s4;
	s4 =	sadd.s32 $0x8, s4  }
0x14b: {  	[tilespmem:s21+$0x70] =	vst v6;
	v5 =	vld [tilespmem:s21+$0xB0]  }
0x14c: {  	[tilespmem:s21+$0x60] =	vst v4;
	v4 =	vld [tilespmem:s21+$0x90]  }
0x14d: {  	v3 =	vld.idx.msk [tilespmem:v3+s22+$0x0], $0xffff  }
0x14e: {  	v6 =	vld [tilespmem:s21+$0x80]  }
0x14f: {  	v7 =	vld [tilespmem:s21+$0xA0];
	_ =	sdelay $0x2  }
0x150: {  	v2 =	vbroadcast v2, $0x0  }
0x151: {  	v4 =	vmul.f32 v4, v3;
	v6 =	vmul.f32 v6, v3  }
0x152: {  	v7 =	vmul.f32 v7, v3;
	v3 =	vmul.f32 v5, v3  }
0x153: {  	[tilespmem:s21+$0x90] =	vst v4  }
0x154: {  	[tilespmem:s21+$0xA0] =	vst v7  }
0x155: {  	[tilespmem:s21+$0x80] =	vst v6;
	v4 =	vld [tilespmem:s21+$0xC0]  }
0x156: {  	s7 =	sadd.s32 s0, s7;
	[tilespmem:s21+$0xB0] =	vst v3;
	v3 =	vld [tilespmem:s21+$0xF0]  }
0x157: {  	s8 =	sadd.s32 $0xFFFFFFF9, s7;
	s9 =	sadd.s32 $0xFFFFFFFA, s7;
	s10 =	sadd.s32 $0xFFFFFFFB, s7;
	v5 =	vmov s7;
	v2 =	vld.idx.msk [tilespmem:v2+s22+$0x0], $0xffff  }
0x158: {  	v8 =	vmov s10;
	s10 =	sadd.s32 $0xFFFFFFFE, s7;
	v7 =	vmov s9;
	s9 =	sadd.s32 $0xFFFFFFFD, s7;
	v6 =	vmov s8;
	s8 =	sadd.s32 $0xFFFFFFFC, s7;
	v9 =	vld [tilespmem:s21+$0xD0]  }
0x159: {  	v8 =	vshrl.u32 v8, $0x3;
	v7 =	vshrl.u32 v7, $0x3;
	s7 =	sadd.s32 $0xFFFFFFFF, s7;
	v6 =	vshrl.u32 v6, $0x3;
	v10 =	vld [tilespmem:s21+$0xE0]  }
0x15a: {  	v8 =	vshll.u32 v8, v1;
	v7 =	vshll.u32 v7, v1;
	v6 =	vshll.u32 v6, v1  }
0x15b: {  	v8 =	vadd.s32 $0x2, v8;
	v7 =	vadd.s32 $0x1, v7;
	v6 =	vbroadcast v6, $0x0  }
0x15c: {  	v13 =	vmov s10;
	v12 =	vmov s9;
	v11 =	vmov s8  }
0x15d: {  	v11 =	vshrl.u32 v11, $0x3;
	v4 =	vmul.f32 v4, v2;
	v9 =	vmul.f32 v9, v2  }
0x15e: {  	v11 =	vshll.u32 v11, v1;
	v10 =	vmul.f32 v10, v2;
	v2 =	vmul.f32 v3, v2  }
0x15f: {  	v11 =	vadd.s32 $0x3, v11;
	v3 =	vshrl.u32 v12, $0x3;
	v12 =	vshrl.u32 v13, $0x3;
	[tilespmem:s21+$0xC0] =	vst v4  }
0x160: {  	v3 =	vshll.u32 v3, v1;
	v4 =	vshll.u32 v12, v1;
	v12 =	vmov s7;
	[tilespmem:s21+$0xE0] =	vst v10  }
0x161: {  	v13 =	vadd.s32 $0x4, v3;
	v4 =	vadd.s32 $0x5, v4;
	v3 =	vshrl.u32 v12, $0x3;
	v10 =	vld [tilespmem:s6+$0xFFFFFF30];
	[tilespmem:s21+$0xF0] =	vst v2  }
0x162: {  	v5 =	vshrl.u32 v5, $0x3;
	v2 =	vshll.u32 v3, v1;
	v12 =	vld [tilespmem:s6+$0xFFFFFF10];
	[tilespmem:s21+$0xD0] =	vst v9;
	s21 =	smov.u32 s6  }
0x163: {  	v3 =	vadd.s32 $0x6, v2;
	v2 =	vshll.u32 v5, v1;
	v6 =	vld.idx.msk [tilespmem:v6+s22+$0x0], $0xffff  }
0x164: {  	v2 =	vadd.s32 $0x7, v2;
	v5 =	vld [tilespmem:s6+$0xFFFFFF00]  }
0x165: {  	v9 =	vld [tilespmem:s6+$0xFFFFFF20]  }
0x166: {  	v7 =	vbroadcast v7, $0x0;
	_ =	sdelay $0x2  }
0x167: {  	v12 =	vmul.f32 v12, v6;
	v5 =	vmul.f32 v5, v6  }
0x168: {  	v9 =	vmul.f32 v9, v6;
	v6 =	vmul.f32 v10, v6  }
0x169: {  	[tilespmem:s6+$0xFFFFFF00] =	vst v5  }
0x16a: {  	[tilespmem:s6+$0xFFFFFF10] =	vst v12  }
0x16b: {  	[tilespmem:s6+$0xFFFFFF30] =	vst v6;
	v5 =	vld [tilespmem:s6+$0xFFFFFF70]  }
0x16c: {  	[tilespmem:s6+$0xFFFFFF20] =	vst v9;
	v6 =	vld [tilespmem:s6+$0xFFFFFF50]  }
0x16d: {  	v7 =	vld.idx.msk [tilespmem:v7+s22+$0x0], $0xffff  }
0x16e: {  	v9 =	vld [tilespmem:s6+$0xFFFFFF40]  }
0x16f: {  	v10 =	vld [tilespmem:s6+$0xFFFFFF60];
	_ =	sdelay $0x2  }
0x170: {  	v8 =	vbroadcast v8, $0x0  }
0x171: {  	v6 =	vmul.f32 v6, v7;
	v9 =	vmul.f32 v9, v7  }
0x172: {  	v5 =	vmul.f32 v5, v7;
	v10 =	vmul.f32 v10, v7  }
0x173: {  	[tilespmem:s6+$0xFFFFFF40] =	vst v9  }
0x174: {  	[tilespmem:s6+$0xFFFFFF50] =	vst v6  }
0x175: {  	[tilespmem:s6+$0xFFFFFF60] =	vst v10;
	v6 =	vld [tilespmem:s6+$0xFFFFFFB0]  }
0x176: {  	[tilespmem:s6+$0xFFFFFF70] =	vst v5;
	v5 =	vld [tilespmem:s6+$0xFFFFFF90]  }
0x177: {  	v7 =	vld.idx.msk [tilespmem:v8+s22+$0x0], $0xffff  }
0x178: {  	v8 =	vld [tilespmem:s6+$0xFFFFFF80]  }
0x179: {  	v9 =	vld [tilespmem:s6+$0xFFFFFFA0];
	_ =	sdelay $0x2  }
0x17a: {  	v10 =	vbroadcast v11, $0x0  }
0x17b: {  	v5 =	vmul.f32 v5, v7;
	v8 =	vmul.f32 v8, v7  }
0x17c: {  	v6 =	vmul.f32 v6, v7;
	v9 =	vmul.f32 v9, v7  }
0x17d: {  	[tilespmem:s6+$0xFFFFFF80] =	vst v8  }
0x17e: {  	[tilespmem:s6+$0xFFFFFFA0] =	vst v9  }
0x17f: {  	[tilespmem:s6+$0xFFFFFFB0] =	vst v6;
	v6 =	vld [tilespmem:s6+$0xFFFFFFF0]  }
0x180: {  	[tilespmem:s6+$0xFFFFFF90] =	vst v5;
	v5 =	vld [tilespmem:s6+$0xFFFFFFD0]  }
0x181: {  	v7 =	vld.idx.msk [tilespmem:v10+s22+$0x0], $0xffff  }
0x182: {  	v8 =	vld [tilespmem:s6+$0xFFFFFFC0]  }
0x183: {  	v9 =	vld [tilespmem:s6+$0xFFFFFFE0];
	_ =	sdelay $0x2  }
0x184: {  	v10 =	vbroadcast v13, $0x0  }
0x185: {  	v5 =	vmul.f32 v5, v7;
	v8 =	vmul.f32 v8, v7  }
0x186: {  	v6 =	vmul.f32 v6, v7;
	v9 =	vmul.f32 v9, v7  }
0x187: {  	[tilespmem:s6+$0xFFFFFFC0] =	vst v8  }
0x188: {  	[tilespmem:s6+$0xFFFFFFD0] =	vst v5  }
0x189: {  	[tilespmem:s6+$0xFFFFFFF0] =	vst v6;
	v5 =	vld [tilespmem:s6+$0x30]  }
0x18a: {  	[tilespmem:s6+$0xFFFFFFE0] =	vst v9;
	v6 =	vld [tilespmem:s6+$0x10]  }
0x18b: {  	v7 =	vld.idx.msk [tilespmem:v10+s22+$0x0], $0xffff  }
0x18c: {  	v8 =	vld [tilespmem:s6+$0x0]  }
0x18d: {  	v9 =	vld [tilespmem:s6+$0x20];
	_ =	sdelay $0x2  }
0x18e: {  	v4 =	vbroadcast v4, $0x0  }
0x18f: {  	v6 =	vmul.f32 v6, v7;
	v8 =	vmul.f32 v8, v7  }
0x190: {  	v5 =	vmul.f32 v5, v7;
	v9 =	vmul.f32 v9, v7  }
0x191: {  	[tilespmem:s6+$0x0] =	vst v8  }
0x192: {  	[tilespmem:s6+$0x10] =	vst v6  }
0x193: {  	[tilespmem:s6+$0x30] =	vst v5;
	v5 =	vld [tilespmem:s6+$0x40]  }
0x194: {  	[tilespmem:s6+$0x20] =	vst v9;
	v6 =	vld [tilespmem:s6+$0x70]  }
0x195: {  	v7 =	vld.idx.msk [tilespmem:v4+s22+$0x0], $0xffff  }
0x196: {  	v4 =	vld [tilespmem:s6+$0x50]  }
0x197: {  	v8 =	vld [tilespmem:s6+$0x60];
	_ =	sdelay $0x1  }
.Ltmp2:
0x198: {  	(pc) =	sbr.rel @p0 .LBB2_7-.Ltmp2, $4  }
0x199: {  	v3 =	vbroadcast v3, $0x0  }
0x19a: {  	v9 =	vmul.f32 v5, v7;
	v5 =	vmul.f32 v4, v7  }
0x19b: {  	v6 =	vmul.f32 v6, v7;
	v4 =	vmul.f32 v8, v7  }
0x19c: {  	[tilespmem:s6+$0x40] =	vst v9  }
0x19d: {  	_ = 	snop  }
0x19e: {  	[tilespmem:s21+$0x50] =	vst v5  }
0x19f: {  	[tilespmem:s21+$0x70] =	vst v6  }
0x1a0: {  	[tilespmem:s21+$0x60] =	vst v4;
	v58 =	vld [tilespmem:s21+$0x90]  }
0x1a1: {  	v3 =	vld.idx.msk [tilespmem:v3+s22+$0x0], $0xffff  }
0x1a2: {  	v59 =	vld [tilespmem:s21+$0xA0]  }
0x1a3: {  	v60 =	vld [tilespmem:s21+$0x80]  }
0x1a4: {  	v7 =	vld [tilespmem:s21+$0xB0];
	_ =	sdelay $0x1  }
0x1a5: {  	v2 =	vbroadcast v2, $0x0;
	v4 =	vmul.f32 v58, v3  }
0x1a6: {  	v5 =	vmul.f32 v59, v3  }
0x1a7: {  	v6 =	vmul.f32 v60, v3;
	[tilespmem:s21+$0x90] =	vst v4  }
0x1a8: {  	v3 =	vmul.f32 v7, v3;
	[tilespmem:s21+$0xA0] =	vst v5  }
0x1a9: {  	[tilespmem:s21+$0x80] =	vst v6  }
0x1aa: {  	v61 =	vld [tilespmem:s21+$0xC0];
	[tilespmem:s21+$0xB0] =	vst v3  }
0x1ab: {  	v2 =	vld.idx.msk [tilespmem:v2+s22+$0x0], $0xffff  }
0x1ac: {  	v3 =	vld [tilespmem:s21+$0xE0]  }
0x1ad: {  	v62 =	vld [tilespmem:s21+$0xF0]  }
0x1ae: {  	v63 =	vld [tilespmem:s21+$0xD0];
	_ =	sdelay $0x1  }
0x1af: {  	v4 =	vmul.f32 v61, v2  }
0x1b0: {  	v3 =	vmul.f32 v3, v2  }
0x1b1: {  	v5 =	vmul.f32 v62, v2;
	[tilespmem:s21+$0xC0] =	vst v4  }
0x1b2: {  	v2 =	vmul.f32 v63, v2;
	[tilespmem:s21+$0xE0] =	vst v3  }
0x1b3: {  	[tilespmem:s21+$0xF0] =	vst v5  }
0x1b4: {  	s4 =	sshll.u32 s31, $0x1;
	s0 =	sadd.s32 $0x2600, s0;
	[tilespmem:s21+$0xD0] =	vst v2  }
0x1b5: {  	[spmem:s2] =	stream.indirect.scatter.add.f32 [tilespmem:s25], [sflag:$0x4], $0x40, s0, s23, $0xb8;
	[tilespmem:$0x1B200] =	vst v63  }
0x1b6: {  	s0 =	sadd.s32 $0x2, s4  }
0x1b7: {  	s6 =	smov.u32 s16;
	p0 =	slt.s32 s0, s16  }
0x1b8: {  	_ =	swait.ge [sflag:s29], $0x2000;
	s6 =	smov.u32 @p0 s0  }
0x1b9: {  	[sflag:s29] =	ssyncset.done $0x0;
	s0 =	sshll.u32 s6, $0x9  }
0x1ba: {  	[sflag:s29] =	ssyncadd.s32 $0xFFFFE000;
	s0 =	sshra.s32 s0, $0x2  }
0x1bb: {  	[tilespmem:s19], [sflag:$0x1] =	stream.indirect.gather [hbm4b:s1+s23], $0x40, s0, s23, $0xb8;
	[tilespmem:$0x1B200] =	vst v63  }
0x1bc: {  	s0 =	sadd.s32 $0x3, s4  }
0x1bd: {  	s31 =	sadd.s32 $0x1, s31;
	s4 =	smov.u32 s16;
	p0 =	slt.s32 s0, s16  }
0x1be: {  	s4 =	smov.u32 @p0 s0;
	p0 =	sne.s32 s31, s17  }
.Ltmp3:
0x1bf: {  	_ = 	snop;
	(pc) =	sbr.rel @p0 .LBB2_4-.Ltmp3, $4  }
0x1c0: {  	_ =	swait.ge [sflag:s30], $0x2000  }
0x1c1: {  	[sflag:s30] =	ssyncset.done $0x0;
	s0 =	sshll.u32 s4, $0x9  }
0x1c2: {  	[sflag:s30] =	ssyncadd.s32 $0xFFFFE000;
	s0 =	sshra.s32 s0, $0x2  }
0x1c3: {  	[tilespmem:s25], [sflag:$0x2] =	stream.indirect.gather [hbm4b:s1+s23], $0x40, s0, s23, $0xb8;
	[tilespmem:$0x1B200] =	vst v63  }
0x1c4: {  	_ =	swait.ge [sflag:s26], $0x2000  }
0x1c5: {  	[sflag:s26] =	ssyncset.done $0x0  }
0x1c6: {  	[sflag:s26] =	ssyncadd.s32 $0xFFFFE000  }
0x1c7: {  	s0 =	stileid.u32;
	_ =	swait.ge [sflag:s28], $0x2000  }
0x1c8: {  	s4 =	sshrl.u32 s5, $0x3;
	s3 =	sadd.s32 $0x1, s3;
	[sflag:s28] =	ssyncset.done $0x0  }
0x1c9: {  	s0 =	sshll.u32 s0, $0x6;
	p0 =	sne.s32 s3, s18;
	[sflag:s28] =	ssyncadd.s32 $0xFFFFE000  }
.Ltmp4:
0x1ca: {  	s0 =	sor.u32 $0x1C05, s0;
	[bflag:$0x0] =	sbarrier.arrive $0xFFFF;
	(pc) =	sbr.rel @p0 .LBB2_1-.Ltmp4, $4  }
0x1cb: {  	[hbm:s24], [sflag:s0] =	dma.local [spmem:s4], $0x2000  }
0x1cc: {  	_ =	swait.ge [sflag:s20], $0x2000  }
0x1cd: {  	[sflag:s20] =	ssyncset.done $0x0  }
0x1ce: {  	[sflag:s20] =	ssyncadd.s32 $0xFFFFE000  }
0x1cf: {  	_ =	sfence.sel $0x180000  }
0x1d0: {  	[bflag:$0x0] =	sbarrier.arrive $0xFFFF  }
0x1d1: {  	_ =	strace $0x90000047  }
0x1d2: {  	s0 =	stileid.u32;
	[bflag:$0x2] =	sbarrier.arrive $0xFFFF  }
0x1d3: {  	p0 =	sne.s32 s0, $0x0;
	s0 =	rddreg [dreg:$0x3]  }
0x1d4: {  	s0 =	sadd.s32 @!p0 $0x100000, s0  }
0x1d5: {  	[sflag:s0] =	ssyncadd.tile.s32 @!p0 $0x1;
	_ =	shalt  }
.Lfunc_end2:
_tile_overlayer_lowered:
.L_overlay_start_2:
0x1d6: {  	(tag) =	ssettag $0x2  }
0x1d7: {  	s0 =	rddreg [dreg:$0x0];
	s2 =	stileid.u32  }
0x1d8: {  	s1 =	rddreg [dreg:$0x1];
	p0 =	sne.s32 s2, $0x0  }
0x1d9: {  	s3 =	rddreg [dreg:$0x2];
	[bflag:$0x3] =	sbarrier.arrive $0xFFFF;
	s2 =	simm.s32 @!p0 $0x1C05  }
0x1da: {  	[timem:s3], [sflag:s2] =	dma.local @!p0 [hbm:s0], s1  }
0x1db: {  	s0 =	simm.s32 @!p0 $0x5  }
0x1dc: {  	_ =	swait.ge @!p0 [sflag:s0], s1  }
0x1dd: {  	s1 =	ssub.s32 @!p0 $0x0, s1;
	[sflag:s0] =	ssyncset.done @!p0 $0x0  }
0x1de: {  	[sflag:s0] =	ssyncadd.s32 @!p0 s1  }
0x1df: {  	[bflag:$0x3] =	sbarrier.arrive $0xFFFF  }
0x1e0: {  	_ =	shalt  }

</sc_bundles>
